<compile_context>
chip_gen: v7x
topology: tpu7x:2x2x1
jax: 0.10.2.dev20260603
libtpu: 0.0.44.dev20260713+nightly
codegen_flags: <defaults>
</compile_context>

<pallas_src>
import functools

import jax
import jax.numpy as jnp
from jax import lax
from jax.experimental import pallas as pl
from jax.experimental.pallas import tpu as pltpu
from jax.experimental.pallas import tpu_sc as plsc

N_NODES = 10000
N_EDGES = 320000
DIM = 128
R_DIM = 16

NC = 2
NS = 16
NW = NC * NS
EPW = N_EDGES // NW
W = 80
NCHUNK = EPW // W
N_PAD = 10240
RPT = N_PAD // NS


def _node_tables_body(h_ref, wm_ref, lin_ref, attn_ref, p_ref, st_ref):
    hi = jax.lax.Precision.HIGHEST
    mm = functools.partial(jnp.matmul, precision=hi)
    x = h_ref[...]
    wm0 = wm_ref[0]
    wm1 = wm_ref[1]
    lw = lin_ref[...]
    wpt = jnp.concatenate(
        [
            mm(wm0.T, lw[:, 0:128].T),
            mm(wm1.T, lw[:, 128:256].T),
            mm(wm0.T, lw[:, 256:384].T) + mm(wm1.T, lw[:, 384:512].T),
        ],
        axis=1,
    )
    p_ref[...] = mm(x, wpt)
    aw = attn_ref[...]
    a1 = aw[0, :128]
    a2 = aw[0, 128:]
    z = jnp.zeros((DIM,), jnp.float32)
    wsc = jnp.stack(
        [mm(a1, wm0), mm(a1, wm1), mm(a2, wm0), mm(a2, wm1), z, z, z, z],
        axis=1,
    )
    st_ref[...] = mm(x, wsc)


def _node_tables(h, Wm, lin_w, attn_w):
    blk = 1000
    grid = N_NODES // blk
    return pl.pallas_call(
        _node_tables_body,
        grid=(grid,),
        in_specs=[
            pl.BlockSpec((blk, DIM), lambda i: (i, 0)),
            pl.BlockSpec((2, DIM, DIM), lambda i: (0, 0, 0)),
            pl.BlockSpec((DIM, 4 * DIM), lambda i: (0, 0)),
            pl.BlockSpec((1, 2 * DIM), lambda i: (0, 0)),
        ],
        out_specs=[
            pl.BlockSpec((blk, 3 * DIM), lambda i: (i, 0)),
            pl.BlockSpec((blk, 8), lambda i: (i, 0)),
        ],
        out_shape=[
            jax.ShapeDtypeStruct((N_NODES, 3 * DIM), jnp.float32),
            jax.ShapeDtypeStruct((N_NODES, 8), jnp.float32),
        ],
    )(h, Wm, lin_w, attn_w)


def _rel_alpha_body(r_ref, wr_ref, bm1_ref, wm2_ref, bm2_ref, out_ref):
    r = r_ref[...]
    t = lax.dot_general(r, wr_ref[...], (((1,), (1,)), ((), ())),
                        precision=jax.lax.Precision.HIGHEST)
    t = jnp.maximum(t + bm1_ref[...][None, :], 0.0)
    sc = jnp.sum(t * wm2_ref[...], axis=1, keepdims=True)
    out_ref[...] = jnp.exp(sc + bm2_ref[0])


def _rel_alpha(r_ij, Wr, bm1, Wm2, bm2):
    blk = 2560
    grid = N_EDGES // blk
    return pl.pallas_call(
        _rel_alpha_body,
        grid=(grid,),
        in_specs=[
            pl.BlockSpec((blk, R_DIM), lambda i: (i, 0)),
            pl.BlockSpec((DIM, R_DIM), lambda i: (0, 0)),
            pl.BlockSpec((DIM,), lambda i: (0,)),
            pl.BlockSpec((1, DIM), lambda i: (0, 0)),
            pl.BlockSpec((1,), lambda i: (0,)),
        ],
        out_specs=pl.BlockSpec((blk, 1), lambda i: (i, 0)),
        out_shape=jax.ShapeDtypeStruct((N_EDGES, 1), jnp.float32),
    )(r_ij, Wr, bm1, Wm2, bm2)


def _sc_pass1_body(src_hbm, dst_hbm, rel_hbm, st_hbm,
                   a0_out, a1_out, den_out,
                   src_v, dst_v, rel_v, tbl_v, a0_v, a1_v,
                   idx_v, val_v, bounce_v,
                   den0_sh, den1_sh, denr_sh):
    c = lax.axis_index("c")
    s = lax.axis_index("s")
    wid = c * NS + s
    base = wid * EPW

    def zb(i, _):
        bounce_v[pl.ds(i * 16, 16)] = jnp.zeros((16,), jnp.float32)
        return _
    lax.fori_loop(0, RPT // 16, zb, None)
    pltpu.sync_copy(bounce_v, den0_sh.at[pl.ds(s * RPT, RPT)])
    pltpu.sync_copy(bounce_v, den1_sh.at[pl.ds(s * RPT, RPT)])
    pltpu.sync_copy(bounce_v, denr_sh.at[pl.ds(s * RPT, RPT)])
    plsc.subcore_barrier()

    pltpu.sync_copy(src_hbm.at[pl.ds(base, EPW)], src_v)
    pltpu.sync_copy(dst_hbm.at[pl.ds(base, EPW)], dst_v)
    pltpu.sync_copy(rel_hbm.at[pl.ds(base, EPW)], rel_v)
    pltpu.sync_copy(st_hbm, tbl_v)

    def comp(g, _):
        sl = pl.ds(g * 16, 16)
        si = src_v[sl]
        di = dst_v[sl]
        si4 = si * 4
        di4 = di * 4
        s10 = plsc.load_gather(tbl_v, [si4])
        s11 = plsc.load_gather(tbl_v, [si4 + 1])
        s20 = plsc.load_gather(tbl_v, [di4 + 2])
        s21 = plsc.load_gather(tbl_v, [di4 + 3])
        x0 = s10 + s20
        x1 = s11 + s21
        a0_v[sl] = jnp.exp(jnp.where(x0 >= 0.0, x0, 0.2 * x0))
        a1_v[sl] = jnp.exp(jnp.where(x1 >= 0.0, x1, 0.2 * x1))
        return _
    lax.fori_loop(0, EPW // 16, comp, None)

    pltpu.sync_copy(a0_v, a0_out.at[pl.ds(base, EPW)])
    pltpu.sync_copy(a1_v, a1_out.at[pl.ds(base, EPW)])

    def chunk(ci, _):
        off = ci * W
        for i in range(W // 16):
            idx_v[pl.ds(i * 16, 16)] = dst_v[pl.ds(off + i * 16, 16)]
        for i in range(W // 16):
            val_v[pl.ds(i * 16, 16)] = a0_v[pl.ds(off + i * 16, 16)]
        pltpu.sync_copy(val_v, den0_sh.at[idx_v], add=True)
        for i in range(W // 16):
            val_v[pl.ds(i * 16, 16)] = a1_v[pl.ds(off + i * 16, 16)]
        pltpu.sync_copy(val_v, den1_sh.at[idx_v], add=True)
        for i in range(W // 16):
            val_v[pl.ds(i * 16, 16)] = rel_v[pl.ds(off + i * 16, 16)]
        pltpu.sync_copy(val_v, denr_sh.at[idx_v], add=True)
        return _
    lax.fori_loop(0, NCHUNK, chunk, None)

    plsc.subcore_barrier()

    dbase = c * (3 * N_PAD) + s * RPT
    pltpu.sync_copy(den0_sh.at[pl.ds(s * RPT, RPT)], bounce_v)
    pltpu.sync_copy(bounce_v, den_out.at[pl.ds(dbase, RPT)])
    pltpu.sync_copy(den1_sh.at[pl.ds(s * RPT, RPT)], bounce_v)
    pltpu.sync_copy(bounce_v, den_out.at[pl.ds(dbase + N_PAD, RPT)])
    pltpu.sync_copy(denr_sh.at[pl.ds(s * RPT, RPT)], bounce_v)
    pltpu.sync_copy(bounce_v, den_out.at[pl.ds(dbase + 2 * N_PAD, RPT)])


def _sc_pass1(src, dst, rel, st_flat):
    mesh = plsc.VectorSubcoreMesh(core_axis_name="c", subcore_axis_name="s")
    f = functools.partial(
        pl.kernel,
        out_type=[
            jax.ShapeDtypeStruct((N_EDGES,), jnp.float32),
            jax.ShapeDtypeStruct((N_EDGES,), jnp.float32),
            jax.ShapeDtypeStruct((NC * 3 * N_PAD,), jnp.float32),
        ],
        mesh=mesh,
        scratch_types=[
            pltpu.VMEM((EPW,), jnp.int32),
            pltpu.VMEM((EPW,), jnp.int32),
            pltpu.VMEM((EPW,), jnp.float32),
            pltpu.VMEM((4 * N_NODES,), jnp.float32),
            pltpu.VMEM((EPW,), jnp.float32),
            pltpu.VMEM((EPW,), jnp.float32),
            pltpu.VMEM((W,), jnp.int32),
            pltpu.VMEM((W,), jnp.float32),
            pltpu.VMEM((RPT,), jnp.float32),
            pltpu.VMEM_SHARED((N_PAD,), jnp.float32),
            pltpu.VMEM_SHARED((N_PAD,), jnp.float32),
            pltpu.VMEM_SHARED((N_PAD,), jnp.float32),
        ],
        compiler_params=pltpu.CompilerParams(needs_layout_passes=False),
    )
    return f(_sc_pass1_body)(src, dst, rel, st_flat)


def _inv_den_body(dp_ref, out_ref):
    out_ref[...] = 1.0 / (dp_ref[0] + dp_ref[1] + 1e-9)


def _inv_den(den_parts):
    return pl.pallas_call(
        _inv_den_body,
        out_shape=jax.ShapeDtypeStruct((3, N_PAD), jnp.float32),
    )(den_parts)


def _sc_coeff_body(dst_hbm, a0_hbm, a1_hbm, rel_hbm, inv_hbm,
                   coeff_out,
                   dst_v, a0_v, a1_v, rel_v, inv_v, cbuf_v):
    c = lax.axis_index("c")
    s = lax.axis_index("s")
    wid = c * NS + s
    base = wid * EPW

    pltpu.sync_copy(dst_hbm.at[pl.ds(base, EPW)], dst_v)
    pltpu.sync_copy(a0_hbm.at[pl.ds(base, EPW)], a0_v)
    pltpu.sync_copy(a1_hbm.at[pl.ds(base, EPW)], a1_v)
    pltpu.sync_copy(rel_hbm.at[pl.ds(base, EPW)], rel_v)
    pltpu.sync_copy(inv_hbm, inv_v)

    lane = lax.iota(jnp.int32, 16)

    def comp(g, _):
        sl = pl.ds(g * 16, 16)
        di = dst_v[sl]
        i0 = plsc.load_gather(inv_v, [di])
        i1 = plsc.load_gather(inv_v, [di + N_PAD])
        ir = plsc.load_gather(inv_v, [di + 2 * N_PAD])
        ebase = (g * 16 + lane) * 4
        plsc.store_scatter(cbuf_v, [ebase], a0_v[sl] * i0)
        plsc.store_scatter(cbuf_v, [ebase + 1], a1_v[sl] * i1)
        plsc.store_scatter(cbuf_v, [ebase + 2], rel_v[sl] * ir)
        plsc.store_scatter(cbuf_v, [ebase + 3], plsc.bitcast(di, jnp.float32))
        return _
    lax.fori_loop(0, EPW // 16, comp, None)

    pltpu.sync_copy(cbuf_v, coeff_out.at[pl.ds(base * 4, EPW * 4)])


def _sc_coeff(dst, a0, a1, rel, inv_flat):
    mesh = plsc.VectorSubcoreMesh(core_axis_name="c", subcore_axis_name="s")
    f = functools.partial(
        pl.kernel,
        out_type=jax.ShapeDtypeStruct((N_EDGES * 4,), jnp.float32),
        mesh=mesh,
        scratch_types=[
            pltpu.VMEM((EPW,), jnp.int32),
            pltpu.VMEM((EPW,), jnp.float32),
            pltpu.VMEM((EPW,), jnp.float32),
            pltpu.VMEM((EPW,), jnp.float32),
            pltpu.VMEM((3 * N_PAD,), jnp.float32),
            pltpu.VMEM((4 * EPW,), jnp.float32),
        ],
        compiler_params=pltpu.CompilerParams(needs_layout_passes=False),
    )
    return f(_sc_coeff_body)(dst, a0, a1, rel, inv_flat)


def _sc_pass2_body(src_hbm, coeff_hbm, p_hbm,
                   acc_out,
                   rows_v, msg_v, gidx_v, sidx_v, cloc_v,
                   acc_sh, sem):
    c = lax.axis_index("c")
    s = lax.axis_index("s")
    wid = c * NS + s
    base = wid * EPW

    def zm(w, _):
        for f in range(DIM // 16):
            msg_v[w, pl.ds(f * 16, 16)] = jnp.zeros((16,), jnp.float32)
        return _
    lax.fori_loop(0, W, zm, None)
    for i in range(RPT // W):
        pltpu.sync_copy(msg_v, acc_sh.at[pl.ds(s * RPT + i * W, W)])
    plsc.subcore_barrier()

    lane = lax.iota(jnp.int32, 16)

    def chunk(ci, _):
        off = base + ci * W
        pltpu.sync_copy(src_hbm.at[pl.ds(off, W)], gidx_v)
        pltpu.async_copy(p_hbm.at[gidx_v], rows_v, sem).wait()
        pltpu.sync_copy(coeff_hbm.at[pl.ds(off * 4, W * 4)], cloc_v)
        for i in range(W // 16):
            di_bits = plsc.load_gather(cloc_v, [(i * 16 + lane) * 4 + 3])
            sidx_v[pl.ds(i * 16, 16)] = plsc.bitcast(di_bits, jnp.int32)

        def wbody(w, _):
            w4 = jnp.full((16,), 0, jnp.int32) + w * 4
            c0 = plsc.load_gather(cloc_v, [w4])
            c1 = plsc.load_gather(cloc_v, [w4 + 1])
            cr = plsc.load_gather(cloc_v, [w4 + 2])
            for f in range(DIM // 16):
                msg_v[w, pl.ds(f * 16, 16)] = (
                    c0 * rows_v[w, pl.ds(f * 16, 16)]
                    + c1 * rows_v[w, pl.ds(DIM + f * 16, 16)]
                    + cr * rows_v[w, pl.ds(2 * DIM + f * 16, 16)]
                )
            return _
        lax.fori_loop(0, W, wbody, None)
        pltpu.sync_copy(msg_v, acc_sh.at[sidx_v], add=True)
        return _
    lax.fori_loop(0, NCHUNK, chunk, None)

    plsc.subcore_barrier()

    for i in range(RPT // W):
        pltpu.sync_copy(acc_sh.at[pl.ds(s * RPT + i * W, W)], msg_v)
        pltpu.sync_copy(msg_v, acc_out.at[pl.ds(c * N_PAD + s * RPT + i * W, W)])


def _sc_pass2(src, coeff, p_tbl):
    mesh = plsc.VectorSubcoreMesh(core_axis_name="c", subcore_axis_name="s")
    f = functools.partial(
        pl.kernel,
        out_type=jax.ShapeDtypeStruct((NC * N_PAD, DIM), jnp.float32),
        mesh=mesh,
        scratch_types=[
            pltpu.VMEM((W, 3 * DIM), jnp.float32),
            pltpu.VMEM((W, DIM), jnp.float32),
            pltpu.VMEM((W,), jnp.int32),
            pltpu.VMEM((W,), jnp.int32),
            pltpu.VMEM((4 * W,), jnp.float32),
            pltpu.VMEM_SHARED((N_PAD, DIM), jnp.float32),
            pltpu.SemaphoreType.DMA,
        ],
        compiler_params=pltpu.CompilerParams(needs_layout_passes=False),
    )
    return f(_sc_pass2_body)(src, coeff, p_tbl)


def _final_body(acc_ref, b_ref, out_ref):
    out_ref[...] = jnp.maximum(acc_ref[0] + acc_ref[1] + b_ref[...][None, :], 0.0)


def _final(acc_parts, lin_b):
    blk = RPT
    grid = N_PAD // blk
    return pl.pallas_call(
        _final_body,
        grid=(grid,),
        in_specs=[
            pl.BlockSpec((2, blk, DIM), lambda i: (0, i, 0)),
            pl.BlockSpec((DIM,), lambda i: (0,)),
        ],
        out_specs=pl.BlockSpec((blk, DIM), lambda i: (i, 0)),
        out_shape=jax.ShapeDtypeStruct((N_PAD, DIM), jnp.float32),
    )(acc_parts, lin_b)


def kernel(h, edge_index, r_ij, Wm, Wr, bm1, Wm2, bm2, attn_w, lin_w, lin_b):
    src = edge_index[0].astype(jnp.int32)
    dst = edge_index[1].astype(jnp.int32)

    p_tbl, s_tbl = _node_tables(h, Wm, lin_w, attn_w)
    rel = _rel_alpha(r_ij, Wr, bm1, Wm2, bm2).reshape(N_EDGES)
    st_flat = s_tbl[:, :4].reshape(4 * N_NODES)

    a0, a1, den_parts = _sc_pass1(src, dst, rel, st_flat)
    inv = _inv_den(den_parts.reshape(NC, 3, N_PAD)).reshape(3 * N_PAD)
    coeff = _sc_coeff(dst, a0, a1, rel, inv)
    acc_parts = _sc_pass2(src, coeff, p_tbl)
    out = _final(acc_parts.reshape(NC, N_PAD, DIM), lin_b)
    return out[:N_NODES]

# --- scband reference (transcript-rebuilt; emitter-appended) ---
"""Pipeline reference for scband-relational-graph-attention-layer-4552665334369 (READ-ONLY COPY).

The authoritative reference and input builder live on the scoring server;
editing this copy changes nothing except your own understanding.
"""

import jax, jax.numpy as jnp
import numpy as np

N_NODES = 10000
N_EDGES = 320000
IN_DIM = 128
OUT_DIM = 128
R_DIM = 16
M_HEADS = 2


def leaky_relu(x, slope=0.2):
    return jnp.where(x >= 0, x, slope * x)


def setup_inputs(seed: int = 0) -> dict:
    key = jax.random.key(seed)
    ks = jax.random.split(key, 12)
    h = jax.random.normal(ks[0], (N_NODES, IN_DIM), dtype=jnp.float32)
    edge_index = jax.random.randint(ks[1], (2, N_EDGES), 0, N_NODES, dtype=jnp.int64)
    r_ij = jax.random.normal(ks[2], (N_EDGES, R_DIM), dtype=jnp.float32)
    # Parameters (torch nn.Linear weight layout: [out, in]; y = x @ W.T)
    Wm = jax.random.normal(ks[3], (M_HEADS, OUT_DIM, IN_DIM), dtype=jnp.float32) / np.sqrt(IN_DIM)
    Wr = jax.random.normal(ks[4], (OUT_DIM, R_DIM), dtype=jnp.float32) / np.sqrt(R_DIM)
    bm1 = jnp.zeros((OUT_DIM,), dtype=jnp.float32)
    Wm2 = jax.random.normal(ks[5], (1, OUT_DIM), dtype=jnp.float32) / np.sqrt(OUT_DIM)
    bm2 = jnp.zeros((1,), dtype=jnp.float32)
    attn_w = jax.random.normal(ks[6], (1, 2 * OUT_DIM), dtype=jnp.float32) / np.sqrt(2 * OUT_DIM)
    lin_w = jax.random.normal(ks[7], (OUT_DIM, 2 * OUT_DIM * M_HEADS), dtype=jnp.float32) / np.sqrt(2 * OUT_DIM * M_HEADS)
    lin_b = jnp.zeros((OUT_DIM,), dtype=jnp.float32)
    return {"h": h, "edge_index": edge_index, "r_ij": r_ij, "Wm": Wm, "Wr": Wr,
            "bm1": bm1, "Wm2": Wm2, "bm2": bm2, "attn_w": attn_w,
            "lin_w": lin_w, "lin_b": lin_b}


def reference(h, edge_index, r_ij, Wm, Wr, bm1, Wm2, bm2, attn_w, lin_w, lin_b):
    N = h.shape[0]
    out_dim = bm1.shape[0]
    M = Wm.shape[0]
    src, dst = edge_index[0], edge_index[1]
    h_att_all = []
    h_rel_all = []
    for m in range(M):
        Wh = h @ Wm[m].T
        Wh_src = Wh[src]
        Wh_dst = Wh[dst]
        # relational attention branch
        rel_score = jax.nn.relu(r_ij @ Wr.T + bm1)
        rel_score = (rel_score @ Wm2.T + bm2).squeeze(-1)
        rel_alpha = jnp.exp(rel_score)
        rel_denom = jnp.zeros((N,), dtype=h.dtype).at[dst].add(rel_alpha)
        beta_ij = rel_alpha / (rel_denom[dst] + 1e-09)
        rel_msg = Wh_src * beta_ij[:, None]
        rel_agg = jnp.zeros((N, out_dim), dtype=h.dtype).at[dst].add(rel_msg)
        h_rel_all.append(rel_agg)
        # node-node attention branch
        attn_input = jnp.concatenate([Wh_src, Wh_dst], axis=-1)
        attn_score = leaky_relu((attn_input @ attn_w.T).squeeze(-1))
        attn_alpha = jnp.exp(attn_score)
        attn_denom = jnp.zeros((N,), dtype=h.dtype).at[dst].add(attn_alpha)
        alpha_ij = attn_alpha / (attn_denom[dst] + 1e-09)
        attn_msg = Wh_src * alpha_ij[:, None]
        attn_agg = jnp.zeros((N, out_dim), dtype=h.dtype).at[dst].add(attn_msg)
        h_att_all.append(attn_agg)
    h_att = jnp.concatenate(h_att_all, axis=-1)
    h_rel = jnp.concatenate(h_rel_all, axis=-1)
    x = jnp.concatenate([h_att, h_rel], axis=-1)
    h_out = jax.nn.relu(x @ lin_w.T + lin_b)
    return h_out

if __name__ == "__main__":
    import jax
    _d = setup_inputs()
    print(jax.jit(kernel)(*tuple(_d.values())))

</pallas_src>

<mosaic_0001>
#map = affine_map<(d0, d1) -> (0)>
module attributes {stable_mosaic.version = 14 : i64} {
  func.func @_sc_coeff_body(%arg0: i32, %arg1: i32, %arg2: memref<320000xi32, #tpu.memory_space<hbm>>, %arg3: memref<320000xf32, #tpu.memory_space<hbm>>, %arg4: memref<320000xf32, #tpu.memory_space<hbm>>, %arg5: memref<320000xf32, #tpu.memory_space<hbm>>, %arg6: memref<30720xf32, #tpu.memory_space<hbm>>, %arg7: memref<1280000xf32, #tpu.memory_space<hbm>>, %arg8: memref<10000xi32, #tpu.memory_space<vmem>>, %arg9: memref<10000xf32, #tpu.memory_space<vmem>>, %arg10: memref<10000xf32, #tpu.memory_space<vmem>>, %arg11: memref<10000xf32, #tpu.memory_space<vmem>>, %arg12: memref<30720xf32, #tpu.memory_space<vmem>>, %arg13: memref<40000xf32, #tpu.memory_space<vmem>>) attributes {dimension_semantics = [#tpu.dimension_semantics<core_parallel>, #tpu.dimension_semantics<subcore_parallel>], iteration_bounds = array<i64: 2, 16>, scalar_prefetch = 0 : i64, scratch_operands = 6 : i64, tpu.core_type = #tpu.core_type<sc_vector_subcore>, window_params = [{transform_indices = #map}, {transform_indices = #map}, {transform_indices = #map}, {transform_indices = #map}, {transform_indices = #map}, {transform_indices = #map}]} {
    %mul3A = arith.constant 16 : i32
    %mul3A_0 = arith.muli %arg0, %mul3A : i32
    %add3A = arith.addi %mul3A_0, %arg1 : i32
    %mul3A_1 = arith.constant 10000 : i32
    %mul3A_2 = arith.muli %add3A, %mul3A_1 : i32
    "tpu.region"() ({
      %run_scoped3A = tpu.sem_alloc : memref<!tpu.dma_semaphore, #tpu.memory_space<semaphore_mem>>
      %dma_start3A = tpu.memref_slice %arg2[%mul3A_2] : memref<320000xi32, #tpu.memory_space<hbm>> -> memref<10000xi32, #tpu.memory_space<hbm>>
      %dma_start3A_9 = tpu.memref_slice %arg2[%mul3A_2] : memref<320000xi32, #tpu.memory_space<hbm>> -> memref<10000xi32, #tpu.memory_space<hbm>>
      tpu.enqueue_dma source(%dma_start3A_9 : memref<10000xi32, #tpu.memory_space<hbm>>) target(%arg8 : memref<10000xi32, #tpu.memory_space<vmem>>) target_semaphore(%run_scoped3A : memref<!tpu.dma_semaphore, #tpu.memory_space<semaphore_mem>>)
      %dma_wait3A = tpu.memref_slice %arg2[%mul3A_2] : memref<320000xi32, #tpu.memory_space<hbm>> -> memref<10000xi32, #tpu.memory_space<hbm>>
      %dma_wait3A_10 = tpu.memref_slice %arg2[%mul3A_2] : memref<320000xi32, #tpu.memory_space<hbm>> -> memref<10000xi32, #tpu.memory_space<hbm>>
      tpu.wait_dma2 semaphore(%run_scoped3A : memref<!tpu.dma_semaphore, #tpu.memory_space<semaphore_mem>>) src(%dma_wait3A_10 : memref<10000xi32, #tpu.memory_space<hbm>>) dst(%arg8 : memref<10000xi32, #tpu.memory_space<vmem>>)
      tpu.yield
    }) : () -> ()
    "tpu.region"() ({
      %run_scoped3A = tpu.sem_alloc : memref<!tpu.dma_semaphore, #tpu.memory_space<semaphore_mem>>
      %dma_start3A = tpu.memref_slice %arg3[%mul3A_2] : memref<320000xf32, #tpu.memory_space<hbm>> -> memref<10000xf32, #tpu.memory_space<hbm>>
      %dma_start3A_9 = tpu.memref_slice %arg3[%mul3A_2] : memref<320000xf32, #tpu.memory_space<hbm>> -> memref<10000xf32, #tpu.memory_space<hbm>>
      tpu.enqueue_dma source(%dma_start3A_9 : memref<10000xf32, #tpu.memory_space<hbm>>) target(%arg9 : memref<10000xf32, #tpu.memory_space<vmem>>) target_semaphore(%run_scoped3A : memref<!tpu.dma_semaphore, #tpu.memory_space<semaphore_mem>>)
      %dma_wait3A = tpu.memref_slice %arg3[%mul3A_2] : memref<320000xf32, #tpu.memory_space<hbm>> -> memref<10000xf32, #tpu.memory_space<hbm>>
      %dma_wait3A_10 = tpu.memref_slice %arg3[%mul3A_2] : memref<320000xf32, #tpu.memory_space<hbm>> -> memref<10000xf32, #tpu.memory_space<hbm>>
      tpu.wait_dma2 semaphore(%run_scoped3A : memref<!tpu.dma_semaphore, #tpu.memory_space<semaphore_mem>>) src(%dma_wait3A_10 : memref<10000xf32, #tpu.memory_space<hbm>>) dst(%arg9 : memref<10000xf32, #tpu.memory_space<vmem>>)
      tpu.yield
    }) : () -> ()
    "tpu.region"() ({
      %run_scoped3A = tpu.sem_alloc : memref<!tpu.dma_semaphore, #tpu.memory_space<semaphore_mem>>
      %dma_start3A = tpu.memref_slice %arg4[%mul3A_2] : memref<320000xf32, #tpu.memory_space<hbm>> -> memref<10000xf32, #tpu.memory_space<hbm>>
      %dma_start3A_9 = tpu.memref_slice %arg4[%mul3A_2] : memref<320000xf32, #tpu.memory_space<hbm>> -> memref<10000xf32, #tpu.memory_space<hbm>>
      tpu.enqueue_dma source(%dma_start3A_9 : memref<10000xf32, #tpu.memory_space<hbm>>) target(%arg10 : memref<10000xf32, #tpu.memory_space<vmem>>) target_semaphore(%run_scoped3A : memref<!tpu.dma_semaphore, #tpu.memory_space<semaphore_mem>>)
      %dma_wait3A = tpu.memref_slice %arg4[%mul3A_2] : memref<320000xf32, #tpu.memory_space<hbm>> -> memref<10000xf32, #tpu.memory_space<hbm>>
      %dma_wait3A_10 = tpu.memref_slice %arg4[%mul3A_2] : memref<320000xf32, #tpu.memory_space<hbm>> -> memref<10000xf32, #tpu.memory_space<hbm>>
      tpu.wait_dma2 semaphore(%run_scoped3A : memref<!tpu.dma_semaphore, #tpu.memory_space<semaphore_mem>>) src(%dma_wait3A_10 : memref<10000xf32, #tpu.memory_space<hbm>>) dst(%arg10 : memref<10000xf32, #tpu.memory_space<vmem>>)
      tpu.yield
    }) : () -> ()
    "tpu.region"() ({
      %run_scoped3A = tpu.sem_alloc : memref<!tpu.dma_semaphore, #tpu.memory_space<semaphore_mem>>
      %dma_start3A = tpu.memref_slice %arg5[%mul3A_2] : memref<320000xf32, #tpu.memory_space<hbm>> -> memref<10000xf32, #tpu.memory_space<hbm>>
      %dma_start3A_9 = tpu.memref_slice %arg5[%mul3A_2] : memref<320000xf32, #tpu.memory_space<hbm>> -> memref<10000xf32, #tpu.memory_space<hbm>>
      tpu.enqueue_dma source(%dma_start3A_9 : memref<10000xf32, #tpu.memory_space<hbm>>) target(%arg11 : memref<10000xf32, #tpu.memory_space<vmem>>) target_semaphore(%run_scoped3A : memref<!tpu.dma_semaphore, #tpu.memory_space<semaphore_mem>>)
      %dma_wait3A = tpu.memref_slice %arg5[%mul3A_2] : memref<320000xf32, #tpu.memory_space<hbm>> -> memref<10000xf32, #tpu.memory_space<hbm>>
      %dma_wait3A_10 = tpu.memref_slice %arg5[%mul3A_2] : memref<320000xf32, #tpu.memory_space<hbm>> -> memref<10000xf32, #tpu.memory_space<hbm>>
      tpu.wait_dma2 semaphore(%run_scoped3A : memref<!tpu.dma_semaphore, #tpu.memory_space<semaphore_mem>>) src(%dma_wait3A_10 : memref<10000xf32, #tpu.memory_space<hbm>>) dst(%arg11 : memref<10000xf32, #tpu.memory_space<vmem>>)
      tpu.yield
    }) : () -> ()
    "tpu.region"() ({
      %run_scoped3A = tpu.sem_alloc : memref<!tpu.dma_semaphore, #tpu.memory_space<semaphore_mem>>
      tpu.enqueue_dma source(%arg6 : memref<30720xf32, #tpu.memory_space<hbm>>) target(%arg12 : memref<30720xf32, #tpu.memory_space<vmem>>) target_semaphore(%run_scoped3A : memref<!tpu.dma_semaphore, #tpu.memory_space<semaphore_mem>>)
      tpu.wait_dma2 semaphore(%run_scoped3A : memref<!tpu.dma_semaphore, #tpu.memory_space<semaphore_mem>>) src(%arg6 : memref<30720xf32, #tpu.memory_space<hbm>>) dst(%arg12 : memref<30720xf32, #tpu.memory_space<vmem>>)
      tpu.yield
    }) : () -> ()
    %iota3A = tpu.iota {dimensions = array<i32: 0>} : vector<16xi32>
    %scan3A = arith.constant 0 : i32
    %scan3A_3 = arith.constant 625 : i32
    %scan3A_4 = arith.addi %scan3A, %scan3A_3 : i32
    %scan3A_5 = arith.constant 1 : i32
    scf.for %scan3A_9 = %scan3A to %scan3A_4 step %scan3A_5  : i32 {
      %mul3A_10 = arith.constant 16 : i32
      %mul3A_11 = arith.muli %scan3A_9, %mul3A_10 : i32
      %get3A = arith.index_cast %mul3A_11 : i32 to index
      %get3A_12 = tpu.vector_load %arg8[%get3A] {strides = array<i32>} : memref<10000xi32, #tpu.memory_space<vmem>>, vector<16xi32>,
      %gather3A = tpu.vector_load_idx %arg12[%get3A_12] : memref<30720xf32, #tpu.memory_space<vmem>>[vector<16xi32>], vector<16xf32>,
      %add3A_13 = arith.constant 10240 : i32
      %add3A_14 = vector.broadcast %add3A_13 : i32 to vector<16xi32>
      %add3A_15 = arith.addi %get3A_12, %add3A_14 : vector<16xi32>
      %gather3A_16 = tpu.vector_load_idx %arg12[%add3A_15] : memref<30720xf32, #tpu.memory_space<vmem>>[vector<16xi32>], vector<16xf32>,
      %add3A_17 = arith.constant 20480 : i32
      %add3A_18 = vector.broadcast %add3A_17 : i32 to vector<16xi32>
      %add3A_19 = arith.addi %get3A_12, %add3A_18 : vector<16xi32>
      %gather3A_20 = tpu.vector_load_idx %arg12[%add3A_19] : memref<30720xf32, #tpu.memory_space<vmem>>[vector<16xi32>], vector<16xf32>,
      %mul3A_21 = arith.constant 16 : i32
      %mul3A_22 = arith.muli %scan3A_9, %mul3A_21 : i32
      %add3A_23 = vector.broadcast %mul3A_22 : i32 to vector<16xi32>
      %add3A_24 = arith.addi %add3A_23, %iota3A : vector<16xi32>
      %mul3A_25 = arith.constant 4 : i32
      %mul3A_26 = vector.broadcast %mul3A_25 : i32 to vector<16xi32>
      %mul3A_27 = arith.muli %add3A_24, %mul3A_26 : vector<16xi32>
      %get3A_28 = arith.index_cast %mul3A_11 : i32 to index
      %get3A_29 = tpu.vector_load %arg9[%get3A_28] {strides = array<i32>} : memref<10000xf32, #tpu.memory_space<vmem>>, vector<16xf32>,
      %mul3A_30 = arith.mulf %get3A_29, %gather3A : vector<16xf32>
      tpu.vector_store_idx %arg13[%mul3A_27], %mul3A_30 : memref<40000xf32, #tpu.memory_space<vmem>>[vector<16xi32>], vector<16xf32>,
      %add3A_31 = arith.constant 1 : i32
      %add3A_32 = vector.broadcast %add3A_31 : i32 to vector<16xi32>
      %add3A_33 = arith.addi %mul3A_27, %add3A_32 : vector<16xi32>
      %get3A_34 = arith.index_cast %mul3A_11 : i32 to index
      %get3A_35 = tpu.vector_load %arg10[%get3A_34] {strides = array<i32>} : memref<10000xf32, #tpu.memory_space<vmem>>, vector<16xf32>,
      %mul3A_36 = arith.mulf %get3A_35, %gather3A_16 : vector<16xf32>
      tpu.vector_store_idx %arg13[%add3A_33], %mul3A_36 : memref<40000xf32, #tpu.memory_space<vmem>>[vector<16xi32>], vector<16xf32>,
      %add3A_37 = arith.constant 2 : i32
      %add3A_38 = vector.broadcast %add3A_37 : i32 to vector<16xi32>
      %add3A_39 = arith.addi %mul3A_27, %add3A_38 : vector<16xi32>
      %get3A_40 = arith.index_cast %mul3A_11 : i32 to index
      %get3A_41 = tpu.vector_load %arg11[%get3A_40] {strides = array<i32>} : memref<10000xf32, #tpu.memory_space<vmem>>, vector<16xf32>,
      %mul3A_42 = arith.mulf %get3A_41, %gather3A_20 : vector<16xf32>
      tpu.vector_store_idx %arg13[%add3A_39], %mul3A_42 : memref<40000xf32, #tpu.memory_space<vmem>>[vector<16xi32>], vector<16xf32>,
      %add3A_43 = arith.constant 3 : i32
      %add3A_44 = vector.broadcast %add3A_43 : i32 to vector<16xi32>
      %add3A_45 = arith.addi %mul3A_27, %add3A_44 : vector<16xi32>
      %bitcast3A = vector.bitcast %get3A_12 : vector<16xi32> to vector<16xf32>
      tpu.vector_store_idx %arg13[%add3A_45], %bitcast3A : memref<40000xf32, #tpu.memory_space<vmem>>[vector<16xi32>], vector<16xf32>,
    }
    %scan3A_6 = arith.constant 625 : i32
    %mul3A_7 = arith.constant 4 : i32
    %mul3A_8 = arith.muli %mul3A_2, %mul3A_7 : i32
    "tpu.region"() ({
      %run_scoped3A = tpu.sem_alloc : memref<!tpu.dma_semaphore, #tpu.memory_space<semaphore_mem>>
      %dma_start3A = tpu.memref_slice %arg7[%mul3A_8] : memref<1280000xf32, #tpu.memory_space<hbm>> -> memref<40000xf32, #tpu.memory_space<hbm>>
      %dma_start3A_9 = tpu.memref_slice %arg7[%mul3A_8] : memref<1280000xf32, #tpu.memory_space<hbm>> -> memref<40000xf32, #tpu.memory_space<hbm>>
      tpu.enqueue_dma source(%arg13 : memref<40000xf32, #tpu.memory_space<vmem>>) target(%dma_start3A_9 : memref<40000xf32, #tpu.memory_space<hbm>>) target_semaphore(%run_scoped3A : memref<!tpu.dma_semaphore, #tpu.memory_space<semaphore_mem>>)
      %dma_wait3A = tpu.memref_slice %arg7[%mul3A_8] : memref<1280000xf32, #tpu.memory_space<hbm>> -> memref<40000xf32, #tpu.memory_space<hbm>>
      %dma_wait3A_10 = tpu.memref_slice %arg7[%mul3A_8] : memref<1280000xf32, #tpu.memory_space<hbm>> -> memref<40000xf32, #tpu.memory_space<hbm>>
      tpu.wait_dma2 semaphore(%run_scoped3A : memref<!tpu.dma_semaphore, #tpu.memory_space<semaphore_mem>>) src(%arg13 : memref<40000xf32, #tpu.memory_space<vmem>>) dst(%dma_wait3A_10 : memref<40000xf32, #tpu.memory_space<hbm>>)
      tpu.yield
    }) : () -> ()
    return
  }
}

#map = affine_map<(d0, d1) -> (0)>
#map1 = affine_map<(d0, d1) -> (0, 0)>
module attributes {stable_mosaic.version = 14 : i64} {
  func.func @_sc_pass2_body(%arg0: i32, %arg1: i32, %arg2: memref<320000xi32, #tpu.memory_space<hbm>>, %arg3: memref<1280000xf32, #tpu.memory_space<hbm>>, %arg4: memref<10000x384xf32, #tpu.memory_space<hbm>>, %arg5: memref<20480x128xf32, #tpu.memory_space<hbm>>, %arg6: memref<80x384xf32, #tpu.memory_space<vmem>>, %arg7: memref<80x128xf32, #tpu.memory_space<vmem>>, %arg8: memref<80xi32, #tpu.memory_space<vmem>>, %arg9: memref<80xi32, #tpu.memory_space<vmem>>, %arg10: memref<320xf32, #tpu.memory_space<vmem>>, %arg11: memref<10240x128xf32, #tpu.memory_space<vmem_shared>>, %arg12: memref<!tpu.dma_semaphore, #tpu.memory_space<semaphore_mem>>) attributes {dimension_semantics = [#tpu.dimension_semantics<core_parallel>, #tpu.dimension_semantics<subcore_parallel>], iteration_bounds = array<i64: 2, 16>, scalar_prefetch = 0 : i64, scratch_operands = 7 : i64, tpu.core_type = #tpu.core_type<sc_vector_subcore>, window_params = [{transform_indices = #map}, {transform_indices = #map}, {transform_indices = #map1}, {transform_indices = #map1}]} {
    %mul3A = arith.constant 16 : i32
    %mul3A_0 = arith.muli %arg0, %mul3A : i32
    %add3A = arith.addi %mul3A_0, %arg1 : i32
    %mul3A_1 = arith.constant 10000 : i32
    %mul3A_2 = arith.muli %add3A, %mul3A_1 : i32
    %scan3A = arith.constant 0 : i32
    %scan3A_3 = arith.constant 80 : i32
    %scan3A_4 = arith.addi %scan3A, %scan3A_3 : i32
    %scan3A_5 = arith.constant 1 : i32
    scf.for %scan3A_133 = %scan3A to %scan3A_4 step %scan3A_5  : i32 {
      %broadcast_in_dim3A = arith.constant 0.000000e+00 : f32
      %broadcast_in_dim3A_134 = vector.broadcast %broadcast_in_dim3A : f32 to vector<16xf32>
      %swap3A = arith.index_cast %scan3A_133 : i32 to index
      %swap3A_135 = arith.constant 0 : index
      %swap3A_136 = tpu.vector_load %arg7[%swap3A, %swap3A_135] {strides = array<i32>} : memref<80x128xf32, #tpu.memory_space<vmem>>, vector<16xf32>,
      tpu.vector_store %arg7[%swap3A, %swap3A_135], %broadcast_in_dim3A_134 {strides = array<i32>} : memref<80x128xf32, #tpu.memory_space<vmem>>, vector<16xf32>,
      %broadcast_in_dim3A_137 = arith.constant 0.000000e+00 : f32
      %broadcast_in_dim3A_138 = vector.broadcast %broadcast_in_dim3A_137 : f32 to vector<16xf32>
      %swap3A_139 = arith.index_cast %scan3A_133 : i32 to index
      %swap3A_140 = arith.constant 16 : index
      %swap3A_141 = tpu.vector_load %arg7[%swap3A_139, %swap3A_140] {strides = array<i32>} : memref<80x128xf32, #tpu.memory_space<vmem>>, vector<16xf32>,
      tpu.vector_store %arg7[%swap3A_139, %swap3A_140], %broadcast_in_dim3A_138 {strides = array<i32>} : memref<80x128xf32, #tpu.memory_space<vmem>>, vector<16xf32>,
      %broadcast_in_dim3A_142 = arith.constant 0.000000e+00 : f32
      %broadcast_in_dim3A_143 = vector.broadcast %broadcast_in_dim3A_142 : f32 to vector<16xf32>
      %swap3A_144 = arith.index_cast %scan3A_133 : i32 to index
      %swap3A_145 = arith.constant 32 : index
      %swap3A_146 = tpu.vector_load %arg7[%swap3A_144, %swap3A_145] {strides = array<i32>} : memref<80x128xf32, #tpu.memory_space<vmem>>, vector<16xf32>,
      tpu.vector_store %arg7[%swap3A_144, %swap3A_145], %broadcast_in_dim3A_143 {strides = array<i32>} : memref<80x128xf32, #tpu.memory_space<vmem>>, vector<16xf32>,
      %broadcast_in_dim3A_147 = arith.constant 0.000000e+00 : f32
      %broadcast_in_dim3A_148 = vector.broadcast %broadcast_in_dim3A_147 : f32 to vector<16xf32>
      %swap3A_149 = arith.index_cast %scan3A_133 : i32 to index
      %swap3A_150 = arith.constant 48 : index
      %swap3A_151 = tpu.vector_load %arg7[%swap3A_149, %swap3A_150] {strides = array<i32>} : memref<80x128xf32, #tpu.memory_space<vmem>>, vector<16xf32>,
      tpu.vector_store %arg7[%swap3A_149, %swap3A_150], %broadcast_in_dim3A_148 {strides = array<i32>} : memref<80x128xf32, #tpu.memory_space<vmem>>, vector<16xf32>,
      %broadcast_in_dim3A_152 = arith.constant 0.000000e+00 : f32
      %broadcast_in_dim3A_153 = vector.broadcast %broadcast_in_dim3A_152 : f32 to vector<16xf32>
      %swap3A_154 = arith.index_cast %scan3A_133 : i32 to index
      %swap3A_155 = arith.constant 64 : index
      %swap3A_156 = tpu.vector_load %arg7[%swap3A_154, %swap3A_155] {strides = array<i32>} : memref<80x128xf32, #tpu.memory_space<vmem>>, vector<16xf32>,
      tpu.vector_store %arg7[%swap3A_154, %swap3A_155], %broadcast_in_dim3A_153 {strides = array<i32>} : memref<80x128xf32, #tpu.memory_space<vmem>>, vector<16xf32>,
      %broadcast_in_dim3A_157 = arith.constant 0.000000e+00 : f32
      %broadcast_in_dim3A_158 = vector.broadcast %broadcast_in_dim3A_157 : f32 to vector<16xf32>
      %swap3A_159 = arith.index_cast %scan3A_133 : i32 to index
      %swap3A_160 = arith.constant 80 : index
      %swap3A_161 = tpu.vector_load %arg7[%swap3A_159, %swap3A_160] {strides = array<i32>} : memref<80x128xf32, #tpu.memory_space<vmem>>, vector<16xf32>,
      tpu.vector_store %arg7[%swap3A_159, %swap3A_160], %broadcast_in_dim3A_158 {strides = array<i32>} : memref<80x128xf32, #tpu.memory_space<vmem>>, vector<16xf32>,
      %broadcast_in_dim3A_162 = arith.constant 0.000000e+00 : f32
      %broadcast_in_dim3A_163 = vector.broadcast %broadcast_in_dim3A_162 : f32 to vector<16xf32>
      %swap3A_164 = arith.index_cast %scan3A_133 : i32 to index
      %swap3A_165 = arith.constant 96 : index
      %swap3A_166 = tpu.vector_load %arg7[%swap3A_164, %swap3A_165] {strides = array<i32>} : memref<80x128xf32, #tpu.memory_space<vmem>>, vector<16xf32>,
      tpu.vector_store %arg7[%swap3A_164, %swap3A_165], %broadcast_in_dim3A_163 {strides = array<i32>} : memref<80x128xf32, #tpu.memory_space<vmem>>, vector<16xf32>,
      %broadcast_in_dim3A_167 = arith.constant 0.000000e+00 : f32
      %broadcast_in_dim3A_168 = vector.broadcast %broadcast_in_dim3A_167 : f32 to vector<16xf32>
      %swap3A_169 = arith.index_cast %scan3A_133 : i32 to index
      %swap3A_170 = arith.constant 112 : index
      %swap3A_171 = tpu.vector_load %arg7[%swap3A_169, %swap3A_170] {strides = array<i32>} : memref<80x128xf32, #tpu.memory_space<vmem>>, vector<16xf32>,
      tpu.vector_store %arg7[%swap3A_169, %swap3A_170], %broadcast_in_dim3A_168 {strides = array<i32>} : memref<80x128xf32, #tpu.memory_space<vmem>>, vector<16xf32>,
    }
    %scan3A_6 = arith.constant 80 : i32
    %mul3A_7 = arith.constant 640 : i32
    %mul3A_8 = arith.muli %arg1, %mul3A_7 : i32
    %add3A_9 = arith.constant 0 : i32
    %add3A_10 = arith.addi %mul3A_8, %add3A_9 : i32
    "tpu.region"() ({
      %run_scoped3A = tpu.sem_alloc : memref<!tpu.dma_semaphore, #tpu.memory_space<semaphore_mem>>
      %dma_start3A = arith.constant 0 : i32
      %dma_start3A_133 = tpu.memref_slice %arg11[%add3A_10, %dma_start3A] : memref<10240x128xf32, #tpu.memory_space<vmem_shared>> -> memref<80x128xf32, #tpu.memory_space<vmem_shared>>
      %dma_start3A_134 = arith.constant 0 : i32
      %dma_start3A_135 = tpu.memref_slice %arg11[%add3A_10, %dma_start3A_134] : memref<10240x128xf32, #tpu.memory_space<vmem_shared>> -> memref<80x128xf32, #tpu.memory_space<vmem_shared>>
      tpu.enqueue_dma source(%arg7 : memref<80x128xf32, #tpu.memory_space<vmem>>) target(%dma_start3A_135 : memref<80x128xf32, #tpu.memory_space<vmem_shared>>) target_semaphore(%run_scoped3A : memref<!tpu.dma_semaphore, #tpu.memory_space<semaphore_mem>>)
      %dma_wait3A = arith.constant 0 : i32
      %dma_wait3A_136 = tpu.memref_slice %arg11[%add3A_10, %dma_wait3A] : memref<10240x128xf32, #tpu.memory_space<vmem_shared>> -> memref<80x128xf32, #tpu.memory_space<vmem_shared>>
      %dma_wait3A_137 = arith.constant 0 : i32
      %dma_wait3A_138 = tpu.memref_slice %arg11[%add3A_10, %dma_wait3A_137] : memref<10240x128xf32, #tpu.memory_space<vmem_shared>> -> memref<80x128xf32, #tpu.memory_space<vmem_shared>>
      tpu.wait_dma2 semaphore(%run_scoped3A : memref<!tpu.dma_semaphore, #tpu.memory_space<semaphore_mem>>) src(%arg7 : memref<80x128xf32, #tpu.memory_space<vmem>>) dst(%dma_wait3A_138 : memref<80x128xf32, #tpu.memory_space<vmem_shared>>)
      tpu.yield
    }) : () -> ()
    %mul3A_11 = arith.constant 640 : i32
    %mul3A_12 = arith.muli %arg1, %mul3A_11 : i32
    %add3A_13 = arith.constant 80 : i32
    %add3A_14 = arith.addi %mul3A_12, %add3A_13 : i32
    "tpu.region"() ({
      %run_scoped3A = tpu.sem_alloc : memref<!tpu.dma_semaphore, #tpu.memory_space<semaphore_mem>>
      %dma_start3A = arith.constant 0 : i32
      %dma_start3A_133 = tpu.memref_slice %arg11[%add3A_14, %dma_start3A] : memref<10240x128xf32, #tpu.memory_space<vmem_shared>> -> memref<80x128xf32, #tpu.memory_space<vmem_shared>>
      %dma_start3A_134 = arith.constant 0 : i32
      %dma_start3A_135 = tpu.memref_slice %arg11[%add3A_14, %dma_start3A_134] : memref<10240x128xf32, #tpu.memory_space<vmem_shared>> -> memref<80x128xf32, #tpu.memory_space<vmem_shared>>
      tpu.enqueue_dma source(%arg7 : memref<80x128xf32, #tpu.memory_space<vmem>>) target(%dma_start3A_135 : memref<80x128xf32, #tpu.memory_space<vmem_shared>>) target_semaphore(%run_scoped3A : memref<!tpu.dma_semaphore, #tpu.memory_space<semaphore_mem>>)
      %dma_wait3A = arith.constant 0 : i32
      %dma_wait3A_136 = tpu.memref_slice %arg11[%add3A_14, %dma_wait3A] : memref<10240x128xf32, #tpu.memory_space<vmem_shared>> -> memref<80x128xf32, #tpu.memory_space<vmem_shared>>
      %dma_wait3A_137 = arith.constant 0 : i32
      %dma_wait3A_138 = tpu.memref_slice %arg11[%add3A_14, %dma_wait3A_137] : memref<10240x128xf32, #tpu.memory_space<vmem_shared>> -> memref<80x128xf32, #tpu.memory_space<vmem_shared>>
      tpu.wait_dma2 semaphore(%run_scoped3A : memref<!tpu.dma_semaphore, #tpu.memory_space<semaphore_mem>>) src(%arg7 : memref<80x128xf32, #tpu.memory_space<vmem>>) dst(%dma_wait3A_138 : memref<80x128xf32, #tpu.memory_space<vmem_shared>>)
      tpu.yield
    }) : () -> ()
    %mul3A_15 = arith.constant 640 : i32
    %mul3A_16 = arith.muli %arg1, %mul3A_15 : i32
    %add3A_17 = arith.constant 160 : i32
    %add3A_18 = arith.addi %mul3A_16, %add3A_17 : i32
    "tpu.region"() ({
      %run_scoped3A = tpu.sem_alloc : memref<!tpu.dma_semaphore, #tpu.memory_space<semaphore_mem>>
      %dma_start3A = arith.constant 0 : i32
      %dma_start3A_133 = tpu.memref_slice %arg11[%add3A_18, %dma_start3A] : memref<10240x128xf32, #tpu.memory_space<vmem_shared>> -> memref<80x128xf32, #tpu.memory_space<vmem_shared>>
      %dma_start3A_134 = arith.constant 0 : i32
      %dma_start3A_135 = tpu.memref_slice %arg11[%add3A_18, %dma_start3A_134] : memref<10240x128xf32, #tpu.memory_space<vmem_shared>> -> memref<80x128xf32, #tpu.memory_space<vmem_shared>>
      tpu.enqueue_dma source(%arg7 : memref<80x128xf32, #tpu.memory_space<vmem>>) target(%dma_start3A_135 : memref<80x128xf32, #tpu.memory_space<vmem_shared>>) target_semaphore(%run_scoped3A : memref<!tpu.dma_semaphore, #tpu.memory_space<semaphore_mem>>)
      %dma_wait3A = arith.constant 0 : i32
      %dma_wait3A_136 = tpu.memref_slice %arg11[%add3A_18, %dma_wait3A] : memref<10240x128xf32, #tpu.memory_space<vmem_shared>> -> memref<80x128xf32, #tpu.memory_space<vmem_shared>>
      %dma_wait3A_137 = arith.constant 0 : i32
      %dma_wait3A_138 = tpu.memref_slice %arg11[%add3A_18, %dma_wait3A_137] : memref<10240x128xf32, #tpu.memory_space<vmem_shared>> -> memref<80x128xf32, #tpu.memory_space<vmem_shared>>
      tpu.wait_dma2 semaphore(%run_scoped3A : memref<!tpu.dma_semaphore, #tpu.memory_space<semaphore_mem>>) src(%arg7 : memref<80x128xf32, #tpu.memory_space<vmem>>) dst(%dma_wait3A_138 : memref<80x128xf32, #tpu.memory_space<vmem_shared>>)
      tpu.yield
    }) : () -> ()
    %mul3A_19 = arith.constant 640 : i32
    %mul3A_20 = arith.muli %arg1, %mul3A_19 : i32
    %add3A_21 = arith.constant 240 : i32
    %add3A_22 = arith.addi %mul3A_20, %add3A_21 : i32
    "tpu.region"() ({
      %run_scoped3A = tpu.sem_alloc : memref<!tpu.dma_semaphore, #tpu.memory_space<semaphore_mem>>
      %dma_start3A = arith.constant 0 : i32
      %dma_start3A_133 = tpu.memref_slice %arg11[%add3A_22, %dma_start3A] : memref<10240x128xf32, #tpu.memory_space<vmem_shared>> -> memref<80x128xf32, #tpu.memory_space<vmem_shared>>
      %dma_start3A_134 = arith.constant 0 : i32
      %dma_start3A_135 = tpu.memref_slice %arg11[%add3A_22, %dma_start3A_134] : memref<10240x128xf32, #tpu.memory_space<vmem_shared>> -> memref<80x128xf32, #tpu.memory_space<vmem_shared>>
      tpu.enqueue_dma source(%arg7 : memref<80x128xf32, #tpu.memory_space<vmem>>) target(%dma_start3A_135 : memref<80x128xf32, #tpu.memory_space<vmem_shared>>) target_semaphore(%run_scoped3A : memref<!tpu.dma_semaphore, #tpu.memory_space<semaphore_mem>>)
      %dma_wait3A = arith.constant 0 : i32
      %dma_wait3A_136 = tpu.memref_slice %arg11[%add3A_22, %dma_wait3A] : memref<10240x128xf32, #tpu.memory_space<vmem_shared>> -> memref<80x128xf32, #tpu.memory_space<vmem_shared>>
      %dma_wait3A_137 = arith.constant 0 : i32
      %dma_wait3A_138 = tpu.memref_slice %arg11[%add3A_22, %dma_wait3A_137] : memref<10240x128xf32, #tpu.memory_space<vmem_shared>> -> memref<80x128xf32, #tpu.memory_space<vmem_shared>>
      tpu.wait_dma2 semaphore(%run_scoped3A : memref<!tpu.dma_semaphore, #tpu.memory_space<semaphore_mem>>) src(%arg7 : memref<80x128xf32, #tpu.memory_space<vmem>>) dst(%dma_wait3A_138 : memref<80x128xf32, #tpu.memory_space<vmem_shared>>)
      tpu.yield
    }) : () -> ()
    %mul3A_23 = arith.constant 640 : i32
    %mul3A_24 = arith.muli %arg1, %mul3A_23 : i32
    %add3A_25 = arith.constant 320 : i32
    %add3A_26 = arith.addi %mul3A_24, %add3A_25 : i32
    "tpu.region"() ({
      %run_scoped3A = tpu.sem_alloc : memref<!tpu.dma_semaphore, #tpu.memory_space<semaphore_mem>>
      %dma_start3A = arith.constant 0 : i32
      %dma_start3A_133 = tpu.memref_slice %arg11[%add3A_26, %dma_start3A] : memref<10240x128xf32, #tpu.memory_space<vmem_shared>> -> memref<80x128xf32, #tpu.memory_space<vmem_shared>>
      %dma_start3A_134 = arith.constant 0 : i32
      %dma_start3A_135 = tpu.memref_slice %arg11[%add3A_26, %dma_start3A_134] : memref<10240x128xf32, #tpu.memory_space<vmem_shared>> -> memref<80x128xf32, #tpu.memory_space<vmem_shared>>
      tpu.enqueue_dma source(%arg7 : memref<80x128xf32, #tpu.memory_space<vmem>>) target(%dma_start3A_135 : memref<80x128xf32, #tpu.memory_space<vmem_shared>>) target_semaphore(%run_scoped3A : memref<!tpu.dma_semaphore, #tpu.memory_space<semaphore_mem>>)
      %dma_wait3A = arith.constant 0 : i32
      %dma_wait3A_136 = tpu.memref_slice %arg11[%add3A_26, %dma_wait3A] : memref<10240x128xf32, #tpu.memory_space<vmem_shared>> -> memref<80x128xf32, #tpu.memory_space<vmem_shared>>
      %dma_wait3A_137 = arith.constant 0 : i32
      %dma_wait3A_138 = tpu.memref_slice %arg11[%add3A_26, %dma_wait3A_137] : memref<10240x128xf32, #tpu.memory_space<vmem_shared>> -> memref<80x128xf32, #tpu.memory_space<vmem_shared>>
      tpu.wait_dma2 semaphore(%run_scoped3A : memref<!tpu.dma_semaphore, #tpu.memory_space<semaphore_mem>>) src(%arg7 : memref<80x128xf32, #tpu.memory_space<vmem>>) dst(%dma_wait3A_138 : memref<80x128xf32, #tpu.memory_space<vmem_shared>>)
      tpu.yield
    }) : () -> ()
    %mul3A_27 = arith.constant 640 : i32
    %mul3A_28 = arith.muli %arg1, %mul3A_27 : i32
    %add3A_29 = arith.constant 400 : i32
    %add3A_30 = arith.addi %mul3A_28, %add3A_29 : i32
    "tpu.region"() ({
      %run_scoped3A = tpu.sem_alloc : memref<!tpu.dma_semaphore, #tpu.memory_space<semaphore_mem>>
      %dma_start3A = arith.constant 0 : i32
      %dma_start3A_133 = tpu.memref_slice %arg11[%add3A_30, %dma_start3A] : memref<10240x128xf32, #tpu.memory_space<vmem_shared>> -> memref<80x128xf32, #tpu.memory_space<vmem_shared>>
      %dma_start3A_134 = arith.constant 0 : i32
      %dma_start3A_135 = tpu.memref_slice %arg11[%add3A_30, %dma_start3A_134] : memref<10240x128xf32, #tpu.memory_space<vmem_shared>> -> memref<80x128xf32, #tpu.memory_space<vmem_shared>>
      tpu.enqueue_dma source(%arg7 : memref<80x128xf32, #tpu.memory_space<vmem>>) target(%dma_start3A_135 : memref<80x128xf32, #tpu.memory_space<vmem_shared>>) target_semaphore(%run_scoped3A : memref<!tpu.dma_semaphore, #tpu.memory_space<semaphore_mem>>)
      %dma_wait3A = arith.constant 0 : i32
      %dma_wait3A_136 = tpu.memref_slice %arg11[%add3A_30, %dma_wait3A] : memref<10240x128xf32, #tpu.memory_space<vmem_shared>> -> memref<80x128xf32, #tpu.memory_space<vmem_shared>>
      %dma_wait3A_137 = arith.constant 0 : i32
      %dma_wait3A_138 = tpu.memref_slice %arg11[%add3A_30, %dma_wait3A_137] : memref<10240x128xf32, #tpu.memory_space<vmem_shared>> -> memref<80x128xf32, #tpu.memory_space<vmem_shared>>
      tpu.wait_dma2 semaphore(%run_scoped3A : memref<!tpu.dma_semaphore, #tpu.memory_space<semaphore_mem>>) src(%arg7 : memref<80x128xf32, #tpu.memory_space<vmem>>) dst(%dma_wait3A_138 : memref<80x128xf32, #tpu.memory_space<vmem_shared>>)
      tpu.yield
    }) : () -> ()
    %mul3A_31 = arith.constant 640 : i32
    %mul3A_32 = arith.muli %arg1, %mul3A_31 : i32
    %add3A_33 = arith.constant 480 : i32
    %add3A_34 = arith.addi %mul3A_32, %add3A_33 : i32
    "tpu.region"() ({
      %run_scoped3A = tpu.sem_alloc : memref<!tpu.dma_semaphore, #tpu.memory_space<semaphore_mem>>
      %dma_start3A = arith.constant 0 : i32
      %dma_start3A_133 = tpu.memref_slice %arg11[%add3A_34, %dma_start3A] : memref<10240x128xf32, #tpu.memory_space<vmem_shared>> -> memref<80x128xf32, #tpu.memory_space<vmem_shared>>
      %dma_start3A_134 = arith.constant 0 : i32
      %dma_start3A_135 = tpu.memref_slice %arg11[%add3A_34, %dma_start3A_134] : memref<10240x128xf32, #tpu.memory_space<vmem_shared>> -> memref<80x128xf32, #tpu.memory_space<vmem_shared>>
      tpu.enqueue_dma source(%arg7 : memref<80x128xf32, #tpu.memory_space<vmem>>) target(%dma_start3A_135 : memref<80x128xf32, #tpu.memory_space<vmem_shared>>) target_semaphore(%run_scoped3A : memref<!tpu.dma_semaphore, #tpu.memory_space<semaphore_mem>>)
      %dma_wait3A = arith.constant 0 : i32
      %dma_wait3A_136 = tpu.memref_slice %arg11[%add3A_34, %dma_wait3A] : memref<10240x128xf32, #tpu.memory_space<vmem_shared>> -> memref<80x128xf32, #tpu.memory_space<vmem_shared>>
      %dma_wait3A_137 = arith.constant 0 : i32
      %dma_wait3A_138 = tpu.memref_slice %arg11[%add3A_34, %dma_wait3A_137] : memref<10240x128xf32, #tpu.memory_space<vmem_shared>> -> memref<80x128xf32, #tpu.memory_space<vmem_shared>>
      tpu.wait_dma2 semaphore(%run_scoped3A : memref<!tpu.dma_semaphore, #tpu.memory_space<semaphore_mem>>) src(%arg7 : memref<80x128xf32, #tpu.memory_space<vmem>>) dst(%dma_wait3A_138 : memref<80x128xf32, #tpu.memory_space<vmem_shared>>)
      tpu.yield
    }) : () -> ()
    %mul3A_35 = arith.constant 640 : i32
    %mul3A_36 = arith.muli %arg1, %mul3A_35 : i32
    %add3A_37 = arith.constant 560 : i32
    %add3A_38 = arith.addi %mul3A_36, %add3A_37 : i32
    "tpu.region"() ({
      %run_scoped3A = tpu.sem_alloc : memref<!tpu.dma_semaphore, #tpu.memory_space<semaphore_mem>>
      %dma_start3A = arith.constant 0 : i32
      %dma_start3A_133 = tpu.memref_slice %arg11[%add3A_38, %dma_start3A] : memref<10240x128xf32, #tpu.memory_space<vmem_shared>> -> memref<80x128xf32, #tpu.memory_space<vmem_shared>>
      %dma_start3A_134 = arith.constant 0 : i32
      %dma_start3A_135 = tpu.memref_slice %arg11[%add3A_38, %dma_start3A_134] : memref<10240x128xf32, #tpu.memory_space<vmem_shared>> -> memref<80x128xf32, #tpu.memory_space<vmem_shared>>
      tpu.enqueue_dma source(%arg7 : memref<80x128xf32, #tpu.memory_space<vmem>>) target(%dma_start3A_135 : memref<80x128xf32, #tpu.memory_space<vmem_shared>>) target_semaphore(%run_scoped3A : memref<!tpu.dma_semaphore, #tpu.memory_space<semaphore_mem>>)
      %dma_wait3A = arith.constant 0 : i32
      %dma_wait3A_136 = tpu.memref_slice %arg11[%add3A_38, %dma_wait3A] : memref<10240x128xf32, #tpu.memory_space<vmem_shared>> -> memref<80x128xf32, #tpu.memory_space<vmem_shared>>
      %dma_wait3A_137 = arith.constant 0 : i32
      %dma_wait3A_138 = tpu.memref_slice %arg11[%add3A_38, %dma_wait3A_137] : memref<10240x128xf32, #tpu.memory_space<vmem_shared>> -> memref<80x128xf32, #tpu.memory_space<vmem_shared>>
      tpu.wait_dma2 semaphore(%run_scoped3A : memref<!tpu.dma_semaphore, #tpu.memory_space<semaphore_mem>>) src(%arg7 : memref<80x128xf32, #tpu.memory_space<vmem>>) dst(%dma_wait3A_138 : memref<80x128xf32, #tpu.memory_space<vmem_shared>>)
      tpu.yield
    }) : () -> ()
    %barrier3A = arith.constant 0 : index
    tpu.barrier barrier_id(%barrier3A)
    %iota3A = tpu.iota {dimensions = array<i32: 0>} : vector<16xi32>
    %scan3A_39 = arith.constant 0 : i32
    %scan3A_40 = arith.constant 125 : i32
    %scan3A_41 = arith.addi %scan3A_39, %scan3A_40 : i32
    %scan3A_42 = arith.constant 1 : i32
    scf.for %scan3A_133 = %scan3A_39 to %scan3A_41 step %scan3A_42  : i32 {
      %mul3A_134 = arith.constant 80 : i32
      %mul3A_135 = arith.muli %scan3A_133, %mul3A_134 : i32
      %add3A_136 = arith.addi %mul3A_2, %mul3A_135 : i32
      "tpu.region"() ({
        %run_scoped3A = tpu.sem_alloc : memref<!tpu.dma_semaphore, #tpu.memory_space<semaphore_mem>>
        %dma_start3A_210 = tpu.memref_slice %arg2[%add3A_136] : memref<320000xi32, #tpu.memory_space<hbm>> -> memref<80xi32, #tpu.memory_space<hbm>>
        %dma_start3A_211 = tpu.memref_slice %arg2[%add3A_136] : memref<320000xi32, #tpu.memory_space<hbm>> -> memref<80xi32, #tpu.memory_space<hbm>>
        tpu.enqueue_dma source(%dma_start3A_211 : memref<80xi32, #tpu.memory_space<hbm>>) target(%arg8 : memref<80xi32, #tpu.memory_space<vmem>>) target_semaphore(%run_scoped3A : memref<!tpu.dma_semaphore, #tpu.memory_space<semaphore_mem>>)
        %dma_wait3A_212 = tpu.memref_slice %arg2[%add3A_136] : memref<320000xi32, #tpu.memory_space<hbm>> -> memref<80xi32, #tpu.memory_space<hbm>>
        %dma_wait3A_213 = tpu.memref_slice %arg2[%add3A_136] : memref<320000xi32, #tpu.memory_space<hbm>> -> memref<80xi32, #tpu.memory_space<hbm>>
        tpu.wait_dma2 semaphore(%run_scoped3A : memref<!tpu.dma_semaphore, #tpu.memory_space<semaphore_mem>>) src(%dma_wait3A_213 : memref<80xi32, #tpu.memory_space<hbm>>) dst(%arg8 : memref<80xi32, #tpu.memory_space<vmem>>)
        tpu.yield
      }) : () -> ()
      %dma_start3A = arith.constant 0 : i32
      %dma_start3A_137 = arith.constant 0 : i32
      %dma_start3A_138 = tpu.memref_slice %arg4[%dma_start3A, %dma_start3A_137] : memref<10000x384xf32, #tpu.memory_space<hbm>> -> memref<10000x384xf32, #tpu.memory_space<hbm>>
      tpu.enqueue_indirect_dma source(%dma_start3A_138 : memref<10000x384xf32, #tpu.memory_space<hbm>>) target(%arg6 : memref<80x384xf32, #tpu.memory_space<vmem>>) offsets(%arg8 : memref<80xi32, #tpu.memory_space<vmem>>) semaphore(%arg12 : memref<!tpu.dma_semaphore, #tpu.memory_space<semaphore_mem>>)
      %dma_wait3A = arith.constant 0 : i32
      %dma_wait3A_139 = arith.constant 0 : i32
      %dma_wait3A_140 = tpu.memref_slice %arg4[%dma_wait3A, %dma_wait3A_139] : memref<10000x384xf32, #tpu.memory_space<hbm>> -> memref<10000x384xf32, #tpu.memory_space<hbm>>
      tpu.wait_indirect_dma semaphore(%arg12 : memref<!tpu.dma_semaphore, #tpu.memory_space<semaphore_mem>>) src(%dma_wait3A_140 : memref<10000x384xf32, #tpu.memory_space<hbm>>) dst(%arg6 : memref<80x384xf32, #tpu.memory_space<vmem>>)
      %mul3A_141 = arith.constant 4 : i32
      %mul3A_142 = arith.muli %add3A_136, %mul3A_141 : i32
      "tpu.region"() ({
        %run_scoped3A = tpu.sem_alloc : memref<!tpu.dma_semaphore, #tpu.memory_space<semaphore_mem>>
        %dma_start3A_210 = tpu.memref_slice %arg3[%mul3A_142] : memref<1280000xf32, #tpu.memory_space<hbm>> -> memref<320xf32, #tpu.memory_space<hbm>>
        %dma_start3A_211 = tpu.memref_slice %arg3[%mul3A_142] : memref<1280000xf32, #tpu.memory_space<hbm>> -> memref<320xf32, #tpu.memory_space<hbm>>
        tpu.enqueue_dma source(%dma_start3A_211 : memref<320xf32, #tpu.memory_space<hbm>>) target(%arg10 : memref<320xf32, #tpu.memory_space<vmem>>) target_semaphore(%run_scoped3A : memref<!tpu.dma_semaphore, #tpu.memory_space<semaphore_mem>>)
        %dma_wait3A_212 = tpu.memref_slice %arg3[%mul3A_142] : memref<1280000xf32, #tpu.memory_space<hbm>> -> memref<320xf32, #tpu.memory_space<hbm>>
        %dma_wait3A_213 = tpu.memref_slice %arg3[%mul3A_142] : memref<1280000xf32, #tpu.memory_space<hbm>> -> memref<320xf32, #tpu.memory_space<hbm>>
        tpu.wait_dma2 semaphore(%run_scoped3A : memref<!tpu.dma_semaphore, #tpu.memory_space<semaphore_mem>>) src(%dma_wait3A_213 : memref<320xf32, #tpu.memory_space<hbm>>) dst(%arg10 : memref<320xf32, #tpu.memory_space<vmem>>)
        tpu.yield
      }) : () -> ()
      %add3A_143 = arith.constant 0 : i32
      %add3A_144 = vector.broadcast %add3A_143 : i32 to vector<16xi32>
      %add3A_145 = arith.addi %add3A_144, %iota3A : vector<16xi32>
      %mul3A_146 = arith.constant 4 : i32
      %mul3A_147 = vector.broadcast %mul3A_146 : i32 to vector<16xi32>
      %mul3A_148 = arith.muli %add3A_145, %mul3A_147 : vector<16xi32>
      %add3A_149 = arith.constant 3 : i32
      %add3A_150 = vector.broadcast %add3A_149 : i32 to vector<16xi32>
      %add3A_151 = arith.addi %mul3A_148, %add3A_150 : vector<16xi32>
      %gather3A = tpu.vector_load_idx %arg10[%add3A_151] : memref<320xf32, #tpu.memory_space<vmem>>[vector<16xi32>], vector<16xf32>,
      %bitcast3A = vector.bitcast %gather3A : vector<16xf32> to vector<16xi32>
      %swap3A = arith.constant 0 : index
      %swap3A_152 = tpu.vector_load %arg9[%swap3A] {strides = array<i32>} : memref<80xi32, #tpu.memory_space<vmem>>, vector<16xi32>,
      tpu.vector_store %arg9[%swap3A], %bitcast3A {strides = array<i32>} : memref<80xi32, #tpu.memory_space<vmem>>, vector<16xi32>,
      %add3A_153 = arith.constant 16 : i32
      %add3A_154 = vector.broadcast %add3A_153 : i32 to vector<16xi32>
      %add3A_155 = arith.addi %add3A_154, %iota3A : vector<16xi32>
      %mul3A_156 = arith.constant 4 : i32
      %mul3A_157 = vector.broadcast %mul3A_156 : i32 to vector<16xi32>
      %mul3A_158 = arith.muli %add3A_155, %mul3A_157 : vector<16xi32>
      %add3A_159 = arith.constant 3 : i32
      %add3A_160 = vector.broadcast %add3A_159 : i32 to vector<16xi32>
      %add3A_161 = arith.addi %mul3A_158, %add3A_160 : vector<16xi32>
      %gather3A_162 = tpu.vector_load_idx %arg10[%add3A_161] : memref<320xf32, #tpu.memory_space<vmem>>[vector<16xi32>], vector<16xf32>,
      %bitcast3A_163 = vector.bitcast %gather3A_162 : vector<16xf32> to vector<16xi32>
      %swap3A_164 = arith.constant 16 : index
      %swap3A_165 = tpu.vector_load %arg9[%swap3A_164] {strides = array<i32>} : memref<80xi32, #tpu.memory_space<vmem>>, vector<16xi32>,
      tpu.vector_store %arg9[%swap3A_164], %bitcast3A_163 {strides = array<i32>} : memref<80xi32, #tpu.memory_space<vmem>>, vector<16xi32>,
      %add3A_166 = arith.constant 32 : i32
      %add3A_167 = vector.broadcast %add3A_166 : i32 to vector<16xi32>
      %add3A_168 = arith.addi %add3A_167, %iota3A : vector<16xi32>
      %mul3A_169 = arith.constant 4 : i32
      %mul3A_170 = vector.broadcast %mul3A_169 : i32 to vector<16xi32>
      %mul3A_171 = arith.muli %add3A_168, %mul3A_170 : vector<16xi32>
      %add3A_172 = arith.constant 3 : i32
      %add3A_173 = vector.broadcast %add3A_172 : i32 to vector<16xi32>
      %add3A_174 = arith.addi %mul3A_171, %add3A_173 : vector<16xi32>
      %gather3A_175 = tpu.vector_load_idx %arg10[%add3A_174] : memref<320xf32, #tpu.memory_space<vmem>>[vector<16xi32>], vector<16xf32>,
      %bitcast3A_176 = vector.bitcast %gather3A_175 : vector<16xf32> to vector<16xi32>
      %swap3A_177 = arith.constant 32 : index
      %swap3A_178 = tpu.vector_load %arg9[%swap3A_177] {strides = array<i32>} : memref<80xi32, #tpu.memory_space<vmem>>, vector<16xi32>,
      tpu.vector_store %arg9[%swap3A_177], %bitcast3A_176 {strides = array<i32>} : memref<80xi32, #tpu.memory_space<vmem>>, vector<16xi32>,
      %add3A_179 = arith.constant 48 : i32
      %add3A_180 = vector.broadcast %add3A_179 : i32 to vector<16xi32>
      %add3A_181 = arith.addi %add3A_180, %iota3A : vector<16xi32>
      %mul3A_182 = arith.constant 4 : i32
      %mul3A_183 = vector.broadcast %mul3A_182 : i32 to vector<16xi32>
      %mul3A_184 = arith.muli %add3A_181, %mul3A_183 : vector<16xi32>
      %add3A_185 = arith.constant 3 : i32
      %add3A_186 = vector.broadcast %add3A_185 : i32 to vector<16xi32>
      %add3A_187 = arith.addi %mul3A_184, %add3A_186 : vector<16xi32>
      %gather3A_188 = tpu.vector_load_idx %arg10[%add3A_187] : memref<320xf32, #tpu.memory_space<vmem>>[vector<16xi32>], vector<16xf32>,
      %bitcast3A_189 = vector.bitcast %gather3A_188 : vector<16xf32> to vector<16xi32>
      %swap3A_190 = arith.constant 48 : index
      %swap3A_191 = tpu.vector_load %arg9[%swap3A_190] {strides = array<i32>} : memref<80xi32, #tpu.memory_space<vmem>>, vector<16xi32>,
      tpu.vector_store %arg9[%swap3A_190], %bitcast3A_189 {strides = array<i32>} : memref<80xi32, #tpu.memory_space<vmem>>, vector<16xi32>,
      %add3A_192 = arith.constant 64 : i32
      %add3A_193 = vector.broadcast %add3A_192 : i32 to vector<16xi32>
      %add3A_194 = arith.addi %add3A_193, %iota3A : vector<16xi32>
      %mul3A_195 = arith.constant 4 : i32
      %mul3A_196 = vector.broadcast %mul3A_195 : i32 to vector<16xi32>
      %mul3A_197 = arith.muli %add3A_194, %mul3A_196 : vector<16xi32>
      %add3A_198 = arith.constant 3 : i32
      %add3A_199 = vector.broadcast %add3A_198 : i32 to vector<16xi32>
      %add3A_200 = arith.addi %mul3A_197, %add3A_199 : vector<16xi32>
      %gather3A_201 = tpu.vector_load_idx %arg10[%add3A_200] : memref<320xf32, #tpu.memory_space<vmem>>[vector<16xi32>], vector<16xf32>,
      %bitcast3A_202 = vector.bitcast %gather3A_201 : vector<16xf32> to vector<16xi32>
      %swap3A_203 = arith.constant 64 : index
      %swap3A_204 = tpu.vector_load %arg9[%swap3A_203] {strides = array<i32>} : memref<80xi32, #tpu.memory_space<vmem>>, vector<16xi32>,
      tpu.vector_store %arg9[%swap3A_203], %bitcast3A_202 {strides = array<i32>} : memref<80xi32, #tpu.memory_space<vmem>>, vector<16xi32>,
      %scan3A_205 = arith.constant 0 : i32
      %scan3A_206 = arith.constant 80 : i32
      %scan3A_207 = arith.addi %scan3A_205, %scan3A_206 : i32
      %scan3A_208 = arith.constant 1 : i32
      scf.for %scan3A_210 = %scan3A_205 to %scan3A_207 step %scan3A_208  : i32 {
        %broadcast_in_dim3A = arith.constant 0 : i32
        %broadcast_in_dim3A_211 = vector.broadcast %broadcast_in_dim3A : i32 to vector<16xi32>
        %mul3A_212 = arith.constant 4 : i32
        %mul3A_213 = arith.muli %scan3A_210, %mul3A_212 : i32
        %add3A_214 = vector.broadcast %mul3A_213 : i32 to vector<16xi32>
        %add3A_215 = arith.addi %broadcast_in_dim3A_211, %add3A_214 : vector<16xi32>
        %gather3A_216 = tpu.vector_load_idx %arg10[%add3A_215] : memref<320xf32, #tpu.memory_space<vmem>>[vector<16xi32>], vector<16xf32>,
        %add3A_217 = arith.constant 1 : i32
        %add3A_218 = vector.broadcast %add3A_217 : i32 to vector<16xi32>
        %add3A_219 = arith.addi %add3A_215, %add3A_218 : vector<16xi32>
        %gather3A_220 = tpu.vector_load_idx %arg10[%add3A_219] : memref<320xf32, #tpu.memory_space<vmem>>[vector<16xi32>], vector<16xf32>,
        %add3A_221 = arith.constant 2 : i32
        %add3A_222 = vector.broadcast %add3A_221 : i32 to vector<16xi32>
        %add3A_223 = arith.addi %add3A_215, %add3A_222 : vector<16xi32>
        %gather3A_224 = tpu.vector_load_idx %arg10[%add3A_223] : memref<320xf32, #tpu.memory_space<vmem>>[vector<16xi32>], vector<16xf32>,
        %get3A = arith.index_cast %scan3A_210 : i32 to index
        %get3A_225 = arith.constant 0 : index
        %get3A_226 = tpu.vector_load %arg6[%get3A, %get3A_225] {strides = array<i32>} : memref<80x384xf32, #tpu.memory_space<vmem>>, vector<16xf32>,
        %mul3A_227 = arith.mulf %gather3A_216, %get3A_226 : vector<16xf32>
        %get3A_228 = arith.index_cast %scan3A_210 : i32 to index
        %get3A_229 = arith.constant 128 : index
        %get3A_230 = tpu.vector_load %arg6[%get3A_228, %get3A_229] {strides = array<i32>} : memref<80x384xf32, #tpu.memory_space<vmem>>, vector<16xf32>,
        %mul3A_231 = arith.mulf %gather3A_220, %get3A_230 : vector<16xf32>
        %add3A_232 = arith.addf %mul3A_227, %mul3A_231 : vector<16xf32>
        %get3A_233 = arith.index_cast %scan3A_210 : i32 to index
        %get3A_234 = arith.constant 256 : index
        %get3A_235 = tpu.vector_load %arg6[%get3A_233, %get3A_234] {strides = array<i32>} : memref<80x384xf32, #tpu.memory_space<vmem>>, vector<16xf32>,
        %mul3A_236 = arith.mulf %gather3A_224, %get3A_235 : vector<16xf32>
        %add3A_237 = arith.addf %add3A_232, %mul3A_236 : vector<16xf32>
        %swap3A_238 = arith.index_cast %scan3A_210 : i32 to index
        %swap3A_239 = arith.constant 0 : index
        %swap3A_240 = tpu.vector_load %arg7[%swap3A_238, %swap3A_239] {strides = array<i32>} : memref<80x128xf32, #tpu.memory_space<vmem>>, vector<16xf32>,
        tpu.vector_store %arg7[%swap3A_238, %swap3A_239], %add3A_237 {strides = array<i32>} : memref<80x128xf32, #tpu.memory_space<vmem>>, vector<16xf32>,
        %get3A_241 = arith.index_cast %scan3A_210 : i32 to index
        %get3A_242 = arith.constant 16 : index
        %get3A_243 = tpu.vector_load %arg6[%get3A_241, %get3A_242] {strides = array<i32>} : memref<80x384xf32, #tpu.memory_space<vmem>>, vector<16xf32>,
        %mul3A_244 = arith.mulf %gather3A_216, %get3A_243 : vector<16xf32>
        %get3A_245 = arith.index_cast %scan3A_210 : i32 to index
        %get3A_246 = arith.constant 144 : index
        %get3A_247 = tpu.vector_load %arg6[%get3A_245, %get3A_246] {strides = array<i32>} : memref<80x384xf32, #tpu.memory_space<vmem>>, vector<16xf32>,
        %mul3A_248 = arith.mulf %gather3A_220, %get3A_247 : vector<16xf32>
        %add3A_249 = arith.addf %mul3A_244, %mul3A_248 : vector<16xf32>
        %get3A_250 = arith.index_cast %scan3A_210 : i32 to index
        %get3A_251 = arith.constant 272 : index
        %get3A_252 = tpu.vector_load %arg6[%get3A_250, %get3A_251] {strides = array<i32>} : memref<80x384xf32, #tpu.memory_space<vmem>>, vector<16xf32>,
        %mul3A_253 = arith.mulf %gather3A_224, %get3A_252 : vector<16xf32>
        %add3A_254 = arith.addf %add3A_249, %mul3A_253 : vector<16xf32>
        %swap3A_255 = arith.index_cast %scan3A_210 : i32 to index
        %swap3A_256 = arith.constant 16 : index
        %swap3A_257 = tpu.vector_load %arg7[%swap3A_255, %swap3A_256] {strides = array<i32>} : memref<80x128xf32, #tpu.memory_space<vmem>>, vector<16xf32>,
        tpu.vector_store %arg7[%swap3A_255, %swap3A_256], %add3A_254 {strides = array<i32>} : memref<80x128xf32, #tpu.memory_space<vmem>>, vector<16xf32>,
        %get3A_258 = arith.index_cast %scan3A_210 : i32 to index
        %get3A_259 = arith.constant 32 : index
        %get3A_260 = tpu.vector_load %arg6[%get3A_258, %get3A_259] {strides = array<i32>} : memref<80x384xf32, #tpu.memory_space<vmem>>, vector<16xf32>,
        %mul3A_261 = arith.mulf %gather3A_216, %get3A_260 : vector<16xf32>
        %get3A_262 = arith.index_cast %scan3A_210 : i32 to index
        %get3A_263 = arith.constant 160 : index
        %get3A_264 = tpu.vector_load %arg6[%get3A_262, %get3A_263] {strides = array<i32>} : memref<80x384xf32, #tpu.memory_space<vmem>>, vector<16xf32>,
        %mul3A_265 = arith.mulf %gather3A_220, %get3A_264 : vector<16xf32>
        %add3A_266 = arith.addf %mul3A_261, %mul3A_265 : vector<16xf32>
        %get3A_267 = arith.index_cast %scan3A_210 : i32 to index
        %get3A_268 = arith.constant 288 : index
        %get3A_269 = tpu.vector_load %arg6[%get3A_267, %get3A_268] {strides = array<i32>} : memref<80x384xf32, #tpu.memory_space<vmem>>, vector<16xf32>,
        %mul3A_270 = arith.mulf %gather3A_224, %get3A_269 : vector<16xf32>
        %add3A_271 = arith.addf %add3A_266, %mul3A_270 : vector<16xf32>
        %swap3A_272 = arith.index_cast %scan3A_210 : i32 to index
        %swap3A_273 = arith.constant 32 : index
        %swap3A_274 = tpu.vector_load %arg7[%swap3A_272, %swap3A_273] {strides = array<i32>} : memref<80x128xf32, #tpu.memory_space<vmem>>, vector<16xf32>,
        tpu.vector_store %arg7[%swap3A_272, %swap3A_273], %add3A_271 {strides = array<i32>} : memref<80x128xf32, #tpu.memory_space<vmem>>, vector<16xf32>,
        %get3A_275 = arith.index_cast %scan3A_210 : i32 to index
        %get3A_276 = arith.constant 48 : index
        %get3A_277 = tpu.vector_load %arg6[%get3A_275, %get3A_276] {strides = array<i32>} : memref<80x384xf32, #tpu.memory_space<vmem>>, vector<16xf32>,
        %mul3A_278 = arith.mulf %gather3A_216, %get3A_277 : vector<16xf32>
        %get3A_279 = arith.index_cast %scan3A_210 : i32 to index
        %get3A_280 = arith.constant 176 : index
        %get3A_281 = tpu.vector_load %arg6[%get3A_279, %get3A_280] {strides = array<i32>} : memref<80x384xf32, #tpu.memory_space<vmem>>, vector<16xf32>,
        %mul3A_282 = arith.mulf %gather3A_220, %get3A_281 : vector<16xf32>
        %add3A_283 = arith.addf %mul3A_278, %mul3A_282 : vector<16xf32>
        %get3A_284 = arith.index_cast %scan3A_210 : i32 to index
        %get3A_285 = arith.constant 304 : index
        %get3A_286 = tpu.vector_load %arg6[%get3A_284, %get3A_285] {strides = array<i32>} : memref<80x384xf32, #tpu.memory_space<vmem>>, vector<16xf32>,
        %mul3A_287 = arith.mulf %gather3A_224, %get3A_286 : vector<16xf32>
        %add3A_288 = arith.addf %add3A_283, %mul3A_287 : vector<16xf32>
        %swap3A_289 = arith.index_cast %scan3A_210 : i32 to index
        %swap3A_290 = arith.constant 48 : index
        %swap3A_291 = tpu.vector_load %arg7[%swap3A_289, %swap3A_290] {strides = array<i32>} : memref<80x128xf32, #tpu.memory_space<vmem>>, vector<16xf32>,
        tpu.vector_store %arg7[%swap3A_289, %swap3A_290], %add3A_288 {strides = array<i32>} : memref<80x128xf32, #tpu.memory_space<vmem>>, vector<16xf32>,
        %get3A_292 = arith.index_cast %scan3A_210 : i32 to index
        %get3A_293 = arith.constant 64 : index
        %get3A_294 = tpu.vector_load %arg6[%get3A_292, %get3A_293] {strides = array<i32>} : memref<80x384xf32, #tpu.memory_space<vmem>>, vector<16xf32>,
        %mul3A_295 = arith.mulf %gather3A_216, %get3A_294 : vector<16xf32>
        %get3A_296 = arith.index_cast %scan3A_210 : i32 to index
        %get3A_297 = arith.constant 192 : index
        %get3A_298 = tpu.vector_load %arg6[%get3A_296, %get3A_297] {strides = array<i32>} : memref<80x384xf32, #tpu.memory_space<vmem>>, vector<16xf32>,
        %mul3A_299 = arith.mulf %gather3A_220, %get3A_298 : vector<16xf32>
        %add3A_300 = arith.addf %mul3A_295, %mul3A_299 : vector<16xf32>
        %get3A_301 = arith.index_cast %scan3A_210 : i32 to index
        %get3A_302 = arith.constant 320 : index
        %get3A_303 = tpu.vector_load %arg6[%get3A_301, %get3A_302] {strides = array<i32>} : memref<80x384xf32, #tpu.memory_space<vmem>>, vector<16xf32>,
        %mul3A_304 = arith.mulf %gather3A_224, %get3A_303 : vector<16xf32>
        %add3A_305 = arith.addf %add3A_300, %mul3A_304 : vector<16xf32>
        %swap3A_306 = arith.index_cast %scan3A_210 : i32 to index
        %swap3A_307 = arith.constant 64 : index
        %swap3A_308 = tpu.vector_load %arg7[%swap3A_306, %swap3A_307] {strides = array<i32>} : memref<80x128xf32, #tpu.memory_space<vmem>>, vector<16xf32>,
        tpu.vector_store %arg7[%swap3A_306, %swap3A_307], %add3A_305 {strides = array<i32>} : memref<80x128xf32, #tpu.memory_space<vmem>>, vector<16xf32>,
        %get3A_309 = arith.index_cast %scan3A_210 : i32 to index
        %get3A_310 = arith.constant 80 : index
        %get3A_311 = tpu.vector_load %arg6[%get3A_309, %get3A_310] {strides = array<i32>} : memref<80x384xf32, #tpu.memory_space<vmem>>, vector<16xf32>,
        %mul3A_312 = arith.mulf %gather3A_216, %get3A_311 : vector<16xf32>
        %get3A_313 = arith.index_cast %scan3A_210 : i32 to index
        %get3A_314 = arith.constant 208 : index
        %get3A_315 = tpu.vector_load %arg6[%get3A_313, %get3A_314] {strides = array<i32>} : memref<80x384xf32, #tpu.memory_space<vmem>>, vector<16xf32>,
        %mul3A_316 = arith.mulf %gather3A_220, %get3A_315 : vector<16xf32>
        %add3A_317 = arith.addf %mul3A_312, %mul3A_316 : vector<16xf32>
        %get3A_318 = arith.index_cast %scan3A_210 : i32 to index
        %get3A_319 = arith.constant 336 : index
        %get3A_320 = tpu.vector_load %arg6[%get3A_318, %get3A_319] {strides = array<i32>} : memref<80x384xf32, #tpu.memory_space<vmem>>, vector<16xf32>,
        %mul3A_321 = arith.mulf %gather3A_224, %get3A_320 : vector<16xf32>
        %add3A_322 = arith.addf %add3A_317, %mul3A_321 : vector<16xf32>
        %swap3A_323 = arith.index_cast %scan3A_210 : i32 to index
        %swap3A_324 = arith.constant 80 : index
        %swap3A_325 = tpu.vector_load %arg7[%swap3A_323, %swap3A_324] {strides = array<i32>} : memref<80x128xf32, #tpu.memory_space<vmem>>, vector<16xf32>,
        tpu.vector_store %arg7[%swap3A_323, %swap3A_324], %add3A_322 {strides = array<i32>} : memref<80x128xf32, #tpu.memory_space<vmem>>, vector<16xf32>,
        %get3A_326 = arith.index_cast %scan3A_210 : i32 to index
        %get3A_327 = arith.constant 96 : index
        %get3A_328 = tpu.vector_load %arg6[%get3A_326, %get3A_327] {strides = array<i32>} : memref<80x384xf32, #tpu.memory_space<vmem>>, vector<16xf32>,
        %mul3A_329 = arith.mulf %gather3A_216, %get3A_328 : vector<16xf32>
        %get3A_330 = arith.index_cast %scan3A_210 : i32 to index
        %get3A_331 = arith.constant 224 : index
        %get3A_332 = tpu.vector_load %arg6[%get3A_330, %get3A_331] {strides = array<i32>} : memref<80x384xf32, #tpu.memory_space<vmem>>, vector<16xf32>,
        %mul3A_333 = arith.mulf %gather3A_220, %get3A_332 : vector<16xf32>
        %add3A_334 = arith.addf %mul3A_329, %mul3A_333 : vector<16xf32>
        %get3A_335 = arith.index_cast %scan3A_210 : i32 to index
        %get3A_336 = arith.constant 352 : index
        %get3A_337 = tpu.vector_load %arg6[%get3A_335, %get3A_336] {strides = array<i32>} : memref<80x384xf32, #tpu.memory_space<vmem>>, vector<16xf32>,
        %mul3A_338 = arith.mulf %gather3A_224, %get3A_337 : vector<16xf32>
        %add3A_339 = arith.addf %add3A_334, %mul3A_338 : vector<16xf32>
        %swap3A_340 = arith.index_cast %scan3A_210 : i32 to index
        %swap3A_341 = arith.constant 96 : index
        %swap3A_342 = tpu.vector_load %arg7[%swap3A_340, %swap3A_341] {strides = array<i32>} : memref<80x128xf32, #tpu.memory_space<vmem>>, vector<16xf32>,
        tpu.vector_store %arg7[%swap3A_340, %swap3A_341], %add3A_339 {strides = array<i32>} : memref<80x128xf32, #tpu.memory_space<vmem>>, vector<16xf32>,
        %get3A_343 = arith.index_cast %scan3A_210 : i32 to index
        %get3A_344 = arith.constant 112 : index
        %get3A_345 = tpu.vector_load %arg6[%get3A_343, %get3A_344] {strides = array<i32>} : memref<80x384xf32, #tpu.memory_space<vmem>>, vector<16xf32>,
        %mul3A_346 = arith.mulf %gather3A_216, %get3A_345 : vector<16xf32>
        %get3A_347 = arith.index_cast %scan3A_210 : i32 to index
        %get3A_348 = arith.constant 240 : index
        %get3A_349 = tpu.vector_load %arg6[%get3A_347, %get3A_348] {strides = array<i32>} : memref<80x384xf32, #tpu.memory_space<vmem>>, vector<16xf32>,
        %mul3A_350 = arith.mulf %gather3A_220, %get3A_349 : vector<16xf32>
        %add3A_351 = arith.addf %mul3A_346, %mul3A_350 : vector<16xf32>
        %get3A_352 = arith.index_cast %scan3A_210 : i32 to index
        %get3A_353 = arith.constant 368 : index
        %get3A_354 = tpu.vector_load %arg6[%get3A_352, %get3A_353] {strides = array<i32>} : memref<80x384xf32, #tpu.memory_space<vmem>>, vector<16xf32>,
        %mul3A_355 = arith.mulf %gather3A_224, %get3A_354 : vector<16xf32>
        %add3A_356 = arith.addf %add3A_351, %mul3A_355 : vector<16xf32>
        %swap3A_357 = arith.index_cast %scan3A_210 : i32 to index
        %swap3A_358 = arith.constant 112 : index
        %swap3A_359 = tpu.vector_load %arg7[%swap3A_357, %swap3A_358] {strides = array<i32>} : memref<80x128xf32, #tpu.memory_space<vmem>>, vector<16xf32>,
        tpu.vector_store %arg7[%swap3A_357, %swap3A_358], %add3A_356 {strides = array<i32>} : memref<80x128xf32, #tpu.memory_space<vmem>>, vector<16xf32>,
      }
      %scan3A_209 = arith.constant 80 : i32
      "tpu.region"() ({
        %run_scoped3A = tpu.sem_alloc : memref<!tpu.dma_semaphore, #tpu.memory_space<semaphore_mem>>
        %dma_start3A_210 = arith.constant 0 : i32
        %dma_start3A_211 = arith.constant 0 : i32
        %dma_start3A_212 = tpu.memref_slice %arg11[%dma_start3A_210, %dma_start3A_211] : memref<10240x128xf32, #tpu.memory_space<vmem_shared>> -> memref<10240x128xf32, #tpu.memory_space<vmem_shared>>
        tpu.enqueue_indirect_dma source(%arg7 : memref<80x128xf32, #tpu.memory_space<vmem>>) target(%dma_start3A_212 : memref<10240x128xf32, #tpu.memory_space<vmem_shared>>) offsets(%arg9 : memref<80xi32, #tpu.memory_space<vmem>>) semaphore(%run_scoped3A : memref<!tpu.dma_semaphore, #tpu.memory_space<semaphore_mem>>) {add = true}
        %dma_wait3A_213 = arith.constant 0 : i32
        %dma_wait3A_214 = arith.constant 0 : i32
        %dma_wait3A_215 = tpu.memref_slice %arg11[%dma_wait3A_213, %dma_wait3A_214] : memref<10240x128xf32, #tpu.memory_space<vmem_shared>> -> memref<10240x128xf32, #tpu.memory_space<vmem_shared>>
        tpu.wait_indirect_dma semaphore(%run_scoped3A : memref<!tpu.dma_semaphore, #tpu.memory_space<semaphore_mem>>) src(%arg7 : memref<80x128xf32, #tpu.memory_space<vmem>>) dst(%dma_wait3A_215 : memref<10240x128xf32, #tpu.memory_space<vmem_shared>>)
        tpu.yield
      }) : () -> ()
    }
    %scan3A_43 = arith.constant 125 : i32
    %barrier3A_44 = arith.constant 0 : index
    tpu.barrier barrier_id(%barrier3A_44)
    %mul3A_45 = arith.constant 640 : i32
    %mul3A_46 = arith.muli %arg1, %mul3A_45 : i32
    %add3A_47 = arith.constant 0 : i32
    %add3A_48 = arith.addi %mul3A_46, %add3A_47 : i32
    "tpu.region"() ({
      %run_scoped3A = tpu.sem_alloc : memref<!tpu.dma_semaphore, #tpu.memory_space<semaphore_mem>>
      %dma_start3A = arith.constant 0 : i32
      %dma_start3A_133 = tpu.memref_slice %arg11[%add3A_48, %dma_start3A] : memref<10240x128xf32, #tpu.memory_space<vmem_shared>> -> memref<80x128xf32, #tpu.memory_space<vmem_shared>>
      %dma_start3A_134 = arith.constant 0 : i32
      %dma_start3A_135 = tpu.memref_slice %arg11[%add3A_48, %dma_start3A_134] : memref<10240x128xf32, #tpu.memory_space<vmem_shared>> -> memref<80x128xf32, #tpu.memory_space<vmem_shared>>
      tpu.enqueue_dma source(%dma_start3A_135 : memref<80x128xf32, #tpu.memory_space<vmem_shared>>) target(%arg7 : memref<80x128xf32, #tpu.memory_space<vmem>>) target_semaphore(%run_scoped3A : memref<!tpu.dma_semaphore, #tpu.memory_space<semaphore_mem>>)
      %dma_wait3A = arith.constant 0 : i32
      %dma_wait3A_136 = tpu.memref_slice %arg11[%add3A_48, %dma_wait3A] : memref<10240x128xf32, #tpu.memory_space<vmem_shared>> -> memref<80x128xf32, #tpu.memory_space<vmem_shared>>
      %dma_wait3A_137 = arith.constant 0 : i32
      %dma_wait3A_138 = tpu.memref_slice %arg11[%add3A_48, %dma_wait3A_137] : memref<10240x128xf32, #tpu.memory_space<vmem_shared>> -> memref<80x128xf32, #tpu.memory_space<vmem_shared>>
      tpu.wait_dma2 semaphore(%run_scoped3A : memref<!tpu.dma_semaphore, #tpu.memory_space<semaphore_mem>>) src(%dma_wait3A_138 : memref<80x128xf32, #tpu.memory_space<vmem_shared>>) dst(%arg7 : memref<80x128xf32, #tpu.memory_space<vmem>>)
      tpu.yield
    }) : () -> ()
    %mul3A_49 = arith.constant 10240 : i32
    %mul3A_50 = arith.muli %arg0, %mul3A_49 : i32
    %mul3A_51 = arith.constant 640 : i32
    %mul3A_52 = arith.muli %arg1, %mul3A_51 : i32
    %add3A_53 = arith.addi %mul3A_50, %mul3A_52 : i32
    %add3A_54 = arith.constant 0 : i32
    %add3A_55 = arith.addi %add3A_53, %add3A_54 : i32
    "tpu.region"() ({
      %run_scoped3A = tpu.sem_alloc : memref<!tpu.dma_semaphore, #tpu.memory_space<semaphore_mem>>
      %dma_start3A = arith.constant 0 : i32
      %dma_start3A_133 = tpu.memref_slice %arg5[%add3A_55, %dma_start3A] : memref<20480x128xf32, #tpu.memory_space<hbm>> -> memref<80x128xf32, #tpu.memory_space<hbm>>
      %dma_start3A_134 = arith.constant 0 : i32
      %dma_start3A_135 = tpu.memref_slice %arg5[%add3A_55, %dma_start3A_134] : memref<20480x128xf32, #tpu.memory_space<hbm>> -> memref<80x128xf32, #tpu.memory_space<hbm>>
      tpu.enqueue_dma source(%arg7 : memref<80x128xf32, #tpu.memory_space<vmem>>) target(%dma_start3A_135 : memref<80x128xf32, #tpu.memory_space<hbm>>) target_semaphore(%run_scoped3A : memref<!tpu.dma_semaphore, #tpu.memory_space<semaphore_mem>>)
      %dma_wait3A = arith.constant 0 : i32
      %dma_wait3A_136 = tpu.memref_slice %arg5[%add3A_55, %dma_wait3A] : memref<20480x128xf32, #tpu.memory_space<hbm>> -> memref<80x128xf32, #tpu.memory_space<hbm>>
      %dma_wait3A_137 = arith.constant 0 : i32
      %dma_wait3A_138 = tpu.memref_slice %arg5[%add3A_55, %dma_wait3A_137] : memref<20480x128xf32, #tpu.memory_space<hbm>> -> memref<80x128xf32, #tpu.memory_space<hbm>>
      tpu.wait_dma2 semaphore(%run_scoped3A : memref<!tpu.dma_semaphore, #tpu.memory_space<semaphore_mem>>) src(%arg7 : memref<80x128xf32, #tpu.memory_space<vmem>>) dst(%dma_wait3A_138 : memref<80x128xf32, #tpu.memory_space<hbm>>)
      tpu.yield
    }) : () -> ()
    %mul3A_56 = arith.constant 640 : i32
    %mul3A_57 = arith.muli %arg1, %mul3A_56 : i32
    %add3A_58 = arith.constant 80 : i32
    %add3A_59 = arith.addi %mul3A_57, %add3A_58 : i32
    "tpu.region"() ({
      %run_scoped3A = tpu.sem_alloc : memref<!tpu.dma_semaphore, #tpu.memory_space<semaphore_mem>>
      %dma_start3A = arith.constant 0 : i32
      %dma_start3A_133 = tpu.memref_slice %arg11[%add3A_59, %dma_start3A] : memref<10240x128xf32, #tpu.memory_space<vmem_shared>> -> memref<80x128xf32, #tpu.memory_space<vmem_shared>>
      %dma_start3A_134 = arith.constant 0 : i32
      %dma_start3A_135 = tpu.memref_slice %arg11[%add3A_59, %dma_start3A_134] : memref<10240x128xf32, #tpu.memory_space<vmem_shared>> -> memref<80x128xf32, #tpu.memory_space<vmem_shared>>
      tpu.enqueue_dma source(%dma_start3A_135 : memref<80x128xf32, #tpu.memory_space<vmem_shared>>) target(%arg7 : memref<80x128xf32, #tpu.memory_space<vmem>>) target_semaphore(%run_scoped3A : memref<!tpu.dma_semaphore, #tpu.memory_space<semaphore_mem>>)
      %dma_wait3A = arith.constant 0 : i32
      %dma_wait3A_136 = tpu.memref_slice %arg11[%add3A_59, %dma_wait3A] : memref<10240x128xf32, #tpu.memory_space<vmem_shared>> -> memref<80x128xf32, #tpu.memory_space<vmem_shared>>
      %dma_wait3A_137 = arith.constant 0 : i32
      %dma_wait3A_138 = tpu.memref_slice %arg11[%add3A_59, %dma_wait3A_137] : memref<10240x128xf32, #tpu.memory_space<vmem_shared>> -> memref<80x128xf32, #tpu.memory_space<vmem_shared>>
      tpu.wait_dma2 semaphore(%run_scoped3A : memref<!tpu.dma_semaphore, #tpu.memory_space<semaphore_mem>>) src(%dma_wait3A_138 : memref<80x128xf32, #tpu.memory_space<vmem_shared>>) dst(%arg7 : memref<80x128xf32, #tpu.memory_space<vmem>>)
      tpu.yield
    }) : () -> ()
    %mul3A_60 = arith.constant 10240 : i32
    %mul3A_61 = arith.muli %arg0, %mul3A_60 : i32
    %mul3A_62 = arith.constant 640 : i32
    %mul3A_63 = arith.muli %arg1, %mul3A_62 : i32
    %add3A_64 = arith.addi %mul3A_61, %mul3A_63 : i32
    %add3A_65 = arith.constant 80 : i32
    %add3A_66 = arith.addi %add3A_64, %add3A_65 : i32
    "tpu.region"() ({
      %run_scoped3A = tpu.sem_alloc : memref<!tpu.dma_semaphore, #tpu.memory_space<semaphore_mem>>
      %dma_start3A = arith.constant 0 : i32
      %dma_start3A_133 = tpu.memref_slice %arg5[%add3A_66, %dma_start3A] : memref<20480x128xf32, #tpu.memory_space<hbm>> -> memref<80x128xf32, #tpu.memory_space<hbm>>
      %dma_start3A_134 = arith.constant 0 : i32
      %dma_start3A_135 = tpu.memref_slice %arg5[%add3A_66, %dma_start3A_134] : memref<20480x128xf32, #tpu.memory_space<hbm>> -> memref<80x128xf32, #tpu.memory_space<hbm>>
      tpu.enqueue_dma source(%arg7 : memref<80x128xf32, #tpu.memory_space<vmem>>) target(%dma_start3A_135 : memref<80x128xf32, #tpu.memory_space<hbm>>) target_semaphore(%run_scoped3A : memref<!tpu.dma_semaphore, #tpu.memory_space<semaphore_mem>>)
      %dma_wait3A = arith.constant 0 : i32
      %dma_wait3A_136 = tpu.memref_slice %arg5[%add3A_66, %dma_wait3A] : memref<20480x128xf32, #tpu.memory_space<hbm>> -> memref<80x128xf32, #tpu.memory_space<hbm>>
      %dma_wait3A_137 = arith.constant 0 : i32
      %dma_wait3A_138 = tpu.memref_slice %arg5[%add3A_66, %dma_wait3A_137] : memref<20480x128xf32, #tpu.memory_space<hbm>> -> memref<80x128xf32, #tpu.memory_space<hbm>>
      tpu.wait_dma2 semaphore(%run_scoped3A : memref<!tpu.dma_semaphore, #tpu.memory_space<semaphore_mem>>) src(%arg7 : memref<80x128xf32, #tpu.memory_space<vmem>>) dst(%dma_wait3A_138 : memref<80x128xf32, #tpu.memory_space<hbm>>)
      tpu.yield
    }) : () -> ()
    %mul3A_67 = arith.constant 640 : i32
    %mul3A_68 = arith.muli %arg1, %mul3A_67 : i32
    %add3A_69 = arith.constant 160 : i32
    %add3A_70 = arith.addi %mul3A_68, %add3A_69 : i32
    "tpu.region"() ({
      %run_scoped3A = tpu.sem_alloc : memref<!tpu.dma_semaphore, #tpu.memory_space<semaphore_mem>>
      %dma_start3A = arith.constant 0 : i32
      %dma_start3A_133 = tpu.memref_slice %arg11[%add3A_70, %dma_start3A] : memref<10240x128xf32, #tpu.memory_space<vmem_shared>> -> memref<80x128xf32, #tpu.memory_space<vmem_shared>>
      %dma_start3A_134 = arith.constant 0 : i32
      %dma_start3A_135 = tpu.memref_slice %arg11[%add3A_70, %dma_start3A_134] : memref<10240x128xf32, #tpu.memory_space<vmem_shared>> -> memref<80x128xf32, #tpu.memory_space<vmem_shared>>
      tpu.enqueue_dma source(%dma_start3A_135 : memref<80x128xf32, #tpu.memory_space<vmem_shared>>) target(%arg7 : memref<80x128xf32, #tpu.memory_space<vmem>>) target_semaphore(%run_scoped3A : memref<!tpu.dma_semaphore, #tpu.memory_space<semaphore_mem>>)
      %dma_wait3A = arith.constant 0 : i32
      %dma_wait3A_136 = tpu.memref_slice %arg11[%add3A_70, %dma_wait3A] : memref<10240x128xf32, #tpu.memory_space<vmem_shared>> -> memref<80x128xf32, #tpu.memory_space<vmem_shared>>
      %dma_wait3A_137 = arith.constant 0 : i32
      %dma_wait3A_138 = tpu.memref_slice %arg11[%add3A_70, %dma_wait3A_137] : memref<10240x128xf32, #tpu.memory_space<vmem_shared>> -> memref<80x128xf32, #tpu.memory_space<vmem_shared>>
      tpu.wait_dma2 semaphore(%run_scoped3A : memref<!tpu.dma_semaphore, #tpu.memory_space<semaphore_mem>>) src(%dma_wait3A_138 : memref<80x128xf32, #tpu.memory_space<vmem_shared>>) dst(%arg7 : memref<80x128xf32, #tpu.memory_space<vmem>>)
      tpu.yield
    }) : () -> ()
    %mul3A_71 = arith.constant 10240 : i32
    %mul3A_72 = arith.muli %arg0, %mul3A_71 : i32
    %mul3A_73 = arith.constant 640 : i32
    %mul3A_74 = arith.muli %arg1, %mul3A_73 : i32
    %add3A_75 = arith.addi %mul3A_72, %mul3A_74 : i32
    %add3A_76 = arith.constant 160 : i32
    %add3A_77 = arith.addi %add3A_75, %add3A_76 : i32
    "tpu.region"() ({
      %run_scoped3A = tpu.sem_alloc : memref<!tpu.dma_semaphore, #tpu.memory_space<semaphore_mem>>
      %dma_start3A = arith.constant 0 : i32
      %dma_start3A_133 = tpu.memref_slice %arg5[%add3A_77, %dma_start3A] : memref<20480x128xf32, #tpu.memory_space<hbm>> -> memref<80x128xf32, #tpu.memory_space<hbm>>
      %dma_start3A_134 = arith.constant 0 : i32
      %dma_start3A_135 = tpu.memref_slice %arg5[%add3A_77, %dma_start3A_134] : memref<20480x128xf32, #tpu.memory_space<hbm>> -> memref<80x128xf32, #tpu.memory_space<hbm>>
      tpu.enqueue_dma source(%arg7 : memref<80x128xf32, #tpu.memory_space<vmem>>) target(%dma_start3A_135 : memref<80x128xf32, #tpu.memory_space<hbm>>) target_semaphore(%run_scoped3A : memref<!tpu.dma_semaphore, #tpu.memory_space<semaphore_mem>>)
      %dma_wait3A = arith.constant 0 : i32
      %dma_wait3A_136 = tpu.memref_slice %arg5[%add3A_77, %dma_wait3A] : memref<20480x128xf32, #tpu.memory_space<hbm>> -> memref<80x128xf32, #tpu.memory_space<hbm>>
      %dma_wait3A_137 = arith.constant 0 : i32
      %dma_wait3A_138 = tpu.memref_slice %arg5[%add3A_77, %dma_wait3A_137] : memref<20480x128xf32, #tpu.memory_space<hbm>> -> memref<80x128xf32, #tpu.memory_space<hbm>>
      tpu.wait_dma2 semaphore(%run_scoped3A : memref<!tpu.dma_semaphore, #tpu.memory_space<semaphore_mem>>) src(%arg7 : memref<80x128xf32, #tpu.memory_space<vmem>>) dst(%dma_wait3A_138 : memref<80x128xf32, #tpu.memory_space<hbm>>)
      tpu.yield
    }) : () -> ()
    %mul3A_78 = arith.constant 640 : i32
    %mul3A_79 = arith.muli %arg1, %mul3A_78 : i32
    %add3A_80 = arith.constant 240 : i32
    %add3A_81 = arith.addi %mul3A_79, %add3A_80 : i32
    "tpu.region"() ({
      %run_scoped3A = tpu.sem_alloc : memref<!tpu.dma_semaphore, #tpu.memory_space<semaphore_mem>>
      %dma_start3A = arith.constant 0 : i32
      %dma_start3A_133 = tpu.memref_slice %arg11[%add3A_81, %dma_start3A] : memref<10240x128xf32, #tpu.memory_space<vmem_shared>> -> memref<80x128xf32, #tpu.memory_space<vmem_shared>>
      %dma_start3A_134 = arith.constant 0 : i32
      %dma_start3A_135 = tpu.memref_slice %arg11[%add3A_81, %dma_start3A_134] : memref<10240x128xf32, #tpu.memory_space<vmem_shared>> -> memref<80x128xf32, #tpu.memory_space<vmem_shared>>
      tpu.enqueue_dma source(%dma_start3A_135 : memref<80x128xf32, #tpu.memory_space<vmem_shared>>) target(%arg7 : memref<80x128xf32, #tpu.memory_space<vmem>>) target_semaphore(%run_scoped3A : memref<!tpu.dma_semaphore, #tpu.memory_space<semaphore_mem>>)
      %dma_wait3A = arith.constant 0 : i32
      %dma_wait3A_136 = tpu.memref_slice %arg11[%add3A_81, %dma_wait3A] : memref<10240x128xf32, #tpu.memory_space<vmem_shared>> -> memref<80x128xf32, #tpu.memory_space<vmem_shared>>
      %dma_wait3A_137 = arith.constant 0 : i32
      %dma_wait3A_138 = tpu.memref_slice %arg11[%add3A_81, %dma_wait3A_137] : memref<10240x128xf32, #tpu.memory_space<vmem_shared>> -> memref<80x128xf32, #tpu.memory_space<vmem_shared>>
      tpu.wait_dma2 semaphore(%run_scoped3A : memref<!tpu.dma_semaphore, #tpu.memory_space<semaphore_mem>>) src(%dma_wait3A_138 : memref<80x128xf32, #tpu.memory_space<vmem_shared>>) dst(%arg7 : memref<80x128xf32, #tpu.memory_space<vmem>>)
      tpu.yield
    }) : () -> ()
    %mul3A_82 = arith.constant 10240 : i32
    %mul3A_83 = arith.muli %arg0, %mul3A_82 : i32
    %mul3A_84 = arith.constant 640 : i32
    %mul3A_85 = arith.muli %arg1, %mul3A_84 : i32
    %add3A_86 = arith.addi %mul3A_83, %mul3A_85 : i32
    %add3A_87 = arith.constant 240 : i32
    %add3A_88 = arith.addi %add3A_86, %add3A_87 : i32
    "tpu.region"() ({
      %run_scoped3A = tpu.sem_alloc : memref<!tpu.dma_semaphore, #tpu.memory_space<semaphore_mem>>
      %dma_start3A = arith.constant 0 : i32
      %dma_start3A_133 = tpu.memref_slice %arg5[%add3A_88, %dma_start3A] : memref<20480x128xf32, #tpu.memory_space<hbm>> -> memref<80x128xf32, #tpu.memory_space<hbm>>
      %dma_start3A_134 = arith.constant 0 : i32
      %dma_start3A_135 = tpu.memref_slice %arg5[%add3A_88, %dma_start3A_134] : memref<20480x128xf32, #tpu.memory_space<hbm>> -> memref<80x128xf32, #tpu.memory_space<hbm>>
      tpu.enqueue_dma source(%arg7 : memref<80x128xf32, #tpu.memory_space<vmem>>) target(%dma_start3A_135 : memref<80x128xf32, #tpu.memory_space<hbm>>) target_semaphore(%run_scoped3A : memref<!tpu.dma_semaphore, #tpu.memory_space<semaphore_mem>>)
      %dma_wait3A = arith.constant 0 : i32
      %dma_wait3A_136 = tpu.memref_slice %arg5[%add3A_88, %dma_wait3A] : memref<20480x128xf32, #tpu.memory_space<hbm>> -> memref<80x128xf32, #tpu.memory_space<hbm>>
      %dma_wait3A_137 = arith.constant 0 : i32
      %dma_wait3A_138 = tpu.memref_slice %arg5[%add3A_88, %dma_wait3A_137] : memref<20480x128xf32, #tpu.memory_space<hbm>> -> memref<80x128xf32, #tpu.memory_space<hbm>>
      tpu.wait_dma2 semaphore(%run_scoped3A : memref<!tpu.dma_semaphore, #tpu.memory_space<semaphore_mem>>) src(%arg7 : memref<80x128xf32, #tpu.memory_space<vmem>>) dst(%dma_wait3A_138 : memref<80x128xf32, #tpu.memory_space<hbm>>)
      tpu.yield
    }) : () -> ()
    %mul3A_89 = arith.constant 640 : i32
    %mul3A_90 = arith.muli %arg1, %mul3A_89 : i32
    %add3A_91 = arith.constant 320 : i32
    %add3A_92 = arith.addi %mul3A_90, %add3A_91 : i32
    "tpu.region"() ({
      %run_scoped3A = tpu.sem_alloc : memref<!tpu.dma_semaphore, #tpu.memory_space<semaphore_mem>>
      %dma_start3A = arith.constant 0 : i32
      %dma_start3A_133 = tpu.memref_slice %arg11[%add3A_92, %dma_start3A] : memref<10240x128xf32, #tpu.memory_space<vmem_shared>> -> memref<80x128xf32, #tpu.memory_space<vmem_shared>>
      %dma_start3A_134 = arith.constant 0 : i32
      %dma_start3A_135 = tpu.memref_slice %arg11[%add3A_92, %dma_start3A_134] : memref<10240x128xf32, #tpu.memory_space<vmem_shared>> -> memref<80x128xf32, #tpu.memory_space<vmem_shared>>
      tpu.enqueue_dma source(%dma_start3A_135 : memref<80x128xf32, #tpu.memory_space<vmem_shared>>) target(%arg7 : memref<80x128xf32, #tpu.memory_space<vmem>>) target_semaphore(%run_scoped3A : memref<!tpu.dma_semaphore, #tpu.memory_space<semaphore_mem>>)
      %dma_wait3A = arith.constant 0 : i32
      %dma_wait3A_136 = tpu.memref_slice %arg11[%add3A_92, %dma_wait3A] : memref<10240x128xf32, #tpu.memory_space<vmem_shared>> -> memref<80x128xf32, #tpu.memory_space<vmem_shared>>
      %dma_wait3A_137 = arith.constant 0 : i32
      %dma_wait3A_138 = tpu.memref_slice %arg11[%add3A_92, %dma_wait3A_137] : memref<10240x128xf32, #tpu.memory_space<vmem_shared>> -> memref<80x128xf32, #tpu.memory_space<vmem_shared>>
      tpu.wait_dma2 semaphore(%run_scoped3A : memref<!tpu.dma_semaphore, #tpu.memory_space<semaphore_mem>>) src(%dma_wait3A_138 : memref<80x128xf32, #tpu.memory_space<vmem_shared>>) dst(%arg7 : memref<80x128xf32, #tpu.memory_space<vmem>>)
      tpu.yield
    }) : () -> ()
    %mul3A_93 = arith.constant 10240 : i32
    %mul3A_94 = arith.muli %arg0, %mul3A_93 : i32
    %mul3A_95 = arith.constant 640 : i32
    %mul3A_96 = arith.muli %arg1, %mul3A_95 : i32
    %add3A_97 = arith.addi %mul3A_94, %mul3A_96 : i32
    %add3A_98 = arith.constant 320 : i32
    %add3A_99 = arith.addi %add3A_97, %add3A_98 : i32
    "tpu.region"() ({
      %run_scoped3A = tpu.sem_alloc : memref<!tpu.dma_semaphore, #tpu.memory_space<semaphore_mem>>
      %dma_start3A = arith.constant 0 : i32
      %dma_start3A_133 = tpu.memref_slice %arg5[%add3A_99, %dma_start3A] : memref<20480x128xf32, #tpu.memory_space<hbm>> -> memref<80x128xf32, #tpu.memory_space<hbm>>
      %dma_start3A_134 = arith.constant 0 : i32
      %dma_start3A_135 = tpu.memref_slice %arg5[%add3A_99, %dma_start3A_134] : memref<20480x128xf32, #tpu.memory_space<hbm>> -> memref<80x128xf32, #tpu.memory_space<hbm>>
      tpu.enqueue_dma source(%arg7 : memref<80x128xf32, #tpu.memory_space<vmem>>) target(%dma_start3A_135 : memref<80x128xf32, #tpu.memory_space<hbm>>) target_semaphore(%run_scoped3A : memref<!tpu.dma_semaphore, #tpu.memory_space<semaphore_mem>>)
      %dma_wait3A = arith.constant 0 : i32
      %dma_wait3A_136 = tpu.memref_slice %arg5[%add3A_99, %dma_wait3A] : memref<20480x128xf32, #tpu.memory_space<hbm>> -> memref<80x128xf32, #tpu.memory_space<hbm>>
      %dma_wait3A_137 = arith.constant 0 : i32
      %dma_wait3A_138 = tpu.memref_slice %arg5[%add3A_99, %dma_wait3A_137] : memref<20480x128xf32, #tpu.memory_space<hbm>> -> memref<80x128xf32, #tpu.memory_space<hbm>>
      tpu.wait_dma2 semaphore(%run_scoped3A : memref<!tpu.dma_semaphore, #tpu.memory_space<semaphore_mem>>) src(%arg7 : memref<80x128xf32, #tpu.memory_space<vmem>>) dst(%dma_wait3A_138 : memref<80x128xf32, #tpu.memory_space<hbm>>)
      tpu.yield
    }) : () -> ()
    %mul3A_100 = arith.constant 640 : i32
    %mul3A_101 = arith.muli %arg1, %mul3A_100 : i32
    %add3A_102 = arith.constant 400 : i32
    %add3A_103 = arith.addi %mul3A_101, %add3A_102 : i32
    "tpu.region"() ({
      %run_scoped3A = tpu.sem_alloc : memref<!tpu.dma_semaphore, #tpu.memory_space<semaphore_mem>>
      %dma_start3A = arith.constant 0 : i32
      %dma_start3A_133 = tpu.memref_slice %arg11[%add3A_103, %dma_start3A] : memref<10240x128xf32, #tpu.memory_space<vmem_shared>> -> memref<80x128xf32, #tpu.memory_space<vmem_shared>>
      %dma_start3A_134 = arith.constant 0 : i32
      %dma_start3A_135 = tpu.memref_slice %arg11[%add3A_103, %dma_start3A_134] : memref<10240x128xf32, #tpu.memory_space<vmem_shared>> -> memref<80x128xf32, #tpu.memory_space<vmem_shared>>
      tpu.enqueue_dma source(%dma_start3A_135 : memref<80x128xf32, #tpu.memory_space<vmem_shared>>) target(%arg7 : memref<80x128xf32, #tpu.memory_space<vmem>>) target_semaphore(%run_scoped3A : memref<!tpu.dma_semaphore, #tpu.memory_space<semaphore_mem>>)
      %dma_wait3A = arith.constant 0 : i32
      %dma_wait3A_136 = tpu.memref_slice %arg11[%add3A_103, %dma_wait3A] : memref<10240x128xf32, #tpu.memory_space<vmem_shared>> -> memref<80x128xf32, #tpu.memory_space<vmem_shared>>
      %dma_wait3A_137 = arith.constant 0 : i32
      %dma_wait3A_138 = tpu.memref_slice %arg11[%add3A_103, %dma_wait3A_137] : memref<10240x128xf32, #tpu.memory_space<vmem_shared>> -> memref<80x128xf32, #tpu.memory_space<vmem_shared>>
      tpu.wait_dma2 semaphore(%run_scoped3A : memref<!tpu.dma_semaphore, #tpu.memory_space<semaphore_mem>>) src(%dma_wait3A_138 : memref<80x128xf32, #tpu.memory_space<vmem_shared>>) dst(%arg7 : memref<80x128xf32, #tpu.memory_space<vmem>>)
      tpu.yield
    }) : () -> ()
    %mul3A_104 = arith.constant 10240 : i32
    %mul3A_105 = arith.muli %arg0, %mul3A_104 : i32
    %mul3A_106 = arith.constant 640 : i32
    %mul3A_107 = arith.muli %arg1, %mul3A_106 : i32
    %add3A_108 = arith.addi %mul3A_105, %mul3A_107 : i32
    %add3A_109 = arith.constant 400 : i32
    %add3A_110 = arith.addi %add3A_108, %add3A_109 : i32
    "tpu.region"() ({
      %run_scoped3A = tpu.sem_alloc : memref<!tpu.dma_semaphore, #tpu.memory_space<semaphore_mem>>
      %dma_start3A = arith.constant 0 : i32
      %dma_start3A_133 = tpu.memref_slice %arg5[%add3A_110, %dma_start3A] : memref<20480x128xf32, #tpu.memory_space<hbm>> -> memref<80x128xf32, #tpu.memory_space<hbm>>
      %dma_start3A_134 = arith.constant 0 : i32
      %dma_start3A_135 = tpu.memref_slice %arg5[%add3A_110, %dma_start3A_134] : memref<20480x128xf32, #tpu.memory_space<hbm>> -> memref<80x128xf32, #tpu.memory_space<hbm>>
      tpu.enqueue_dma source(%arg7 : memref<80x128xf32, #tpu.memory_space<vmem>>) target(%dma_start3A_135 : memref<80x128xf32, #tpu.memory_space<hbm>>) target_semaphore(%run_scoped3A : memref<!tpu.dma_semaphore, #tpu.memory_space<semaphore_mem>>)
      %dma_wait3A = arith.constant 0 : i32
      %dma_wait3A_136 = tpu.memref_slice %arg5[%add3A_110, %dma_wait3A] : memref<20480x128xf32, #tpu.memory_space<hbm>> -> memref<80x128xf32, #tpu.memory_space<hbm>>
      %dma_wait3A_137 = arith.constant 0 : i32
      %dma_wait3A_138 = tpu.memref_slice %arg5[%add3A_110, %dma_wait3A_137] : memref<20480x128xf32, #tpu.memory_space<hbm>> -> memref<80x128xf32, #tpu.memory_space<hbm>>
      tpu.wait_dma2 semaphore(%run_scoped3A : memref<!tpu.dma_semaphore, #tpu.memory_space<semaphore_mem>>) src(%arg7 : memref<80x128xf32, #tpu.memory_space<vmem>>) dst(%dma_wait3A_138 : memref<80x128xf32, #tpu.memory_space<hbm>>)
      tpu.yield
    }) : () -> ()
    %mul3A_111 = arith.constant 640 : i32
    %mul3A_112 = arith.muli %arg1, %mul3A_111 : i32
    %add3A_113 = arith.constant 480 : i32
    %add3A_114 = arith.addi %mul3A_112, %add3A_113 : i32
    "tpu.region"() ({
      %run_scoped3A = tpu.sem_alloc : memref<!tpu.dma_semaphore, #tpu.memory_space<semaphore_mem>>
      %dma_start3A = arith.constant 0 : i32
      %dma_start3A_133 = tpu.memref_slice %arg11[%add3A_114, %dma_start3A] : memref<10240x128xf32, #tpu.memory_space<vmem_shared>> -> memref<80x128xf32, #tpu.memory_space<vmem_shared>>
      %dma_start3A_134 = arith.constant 0 : i32
      %dma_start3A_135 = tpu.memref_slice %arg11[%add3A_114, %dma_start3A_134] : memref<10240x128xf32, #tpu.memory_space<vmem_shared>> -> memref<80x128xf32, #tpu.memory_space<vmem_shared>>
      tpu.enqueue_dma source(%dma_start3A_135 : memref<80x128xf32, #tpu.memory_space<vmem_shared>>) target(%arg7 : memref<80x128xf32, #tpu.memory_space<vmem>>) target_semaphore(%run_scoped3A : memref<!tpu.dma_semaphore, #tpu.memory_space<semaphore_mem>>)
      %dma_wait3A = arith.constant 0 : i32
      %dma_wait3A_136 = tpu.memref_slice %arg11[%add3A_114, %dma_wait3A] : memref<10240x128xf32, #tpu.memory_space<vmem_shared>> -> memref<80x128xf32, #tpu.memory_space<vmem_shared>>
      %dma_wait3A_137 = arith.constant 0 : i32
      %dma_wait3A_138 = tpu.memref_slice %arg11[%add3A_114, %dma_wait3A_137] : memref<10240x128xf32, #tpu.memory_space<vmem_shared>> -> memref<80x128xf32, #tpu.memory_space<vmem_shared>>
      tpu.wait_dma2 semaphore(%run_scoped3A : memref<!tpu.dma_semaphore, #tpu.memory_space<semaphore_mem>>) src(%dma_wait3A_138 : memref<80x128xf32, #tpu.memory_space<vmem_shared>>) dst(%arg7 : memref<80x128xf32, #tpu.memory_space<vmem>>)
      tpu.yield
    }) : () -> ()
    %mul3A_115 = arith.constant 10240 : i32
    %mul3A_116 = arith.muli %arg0, %mul3A_115 : i32
    %mul3A_117 = arith.constant 640 : i32
    %mul3A_118 = arith.muli %arg1, %mul3A_117 : i32
    %add3A_119 = arith.addi %mul3A_116, %mul3A_118 : i32
    %add3A_120 = arith.constant 480 : i32
    %add3A_121 = arith.addi %add3A_119, %add3A_120 : i32
    "tpu.region"() ({
      %run_scoped3A = tpu.sem_alloc : memref<!tpu.dma_semaphore, #tpu.memory_space<semaphore_mem>>
      %dma_start3A = arith.constant 0 : i32
      %dma_start3A_133 = tpu.memref_slice %arg5[%add3A_121, %dma_start3A] : memref<20480x128xf32, #tpu.memory_space<hbm>> -> memref<80x128xf32, #tpu.memory_space<hbm>>
      %dma_start3A_134 = arith.constant 0 : i32
      %dma_start3A_135 = tpu.memref_slice %arg5[%add3A_121, %dma_start3A_134] : memref<20480x128xf32, #tpu.memory_space<hbm>> -> memref<80x128xf32, #tpu.memory_space<hbm>>
      tpu.enqueue_dma source(%arg7 : memref<80x128xf32, #tpu.memory_space<vmem>>) target(%dma_start3A_135 : memref<80x128xf32, #tpu.memory_space<hbm>>) target_semaphore(%run_scoped3A : memref<!tpu.dma_semaphore, #tpu.memory_space<semaphore_mem>>)
      %dma_wait3A = arith.constant 0 : i32
      %dma_wait3A_136 = tpu.memref_slice %arg5[%add3A_121, %dma_wait3A] : memref<20480x128xf32, #tpu.memory_space<hbm>> -> memref<80x128xf32, #tpu.memory_space<hbm>>
      %dma_wait3A_137 = arith.constant 0 : i32
      %dma_wait3A_138 = tpu.memref_slice %arg5[%add3A_121, %dma_wait3A_137] : memref<20480x128xf32, #tpu.memory_space<hbm>> -> memref<80x128xf32, #tpu.memory_space<hbm>>
      tpu.wait_dma2 semaphore(%run_scoped3A : memref<!tpu.dma_semaphore, #tpu.memory_space<semaphore_mem>>) src(%arg7 : memref<80x128xf32, #tpu.memory_space<vmem>>) dst(%dma_wait3A_138 : memref<80x128xf32, #tpu.memory_space<hbm>>)
      tpu.yield
    }) : () -> ()
    %mul3A_122 = arith.constant 640 : i32
    %mul3A_123 = arith.muli %arg1, %mul3A_122 : i32
    %add3A_124 = arith.constant 560 : i32
    %add3A_125 = arith.addi %mul3A_123, %add3A_124 : i32
    "tpu.region"() ({
      %run_scoped3A = tpu.sem_alloc : memref<!tpu.dma_semaphore, #tpu.memory_space<semaphore_mem>>
      %dma_start3A = arith.constant 0 : i32
      %dma_start3A_133 = tpu.memref_slice %arg11[%add3A_125, %dma_start3A] : memref<10240x128xf32, #tpu.memory_space<vmem_shared>> -> memref<80x128xf32, #tpu.memory_space<vmem_shared>>
      %dma_start3A_134 = arith.constant 0 : i32
      %dma_start3A_135 = tpu.memref_slice %arg11[%add3A_125, %dma_start3A_134] : memref<10240x128xf32, #tpu.memory_space<vmem_shared>> -> memref<80x128xf32, #tpu.memory_space<vmem_shared>>
      tpu.enqueue_dma source(%dma_start3A_135 : memref<80x128xf32, #tpu.memory_space<vmem_shared>>) target(%arg7 : memref<80x128xf32, #tpu.memory_space<vmem>>) target_semaphore(%run_scoped3A : memref<!tpu.dma_semaphore, #tpu.memory_space<semaphore_mem>>)
      %dma_wait3A = arith.constant 0 : i32
      %dma_wait3A_136 = tpu.memref_slice %arg11[%add3A_125, %dma_wait3A] : memref<10240x128xf32, #tpu.memory_space<vmem_shared>> -> memref<80x128xf32, #tpu.memory_space<vmem_shared>>
      %dma_wait3A_137 = arith.constant 0 : i32
      %dma_wait3A_138 = tpu.memref_slice %arg11[%add3A_125, %dma_wait3A_137] : memref<10240x128xf32, #tpu.memory_space<vmem_shared>> -> memref<80x128xf32, #tpu.memory_space<vmem_shared>>
      tpu.wait_dma2 semaphore(%run_scoped3A : memref<!tpu.dma_semaphore, #tpu.memory_space<semaphore_mem>>) src(%dma_wait3A_138 : memref<80x128xf32, #tpu.memory_space<vmem_shared>>) dst(%arg7 : memref<80x128xf32, #tpu.memory_space<vmem>>)
      tpu.yield
    }) : () -> ()
    %mul3A_126 = arith.constant 10240 : i32
    %mul3A_127 = arith.muli %arg0, %mul3A_126 : i32
    %mul3A_128 = arith.constant 640 : i32
    %mul3A_129 = arith.muli %arg1, %mul3A_128 : i32
    %add3A_130 = arith.addi %mul3A_127, %mul3A_129 : i32
    %add3A_131 = arith.constant 560 : i32
    %add3A_132 = arith.addi %add3A_130, %add3A_131 : i32
    "tpu.region"() ({
      %run_scoped3A = tpu.sem_alloc : memref<!tpu.dma_semaphore, #tpu.memory_space<semaphore_mem>>
      %dma_start3A = arith.constant 0 : i32
      %dma_start3A_133 = tpu.memref_slice %arg5[%add3A_132, %dma_start3A] : memref<20480x128xf32, #tpu.memory_space<hbm>> -> memref<80x128xf32, #tpu.memory_space<hbm>>
      %dma_start3A_134 = arith.constant 0 : i32
      %dma_start3A_135 = tpu.memref_slice %arg5[%add3A_132, %dma_start3A_134] : memref<20480x128xf32, #tpu.memory_space<hbm>> -> memref<80x128xf32, #tpu.memory_space<hbm>>
      tpu.enqueue_dma source(%arg7 : memref<80x128xf32, #tpu.memory_space<vmem>>) target(%dma_start3A_135 : memref<80x128xf32, #tpu.memory_space<hbm>>) target_semaphore(%run_scoped3A : memref<!tpu.dma_semaphore, #tpu.memory_space<semaphore_mem>>)
      %dma_wait3A = arith.constant 0 : i32
      %dma_wait3A_136 = tpu.memref_slice %arg5[%add3A_132, %dma_wait3A] : memref<20480x128xf32, #tpu.memory_space<hbm>> -> memref<80x128xf32, #tpu.memory_space<hbm>>
      %dma_wait3A_137 = arith.constant 0 : i32
      %dma_wait3A_138 = tpu.memref_slice %arg5[%add3A_132, %dma_wait3A_137] : memref<20480x128xf32, #tpu.memory_space<hbm>> -> memref<80x128xf32, #tpu.memory_space<hbm>>
      tpu.wait_dma2 semaphore(%run_scoped3A : memref<!tpu.dma_semaphore, #tpu.memory_space<semaphore_mem>>) src(%arg7 : memref<80x128xf32, #tpu.memory_space<vmem>>) dst(%dma_wait3A_138 : memref<80x128xf32, #tpu.memory_space<hbm>>)
      tpu.yield
    }) : () -> ()
    return
  }
}

#map = affine_map<(d0, d1) -> (0)>
module attributes {stable_mosaic.version = 14 : i64} {
  func.func @_sc_pass1_body(%arg0: i32, %arg1: i32, %arg2: memref<320000xi32, #tpu.memory_space<hbm>>, %arg3: memref<320000xi32, #tpu.memory_space<hbm>>, %arg4: memref<320000xf32, #tpu.memory_space<hbm>>, %arg5: memref<40000xf32, #tpu.memory_space<hbm>>, %arg6: memref<320000xf32, #tpu.memory_space<hbm>>, %arg7: memref<320000xf32, #tpu.memory_space<hbm>>, %arg8: memref<61440xf32, #tpu.memory_space<hbm>>, %arg9: memref<10000xi32, #tpu.memory_space<vmem>>, %arg10: memref<10000xi32, #tpu.memory_space<vmem>>, %arg11: memref<10000xf32, #tpu.memory_space<vmem>>, %arg12: memref<40000xf32, #tpu.memory_space<vmem>>, %arg13: memref<10000xf32, #tpu.memory_space<vmem>>, %arg14: memref<10000xf32, #tpu.memory_space<vmem>>, %arg15: memref<80xi32, #tpu.memory_space<vmem>>, %arg16: memref<80xf32, #tpu.memory_space<vmem>>, %arg17: memref<640xf32, #tpu.memory_space<vmem>>, %arg18: memref<10240xf32, #tpu.memory_space<vmem_shared>>, %arg19: memref<10240xf32, #tpu.memory_space<vmem_shared>>, %arg20: memref<10240xf32, #tpu.memory_space<vmem_shared>>) attributes {dimension_semantics = [#tpu.dimension_semantics<core_parallel>, #tpu.dimension_semantics<subcore_parallel>], iteration_bounds = array<i64: 2, 16>, scalar_prefetch = 0 : i64, scratch_operands = 12 : i64, tpu.core_type = #tpu.core_type<sc_vector_subcore>, window_params = [{transform_indices = #map}, {transform_indices = #map}, {transform_indices = #map}, {transform_indices = #map}, {transform_indices = #map}, {transform_indices = #map}, {transform_indices = #map}]} {
    %mul3A = arith.constant 16 : i32
    %mul3A_0 = arith.muli %arg0, %mul3A : i32
    %add3A = arith.addi %mul3A_0, %arg1 : i32
    %mul3A_1 = arith.constant 10000 : i32
    %mul3A_2 = arith.muli %add3A, %mul3A_1 : i32
    %scan3A = arith.constant 0 : i32
    %scan3A_3 = arith.constant 40 : i32
    %scan3A_4 = arith.addi %scan3A, %scan3A_3 : i32
    %scan3A_5 = arith.constant 1 : i32
    scf.for %scan3A_39 = %scan3A to %scan3A_4 step %scan3A_5  : i32 {
      %broadcast_in_dim3A = arith.constant 0.000000e+00 : f32
      %broadcast_in_dim3A_40 = vector.broadcast %broadcast_in_dim3A : f32 to vector<16xf32>
      %mul3A_41 = arith.constant 16 : i32
      %mul3A_42 = arith.muli %scan3A_39, %mul3A_41 : i32
      %swap3A = arith.index_cast %mul3A_42 : i32 to index
      %swap3A_43 = tpu.vector_load %arg17[%swap3A] {strides = array<i32>} : memref<640xf32, #tpu.memory_space<vmem>>, vector<16xf32>,
      tpu.vector_store %arg17[%swap3A], %broadcast_in_dim3A_40 {strides = array<i32>} : memref<640xf32, #tpu.memory_space<vmem>>, vector<16xf32>,
    }
    %scan3A_6 = arith.constant 40 : i32
    %mul3A_7 = arith.constant 640 : i32
    %mul3A_8 = arith.muli %arg1, %mul3A_7 : i32
    "tpu.region"() ({
      %run_scoped3A = tpu.sem_alloc : memref<!tpu.dma_semaphore, #tpu.memory_space<semaphore_mem>>
      %dma_start3A = tpu.memref_slice %arg18[%mul3A_8] : memref<10240xf32, #tpu.memory_space<vmem_shared>> -> memref<640xf32, #tpu.memory_space<vmem_shared>>
      %dma_start3A_39 = tpu.memref_slice %arg18[%mul3A_8] : memref<10240xf32, #tpu.memory_space<vmem_shared>> -> memref<640xf32, #tpu.memory_space<vmem_shared>>
      tpu.enqueue_dma source(%arg17 : memref<640xf32, #tpu.memory_space<vmem>>) target(%dma_start3A_39 : memref<640xf32, #tpu.memory_space<vmem_shared>>) target_semaphore(%run_scoped3A : memref<!tpu.dma_semaphore, #tpu.memory_space<semaphore_mem>>)
      %dma_wait3A = tpu.memref_slice %arg18[%mul3A_8] : memref<10240xf32, #tpu.memory_space<vmem_shared>> -> memref<640xf32, #tpu.memory_space<vmem_shared>>
      %dma_wait3A_40 = tpu.memref_slice %arg18[%mul3A_8] : memref<10240xf32, #tpu.memory_space<vmem_shared>> -> memref<640xf32, #tpu.memory_space<vmem_shared>>
      tpu.wait_dma2 semaphore(%run_scoped3A : memref<!tpu.dma_semaphore, #tpu.memory_space<semaphore_mem>>) src(%arg17 : memref<640xf32, #tpu.memory_space<vmem>>) dst(%dma_wait3A_40 : memref<640xf32, #tpu.memory_space<vmem_shared>>)
      tpu.yield
    }) : () -> ()
    %mul3A_9 = arith.constant 640 : i32
    %mul3A_10 = arith.muli %arg1, %mul3A_9 : i32
    "tpu.region"() ({
      %run_scoped3A = tpu.sem_alloc : memref<!tpu.dma_semaphore, #tpu.memory_space<semaphore_mem>>
      %dma_start3A = tpu.memref_slice %arg19[%mul3A_10] : memref<10240xf32, #tpu.memory_space<vmem_shared>> -> memref<640xf32, #tpu.memory_space<vmem_shared>>
      %dma_start3A_39 = tpu.memref_slice %arg19[%mul3A_10] : memref<10240xf32, #tpu.memory_space<vmem_shared>> -> memref<640xf32, #tpu.memory_space<vmem_shared>>
      tpu.enqueue_dma source(%arg17 : memref<640xf32, #tpu.memory_space<vmem>>) target(%dma_start3A_39 : memref<640xf32, #tpu.memory_space<vmem_shared>>) target_semaphore(%run_scoped3A : memref<!tpu.dma_semaphore, #tpu.memory_space<semaphore_mem>>)
      %dma_wait3A = tpu.memref_slice %arg19[%mul3A_10] : memref<10240xf32, #tpu.memory_space<vmem_shared>> -> memref<640xf32, #tpu.memory_space<vmem_shared>>
      %dma_wait3A_40 = tpu.memref_slice %arg19[%mul3A_10] : memref<10240xf32, #tpu.memory_space<vmem_shared>> -> memref<640xf32, #tpu.memory_space<vmem_shared>>
      tpu.wait_dma2 semaphore(%run_scoped3A : memref<!tpu.dma_semaphore, #tpu.memory_space<semaphore_mem>>) src(%arg17 : memref<640xf32, #tpu.memory_space<vmem>>) dst(%dma_wait3A_40 : memref<640xf32, #tpu.memory_space<vmem_shared>>)
      tpu.yield
    }) : () -> ()
    %mul3A_11 = arith.constant 640 : i32
    %mul3A_12 = arith.muli %arg1, %mul3A_11 : i32
    "tpu.region"() ({
      %run_scoped3A = tpu.sem_alloc : memref<!tpu.dma_semaphore, #tpu.memory_space<semaphore_mem>>
      %dma_start3A = tpu.memref_slice %arg20[%mul3A_12] : memref<10240xf32, #tpu.memory_space<vmem_shared>> -> memref<640xf32, #tpu.memory_space<vmem_shared>>
      %dma_start3A_39 = tpu.memref_slice %arg20[%mul3A_12] : memref<10240xf32, #tpu.memory_space<vmem_shared>> -> memref<640xf32, #tpu.memory_space<vmem_shared>>
      tpu.enqueue_dma source(%arg17 : memref<640xf32, #tpu.memory_space<vmem>>) target(%dma_start3A_39 : memref<640xf32, #tpu.memory_space<vmem_shared>>) target_semaphore(%run_scoped3A : memref<!tpu.dma_semaphore, #tpu.memory_space<semaphore_mem>>)
      %dma_wait3A = tpu.memref_slice %arg20[%mul3A_12] : memref<10240xf32, #tpu.memory_space<vmem_shared>> -> memref<640xf32, #tpu.memory_space<vmem_shared>>
      %dma_wait3A_40 = tpu.memref_slice %arg20[%mul3A_12] : memref<10240xf32, #tpu.memory_space<vmem_shared>> -> memref<640xf32, #tpu.memory_space<vmem_shared>>
      tpu.wait_dma2 semaphore(%run_scoped3A : memref<!tpu.dma_semaphore, #tpu.memory_space<semaphore_mem>>) src(%arg17 : memref<640xf32, #tpu.memory_space<vmem>>) dst(%dma_wait3A_40 : memref<640xf32, #tpu.memory_space<vmem_shared>>)
      tpu.yield
    }) : () -> ()
    %barrier3A = arith.constant 0 : index
    tpu.barrier barrier_id(%barrier3A)
    "tpu.region"() ({
      %run_scoped3A = tpu.sem_alloc : memref<!tpu.dma_semaphore, #tpu.memory_space<semaphore_mem>>
      %dma_start3A = tpu.memref_slice %arg2[%mul3A_2] : memref<320000xi32, #tpu.memory_space<hbm>> -> memref<10000xi32, #tpu.memory_space<hbm>>
      %dma_start3A_39 = tpu.memref_slice %arg2[%mul3A_2] : memref<320000xi32, #tpu.memory_space<hbm>> -> memref<10000xi32, #tpu.memory_space<hbm>>
      tpu.enqueue_dma source(%dma_start3A_39 : memref<10000xi32, #tpu.memory_space<hbm>>) target(%arg9 : memref<10000xi32, #tpu.memory_space<vmem>>) target_semaphore(%run_scoped3A : memref<!tpu.dma_semaphore, #tpu.memory_space<semaphore_mem>>)
      %dma_wait3A = tpu.memref_slice %arg2[%mul3A_2] : memref<320000xi32, #tpu.memory_space<hbm>> -> memref<10000xi32, #tpu.memory_space<hbm>>
      %dma_wait3A_40 = tpu.memref_slice %arg2[%mul3A_2] : memref<320000xi32, #tpu.memory_space<hbm>> -> memref<10000xi32, #tpu.memory_space<hbm>>
      tpu.wait_dma2 semaphore(%run_scoped3A : memref<!tpu.dma_semaphore, #tpu.memory_space<semaphore_mem>>) src(%dma_wait3A_40 : memref<10000xi32, #tpu.memory_space<hbm>>) dst(%arg9 : memref<10000xi32, #tpu.memory_space<vmem>>)
      tpu.yield
    }) : () -> ()
    "tpu.region"() ({
      %run_scoped3A = tpu.sem_alloc : memref<!tpu.dma_semaphore, #tpu.memory_space<semaphore_mem>>
      %dma_start3A = tpu.memref_slice %arg3[%mul3A_2] : memref<320000xi32, #tpu.memory_space<hbm>> -> memref<10000xi32, #tpu.memory_space<hbm>>
      %dma_start3A_39 = tpu.memref_slice %arg3[%mul3A_2] : memref<320000xi32, #tpu.memory_space<hbm>> -> memref<10000xi32, #tpu.memory_space<hbm>>
      tpu.enqueue_dma source(%dma_start3A_39 : memref<10000xi32, #tpu.memory_space<hbm>>) target(%arg10 : memref<10000xi32, #tpu.memory_space<vmem>>) target_semaphore(%run_scoped3A : memref<!tpu.dma_semaphore, #tpu.memory_space<semaphore_mem>>)
      %dma_wait3A = tpu.memref_slice %arg3[%mul3A_2] : memref<320000xi32, #tpu.memory_space<hbm>> -> memref<10000xi32, #tpu.memory_space<hbm>>
      %dma_wait3A_40 = tpu.memref_slice %arg3[%mul3A_2] : memref<320000xi32, #tpu.memory_space<hbm>> -> memref<10000xi32, #tpu.memory_space<hbm>>
      tpu.wait_dma2 semaphore(%run_scoped3A : memref<!tpu.dma_semaphore, #tpu.memory_space<semaphore_mem>>) src(%dma_wait3A_40 : memref<10000xi32, #tpu.memory_space<hbm>>) dst(%arg10 : memref<10000xi32, #tpu.memory_space<vmem>>)
      tpu.yield
    }) : () -> ()
    "tpu.region"() ({
      %run_scoped3A = tpu.sem_alloc : memref<!tpu.dma_semaphore, #tpu.memory_space<semaphore_mem>>
      %dma_start3A = tpu.memref_slice %arg4[%mul3A_2] : memref<320000xf32, #tpu.memory_space<hbm>> -> memref<10000xf32, #tpu.memory_space<hbm>>
      %dma_start3A_39 = tpu.memref_slice %arg4[%mul3A_2] : memref<320000xf32, #tpu.memory_space<hbm>> -> memref<10000xf32, #tpu.memory_space<hbm>>
      tpu.enqueue_dma source(%dma_start3A_39 : memref<10000xf32, #tpu.memory_space<hbm>>) target(%arg11 : memref<10000xf32, #tpu.memory_space<vmem>>) target_semaphore(%run_scoped3A : memref<!tpu.dma_semaphore, #tpu.memory_space<semaphore_mem>>)
      %dma_wait3A = tpu.memref_slice %arg4[%mul3A_2] : memref<320000xf32, #tpu.memory_space<hbm>> -> memref<10000xf32, #tpu.memory_space<hbm>>
      %dma_wait3A_40 = tpu.memref_slice %arg4[%mul3A_2] : memref<320000xf32, #tpu.memory_space<hbm>> -> memref<10000xf32, #tpu.memory_space<hbm>>
      tpu.wait_dma2 semaphore(%run_scoped3A : memref<!tpu.dma_semaphore, #tpu.memory_space<semaphore_mem>>) src(%dma_wait3A_40 : memref<10000xf32, #tpu.memory_space<hbm>>) dst(%arg11 : memref<10000xf32, #tpu.memory_space<vmem>>)
      tpu.yield
    }) : () -> ()
    "tpu.region"() ({
      %run_scoped3A = tpu.sem_alloc : memref<!tpu.dma_semaphore, #tpu.memory_space<semaphore_mem>>
      tpu.enqueue_dma source(%arg5 : memref<40000xf32, #tpu.memory_space<hbm>>) target(%arg12 : memref<40000xf32, #tpu.memory_space<vmem>>) target_semaphore(%run_scoped3A : memref<!tpu.dma_semaphore, #tpu.memory_space<semaphore_mem>>)
      tpu.wait_dma2 semaphore(%run_scoped3A : memref<!tpu.dma_semaphore, #tpu.memory_space<semaphore_mem>>) src(%arg5 : memref<40000xf32, #tpu.memory_space<hbm>>) dst(%arg12 : memref<40000xf32, #tpu.memory_space<vmem>>)
      tpu.yield
    }) : () -> ()
    %scan3A_13 = arith.constant 0 : i32
    %scan3A_14 = arith.constant 625 : i32
    %scan3A_15 = arith.addi %scan3A_13, %scan3A_14 : i32
    %scan3A_16 = arith.constant 1 : i32
    scf.for %scan3A_39 = %scan3A_13 to %scan3A_15 step %scan3A_16  : i32 {
      %mul3A_40 = arith.constant 16 : i32
      %mul3A_41 = arith.muli %scan3A_39, %mul3A_40 : i32
      %get3A = arith.index_cast %mul3A_41 : i32 to index
      %get3A_42 = tpu.vector_load %arg9[%get3A] {strides = array<i32>} : memref<10000xi32, #tpu.memory_space<vmem>>, vector<16xi32>,
      %get3A_43 = arith.index_cast %mul3A_41 : i32 to index
      %get3A_44 = tpu.vector_load %arg10[%get3A_43] {strides = array<i32>} : memref<10000xi32, #tpu.memory_space<vmem>>, vector<16xi32>,
      %mul3A_45 = arith.constant 4 : i32
      %mul3A_46 = vector.broadcast %mul3A_45 : i32 to vector<16xi32>
      %mul3A_47 = arith.muli %get3A_42, %mul3A_46 : vector<16xi32>
      %mul3A_48 = arith.constant 4 : i32
      %mul3A_49 = vector.broadcast %mul3A_48 : i32 to vector<16xi32>
      %mul3A_50 = arith.muli %get3A_44, %mul3A_49 : vector<16xi32>
      %gather3A = tpu.vector_load_idx %arg12[%mul3A_47] : memref<40000xf32, #tpu.memory_space<vmem>>[vector<16xi32>], vector<16xf32>,
      %add3A_51 = arith.constant 1 : i32
      %add3A_52 = vector.broadcast %add3A_51 : i32 to vector<16xi32>
      %add3A_53 = arith.addi %mul3A_47, %add3A_52 : vector<16xi32>
      %gather3A_54 = tpu.vector_load_idx %arg12[%add3A_53] : memref<40000xf32, #tpu.memory_space<vmem>>[vector<16xi32>], vector<16xf32>,
      %add3A_55 = arith.constant 2 : i32
      %add3A_56 = vector.broadcast %add3A_55 : i32 to vector<16xi32>
      %add3A_57 = arith.addi %mul3A_50, %add3A_56 : vector<16xi32>
      %gather3A_58 = tpu.vector_load_idx %arg12[%add3A_57] : memref<40000xf32, #tpu.memory_space<vmem>>[vector<16xi32>], vector<16xf32>,
      %add3A_59 = arith.constant 3 : i32
      %add3A_60 = vector.broadcast %add3A_59 : i32 to vector<16xi32>
      %add3A_61 = arith.addi %mul3A_50, %add3A_60 : vector<16xi32>
      %gather3A_62 = tpu.vector_load_idx %arg12[%add3A_61] : memref<40000xf32, #tpu.memory_space<vmem>>[vector<16xi32>], vector<16xf32>,
      %add3A_63 = arith.addf %gather3A, %gather3A_58 : vector<16xf32>
      %add3A_64 = arith.addf %gather3A_54, %gather3A_62 : vector<16xf32>
      %ge3A = arith.constant 0.000000e+00 : f32
      %ge3A_65 = vector.broadcast %ge3A : f32 to vector<16xf32>
      %ge3A_66 = arith.cmpf oge, %add3A_63, %ge3A_65 : vector<16xf32>
      %mul3A_67 = arith.constant 2.000000e-01 : f32
      %mul3A_68 = vector.broadcast %mul3A_67 : f32 to vector<16xf32>
      %mul3A_69 = arith.mulf %mul3A_68, %add3A_63 : vector<16xf32>
      %select_n3A = arith.select %ge3A_66, %add3A_63, %mul3A_69 : vector<16xi1>, vector<16xf32>
      %exp3A = math.exp %select_n3A : vector<16xf32>
      %swap3A = arith.index_cast %mul3A_41 : i32 to index
      %swap3A_70 = tpu.vector_load %arg13[%swap3A] {strides = array<i32>} : memref<10000xf32, #tpu.memory_space<vmem>>, vector<16xf32>,
      tpu.vector_store %arg13[%swap3A], %exp3A {strides = array<i32>} : memref<10000xf32, #tpu.memory_space<vmem>>, vector<16xf32>,
      %ge3A_71 = arith.constant 0.000000e+00 : f32
      %ge3A_72 = vector.broadcast %ge3A_71 : f32 to vector<16xf32>
      %ge3A_73 = arith.cmpf oge, %add3A_64, %ge3A_72 : vector<16xf32>
      %mul3A_74 = arith.constant 2.000000e-01 : f32
      %mul3A_75 = vector.broadcast %mul3A_74 : f32 to vector<16xf32>
      %mul3A_76 = arith.mulf %mul3A_75, %add3A_64 : vector<16xf32>
      %select_n3A_77 = arith.select %ge3A_73, %add3A_64, %mul3A_76 : vector<16xi1>, vector<16xf32>
      %exp3A_78 = math.exp %select_n3A_77 : vector<16xf32>
      %swap3A_79 = arith.index_cast %mul3A_41 : i32 to index
      %swap3A_80 = tpu.vector_load %arg14[%swap3A_79] {strides = array<i32>} : memref<10000xf32, #tpu.memory_space<vmem>>, vector<16xf32>,
      tpu.vector_store %arg14[%swap3A_79], %exp3A_78 {strides = array<i32>} : memref<10000xf32, #tpu.memory_space<vmem>>, vector<16xf32>,
    }
    %scan3A_17 = arith.constant 625 : i32
    "tpu.region"() ({
      %run_scoped3A = tpu.sem_alloc : memref<!tpu.dma_semaphore, #tpu.memory_space<semaphore_mem>>
      %dma_start3A = tpu.memref_slice %arg6[%mul3A_2] : memref<320000xf32, #tpu.memory_space<hbm>> -> memref<10000xf32, #tpu.memory_space<hbm>>
      %dma_start3A_39 = tpu.memref_slice %arg6[%mul3A_2] : memref<320000xf32, #tpu.memory_space<hbm>> -> memref<10000xf32, #tpu.memory_space<hbm>>
      tpu.enqueue_dma source(%arg13 : memref<10000xf32, #tpu.memory_space<vmem>>) target(%dma_start3A_39 : memref<10000xf32, #tpu.memory_space<hbm>>) target_semaphore(%run_scoped3A : memref<!tpu.dma_semaphore, #tpu.memory_space<semaphore_mem>>)
      %dma_wait3A = tpu.memref_slice %arg6[%mul3A_2] : memref<320000xf32, #tpu.memory_space<hbm>> -> memref<10000xf32, #tpu.memory_space<hbm>>
      %dma_wait3A_40 = tpu.memref_slice %arg6[%mul3A_2] : memref<320000xf32, #tpu.memory_space<hbm>> -> memref<10000xf32, #tpu.memory_space<hbm>>
      tpu.wait_dma2 semaphore(%run_scoped3A : memref<!tpu.dma_semaphore, #tpu.memory_space<semaphore_mem>>) src(%arg13 : memref<10000xf32, #tpu.memory_space<vmem>>) dst(%dma_wait3A_40 : memref<10000xf32, #tpu.memory_space<hbm>>)
      tpu.yield
    }) : () -> ()
    "tpu.region"() ({
      %run_scoped3A = tpu.sem_alloc : memref<!tpu.dma_semaphore, #tpu.memory_space<semaphore_mem>>
      %dma_start3A = tpu.memref_slice %arg7[%mul3A_2] : memref<320000xf32, #tpu.memory_space<hbm>> -> memref<10000xf32, #tpu.memory_space<hbm>>
      %dma_start3A_39 = tpu.memref_slice %arg7[%mul3A_2] : memref<320000xf32, #tpu.memory_space<hbm>> -> memref<10000xf32, #tpu.memory_space<hbm>>
      tpu.enqueue_dma source(%arg14 : memref<10000xf32, #tpu.memory_space<vmem>>) target(%dma_start3A_39 : memref<10000xf32, #tpu.memory_space<hbm>>) target_semaphore(%run_scoped3A : memref<!tpu.dma_semaphore, #tpu.memory_space<semaphore_mem>>)
      %dma_wait3A = tpu.memref_slice %arg7[%mul3A_2] : memref<320000xf32, #tpu.memory_space<hbm>> -> memref<10000xf32, #tpu.memory_space<hbm>>
      %dma_wait3A_40 = tpu.memref_slice %arg7[%mul3A_2] : memref<320000xf32, #tpu.memory_space<hbm>> -> memref<10000xf32, #tpu.memory_space<hbm>>
      tpu.wait_dma2 semaphore(%run_scoped3A : memref<!tpu.dma_semaphore, #tpu.memory_space<semaphore_mem>>) src(%arg14 : memref<10000xf32, #tpu.memory_space<vmem>>) dst(%dma_wait3A_40 : memref<10000xf32, #tpu.memory_space<hbm>>)
      tpu.yield
    }) : () -> ()
    %scan3A_18 = arith.constant 0 : i32
    %scan3A_19 = arith.constant 125 : i32
    %scan3A_20 = arith.addi %scan3A_18, %scan3A_19 : i32
    %scan3A_21 = arith.constant 1 : i32
    scf.for %scan3A_39 = %scan3A_18 to %scan3A_20 step %scan3A_21  : i32 {
      %mul3A_40 = arith.constant 80 : i32
      %mul3A_41 = arith.muli %scan3A_39, %mul3A_40 : i32
      %add3A_42 = arith.constant 0 : i32
      %add3A_43 = arith.addi %mul3A_41, %add3A_42 : i32
      %get3A = arith.index_cast %add3A_43 : i32 to index
      %get3A_44 = tpu.vector_load %arg10[%get3A] {strides = array<i32>} : memref<10000xi32, #tpu.memory_space<vmem>>, vector<16xi32>,
      %swap3A = arith.constant 0 : index
      %swap3A_45 = tpu.vector_load %arg15[%swap3A] {strides = array<i32>} : memref<80xi32, #tpu.memory_space<vmem>>, vector<16xi32>,
      tpu.vector_store %arg15[%swap3A], %get3A_44 {strides = array<i32>} : memref<80xi32, #tpu.memory_space<vmem>>, vector<16xi32>,
      %add3A_46 = arith.constant 16 : i32
      %add3A_47 = arith.addi %mul3A_41, %add3A_46 : i32
      %get3A_48 = arith.index_cast %add3A_47 : i32 to index
      %get3A_49 = tpu.vector_load %arg10[%get3A_48] {strides = array<i32>} : memref<10000xi32, #tpu.memory_space<vmem>>, vector<16xi32>,
      %swap3A_50 = arith.constant 16 : index
      %swap3A_51 = tpu.vector_load %arg15[%swap3A_50] {strides = array<i32>} : memref<80xi32, #tpu.memory_space<vmem>>, vector<16xi32>,
      tpu.vector_store %arg15[%swap3A_50], %get3A_49 {strides = array<i32>} : memref<80xi32, #tpu.memory_space<vmem>>, vector<16xi32>,
      %add3A_52 = arith.constant 32 : i32
      %add3A_53 = arith.addi %mul3A_41, %add3A_52 : i32
      %get3A_54 = arith.index_cast %add3A_53 : i32 to index
      %get3A_55 = tpu.vector_load %arg10[%get3A_54] {strides = array<i32>} : memref<10000xi32, #tpu.memory_space<vmem>>, vector<16xi32>,
      %swap3A_56 = arith.constant 32 : index
      %swap3A_57 = tpu.vector_load %arg15[%swap3A_56] {strides = array<i32>} : memref<80xi32, #tpu.memory_space<vmem>>, vector<16xi32>,
      tpu.vector_store %arg15[%swap3A_56], %get3A_55 {strides = array<i32>} : memref<80xi32, #tpu.memory_space<vmem>>, vector<16xi32>,
      %add3A_58 = arith.constant 48 : i32
      %add3A_59 = arith.addi %mul3A_41, %add3A_58 : i32
      %get3A_60 = arith.index_cast %add3A_59 : i32 to index
      %get3A_61 = tpu.vector_load %arg10[%get3A_60] {strides = array<i32>} : memref<10000xi32, #tpu.memory_space<vmem>>, vector<16xi32>,
      %swap3A_62 = arith.constant 48 : index
      %swap3A_63 = tpu.vector_load %arg15[%swap3A_62] {strides = array<i32>} : memref<80xi32, #tpu.memory_space<vmem>>, vector<16xi32>,
      tpu.vector_store %arg15[%swap3A_62], %get3A_61 {strides = array<i32>} : memref<80xi32, #tpu.memory_space<vmem>>, vector<16xi32>,
      %add3A_64 = arith.constant 64 : i32
      %add3A_65 = arith.addi %mul3A_41, %add3A_64 : i32
      %get3A_66 = arith.index_cast %add3A_65 : i32 to index
      %get3A_67 = tpu.vector_load %arg10[%get3A_66] {strides = array<i32>} : memref<10000xi32, #tpu.memory_space<vmem>>, vector<16xi32>,
      %swap3A_68 = arith.constant 64 : index
      %swap3A_69 = tpu.vector_load %arg15[%swap3A_68] {strides = array<i32>} : memref<80xi32, #tpu.memory_space<vmem>>, vector<16xi32>,
      tpu.vector_store %arg15[%swap3A_68], %get3A_67 {strides = array<i32>} : memref<80xi32, #tpu.memory_space<vmem>>, vector<16xi32>,
      %add3A_70 = arith.constant 0 : i32
      %add3A_71 = arith.addi %mul3A_41, %add3A_70 : i32
      %get3A_72 = arith.index_cast %add3A_71 : i32 to index
      %get3A_73 = tpu.vector_load %arg13[%get3A_72] {strides = array<i32>} : memref<10000xf32, #tpu.memory_space<vmem>>, vector<16xf32>,
      %swap3A_74 = arith.constant 0 : index
      %swap3A_75 = tpu.vector_load %arg16[%swap3A_74] {strides = array<i32>} : memref<80xf32, #tpu.memory_space<vmem>>, vector<16xf32>,
      tpu.vector_store %arg16[%swap3A_74], %get3A_73 {strides = array<i32>} : memref<80xf32, #tpu.memory_space<vmem>>, vector<16xf32>,
      %add3A_76 = arith.constant 16 : i32
      %add3A_77 = arith.addi %mul3A_41, %add3A_76 : i32
      %get3A_78 = arith.index_cast %add3A_77 : i32 to index
      %get3A_79 = tpu.vector_load %arg13[%get3A_78] {strides = array<i32>} : memref<10000xf32, #tpu.memory_space<vmem>>, vector<16xf32>,
      %swap3A_80 = arith.constant 16 : index
      %swap3A_81 = tpu.vector_load %arg16[%swap3A_80] {strides = array<i32>} : memref<80xf32, #tpu.memory_space<vmem>>, vector<16xf32>,
      tpu.vector_store %arg16[%swap3A_80], %get3A_79 {strides = array<i32>} : memref<80xf32, #tpu.memory_space<vmem>>, vector<16xf32>,
      %add3A_82 = arith.constant 32 : i32
      %add3A_83 = arith.addi %mul3A_41, %add3A_82 : i32
      %get3A_84 = arith.index_cast %add3A_83 : i32 to index
      %get3A_85 = tpu.vector_load %arg13[%get3A_84] {strides = array<i32>} : memref<10000xf32, #tpu.memory_space<vmem>>, vector<16xf32>,
      %swap3A_86 = arith.constant 32 : index
      %swap3A_87 = tpu.vector_load %arg16[%swap3A_86] {strides = array<i32>} : memref<80xf32, #tpu.memory_space<vmem>>, vector<16xf32>,
      tpu.vector_store %arg16[%swap3A_86], %get3A_85 {strides = array<i32>} : memref<80xf32, #tpu.memory_space<vmem>>, vector<16xf32>,
      %add3A_88 = arith.constant 48 : i32
      %add3A_89 = arith.addi %mul3A_41, %add3A_88 : i32
      %get3A_90 = arith.index_cast %add3A_89 : i32 to index
      %get3A_91 = tpu.vector_load %arg13[%get3A_90] {strides = array<i32>} : memref<10000xf32, #tpu.memory_space<vmem>>, vector<16xf32>,
      %swap3A_92 = arith.constant 48 : index
      %swap3A_93 = tpu.vector_load %arg16[%swap3A_92] {strides = array<i32>} : memref<80xf32, #tpu.memory_space<vmem>>, vector<16xf32>,
      tpu.vector_store %arg16[%swap3A_92], %get3A_91 {strides = array<i32>} : memref<80xf32, #tpu.memory_space<vmem>>, vector<16xf32>,
      %add3A_94 = arith.constant 64 : i32
      %add3A_95 = arith.addi %mul3A_41, %add3A_94 : i32
      %get3A_96 = arith.index_cast %add3A_95 : i32 to index
      %get3A_97 = tpu.vector_load %arg13[%get3A_96] {strides = array<i32>} : memref<10000xf32, #tpu.memory_space<vmem>>, vector<16xf32>,
      %swap3A_98 = arith.constant 64 : index
      %swap3A_99 = tpu.vector_load %arg16[%swap3A_98] {strides = array<i32>} : memref<80xf32, #tpu.memory_space<vmem>>, vector<16xf32>,
      tpu.vector_store %arg16[%swap3A_98], %get3A_97 {strides = array<i32>} : memref<80xf32, #tpu.memory_space<vmem>>, vector<16xf32>,
      "tpu.region"() ({
        %run_scoped3A = tpu.sem_alloc : memref<!tpu.dma_semaphore, #tpu.memory_space<semaphore_mem>>
        %dma_start3A = arith.constant 0 : i32
        %dma_start3A_160 = tpu.memref_slice %arg18[%dma_start3A] : memref<10240xf32, #tpu.memory_space<vmem_shared>> -> memref<10240xf32, #tpu.memory_space<vmem_shared>>
        tpu.enqueue_indirect_dma source(%arg16 : memref<80xf32, #tpu.memory_space<vmem>>) target(%dma_start3A_160 : memref<10240xf32, #tpu.memory_space<vmem_shared>>) offsets(%arg15 : memref<80xi32, #tpu.memory_space<vmem>>) semaphore(%run_scoped3A : memref<!tpu.dma_semaphore, #tpu.memory_space<semaphore_mem>>) {add = true}
        %dma_wait3A = arith.constant 0 : i32
        %dma_wait3A_161 = tpu.memref_slice %arg18[%dma_wait3A] : memref<10240xf32, #tpu.memory_space<vmem_shared>> -> memref<10240xf32, #tpu.memory_space<vmem_shared>>
        tpu.wait_indirect_dma semaphore(%run_scoped3A : memref<!tpu.dma_semaphore, #tpu.memory_space<semaphore_mem>>) src(%arg16 : memref<80xf32, #tpu.memory_space<vmem>>) dst(%dma_wait3A_161 : memref<10240xf32, #tpu.memory_space<vmem_shared>>)
        tpu.yield
      }) : () -> ()
      %add3A_100 = arith.constant 0 : i32
      %add3A_101 = arith.addi %mul3A_41, %add3A_100 : i32
      %get3A_102 = arith.index_cast %add3A_101 : i32 to index
      %get3A_103 = tpu.vector_load %arg14[%get3A_102] {strides = array<i32>} : memref<10000xf32, #tpu.memory_space<vmem>>, vector<16xf32>,
      %swap3A_104 = arith.constant 0 : index
      %swap3A_105 = tpu.vector_load %arg16[%swap3A_104] {strides = array<i32>} : memref<80xf32, #tpu.memory_space<vmem>>, vector<16xf32>,
      tpu.vector_store %arg16[%swap3A_104], %get3A_103 {strides = array<i32>} : memref<80xf32, #tpu.memory_space<vmem>>, vector<16xf32>,
      %add3A_106 = arith.constant 16 : i32
      %add3A_107 = arith.addi %mul3A_41, %add3A_106 : i32
      %get3A_108 = arith.index_cast %add3A_107 : i32 to index
      %get3A_109 = tpu.vector_load %arg14[%get3A_108] {strides = array<i32>} : memref<10000xf32, #tpu.memory_space<vmem>>, vector<16xf32>,
      %swap3A_110 = arith.constant 16 : index
      %swap3A_111 = tpu.vector_load %arg16[%swap3A_110] {strides = array<i32>} : memref<80xf32, #tpu.memory_space<vmem>>, vector<16xf32>,
      tpu.vector_store %arg16[%swap3A_110], %get3A_109 {strides = array<i32>} : memref<80xf32, #tpu.memory_space<vmem>>, vector<16xf32>,
      %add3A_112 = arith.constant 32 : i32
      %add3A_113 = arith.addi %mul3A_41, %add3A_112 : i32
      %get3A_114 = arith.index_cast %add3A_113 : i32 to index
      %get3A_115 = tpu.vector_load %arg14[%get3A_114] {strides = array<i32>} : memref<10000xf32, #tpu.memory_space<vmem>>, vector<16xf32>,
      %swap3A_116 = arith.constant 32 : index
      %swap3A_117 = tpu.vector_load %arg16[%swap3A_116] {strides = array<i32>} : memref<80xf32, #tpu.memory_space<vmem>>, vector<16xf32>,
      tpu.vector_store %arg16[%swap3A_116], %get3A_115 {strides = array<i32>} : memref<80xf32, #tpu.memory_space<vmem>>, vector<16xf32>,
      %add3A_118 = arith.constant 48 : i32
      %add3A_119 = arith.addi %mul3A_41, %add3A_118 : i32
      %get3A_120 = arith.index_cast %add3A_119 : i32 to index
      %get3A_121 = tpu.vector_load %arg14[%get3A_120] {strides = array<i32>} : memref<10000xf32, #tpu.memory_space<vmem>>, vector<16xf32>,
      %swap3A_122 = arith.constant 48 : index
      %swap3A_123 = tpu.vector_load %arg16[%swap3A_122] {strides = array<i32>} : memref<80xf32, #tpu.memory_space<vmem>>, vector<16xf32>,
      tpu.vector_store %arg16[%swap3A_122], %get3A_121 {strides = array<i32>} : memref<80xf32, #tpu.memory_space<vmem>>, vector<16xf32>,
      %add3A_124 = arith.constant 64 : i32
      %add3A_125 = arith.addi %mul3A_41, %add3A_124 : i32
      %get3A_126 = arith.index_cast %add3A_125 : i32 to index
      %get3A_127 = tpu.vector_load %arg14[%get3A_126] {strides = array<i32>} : memref<10000xf32, #tpu.memory_space<vmem>>, vector<16xf32>,
      %swap3A_128 = arith.constant 64 : index
      %swap3A_129 = tpu.vector_load %arg16[%swap3A_128] {strides = array<i32>} : memref<80xf32, #tpu.memory_space<vmem>>, vector<16xf32>,
      tpu.vector_store %arg16[%swap3A_128], %get3A_127 {strides = array<i32>} : memref<80xf32, #tpu.memory_space<vmem>>, vector<16xf32>,
      "tpu.region"() ({
        %run_scoped3A = tpu.sem_alloc : memref<!tpu.dma_semaphore, #tpu.memory_space<semaphore_mem>>
        %dma_start3A = arith.constant 0 : i32
        %dma_start3A_160 = tpu.memref_slice %arg19[%dma_start3A] : memref<10240xf32, #tpu.memory_space<vmem_shared>> -> memref<10240xf32, #tpu.memory_space<vmem_shared>>
        tpu.enqueue_indirect_dma source(%arg16 : memref<80xf32, #tpu.memory_space<vmem>>) target(%dma_start3A_160 : memref<10240xf32, #tpu.memory_space<vmem_shared>>) offsets(%arg15 : memref<80xi32, #tpu.memory_space<vmem>>) semaphore(%run_scoped3A : memref<!tpu.dma_semaphore, #tpu.memory_space<semaphore_mem>>) {add = true}
        %dma_wait3A = arith.constant 0 : i32
        %dma_wait3A_161 = tpu.memref_slice %arg19[%dma_wait3A] : memref<10240xf32, #tpu.memory_space<vmem_shared>> -> memref<10240xf32, #tpu.memory_space<vmem_shared>>
        tpu.wait_indirect_dma semaphore(%run_scoped3A : memref<!tpu.dma_semaphore, #tpu.memory_space<semaphore_mem>>) src(%arg16 : memref<80xf32, #tpu.memory_space<vmem>>) dst(%dma_wait3A_161 : memref<10240xf32, #tpu.memory_space<vmem_shared>>)
        tpu.yield
      }) : () -> ()
      %add3A_130 = arith.constant 0 : i32
      %add3A_131 = arith.addi %mul3A_41, %add3A_130 : i32
      %get3A_132 = arith.index_cast %add3A_131 : i32 to index
      %get3A_133 = tpu.vector_load %arg11[%get3A_132] {strides = array<i32>} : memref<10000xf32, #tpu.memory_space<vmem>>, vector<16xf32>,
      %swap3A_134 = arith.constant 0 : index
      %swap3A_135 = tpu.vector_load %arg16[%swap3A_134] {strides = array<i32>} : memref<80xf32, #tpu.memory_space<vmem>>, vector<16xf32>,
      tpu.vector_store %arg16[%swap3A_134], %get3A_133 {strides = array<i32>} : memref<80xf32, #tpu.memory_space<vmem>>, vector<16xf32>,
      %add3A_136 = arith.constant 16 : i32
      %add3A_137 = arith.addi %mul3A_41, %add3A_136 : i32
      %get3A_138 = arith.index_cast %add3A_137 : i32 to index
      %get3A_139 = tpu.vector_load %arg11[%get3A_138] {strides = array<i32>} : memref<10000xf32, #tpu.memory_space<vmem>>, vector<16xf32>,
      %swap3A_140 = arith.constant 16 : index
      %swap3A_141 = tpu.vector_load %arg16[%swap3A_140] {strides = array<i32>} : memref<80xf32, #tpu.memory_space<vmem>>, vector<16xf32>,
      tpu.vector_store %arg16[%swap3A_140], %get3A_139 {strides = array<i32>} : memref<80xf32, #tpu.memory_space<vmem>>, vector<16xf32>,
      %add3A_142 = arith.constant 32 : i32
      %add3A_143 = arith.addi %mul3A_41, %add3A_142 : i32
      %get3A_144 = arith.index_cast %add3A_143 : i32 to index
      %get3A_145 = tpu.vector_load %arg11[%get3A_144] {strides = array<i32>} : memref<10000xf32, #tpu.memory_space<vmem>>, vector<16xf32>,
      %swap3A_146 = arith.constant 32 : index
      %swap3A_147 = tpu.vector_load %arg16[%swap3A_146] {strides = array<i32>} : memref<80xf32, #tpu.memory_space<vmem>>, vector<16xf32>,
      tpu.vector_store %arg16[%swap3A_146], %get3A_145 {strides = array<i32>} : memref<80xf32, #tpu.memory_space<vmem>>, vector<16xf32>,
      %add3A_148 = arith.constant 48 : i32
      %add3A_149 = arith.addi %mul3A_41, %add3A_148 : i32
      %get3A_150 = arith.index_cast %add3A_149 : i32 to index
      %get3A_151 = tpu.vector_load %arg11[%get3A_150] {strides = array<i32>} : memref<10000xf32, #tpu.memory_space<vmem>>, vector<16xf32>,
      %swap3A_152 = arith.constant 48 : index
      %swap3A_153 = tpu.vector_load %arg16[%swap3A_152] {strides = array<i32>} : memref<80xf32, #tpu.memory_space<vmem>>, vector<16xf32>,
      tpu.vector_store %arg16[%swap3A_152], %get3A_151 {strides = array<i32>} : memref<80xf32, #tpu.memory_space<vmem>>, vector<16xf32>,
      %add3A_154 = arith.constant 64 : i32
      %add3A_155 = arith.addi %mul3A_41, %add3A_154 : i32
      %get3A_156 = arith.index_cast %add3A_155 : i32 to index
      %get3A_157 = tpu.vector_load %arg11[%get3A_156] {strides = array<i32>} : memref<10000xf32, #tpu.memory_space<vmem>>, vector<16xf32>,
      %swap3A_158 = arith.constant 64 : index
      %swap3A_159 = tpu.vector_load %arg16[%swap3A_158] {strides = array<i32>} : memref<80xf32, #tpu.memory_space<vmem>>, vector<16xf32>,
      tpu.vector_store %arg16[%swap3A_158], %get3A_157 {strides = array<i32>} : memref<80xf32, #tpu.memory_space<vmem>>, vector<16xf32>,
      "tpu.region"() ({
        %run_scoped3A = tpu.sem_alloc : memref<!tpu.dma_semaphore, #tpu.memory_space<semaphore_mem>>
        %dma_start3A = arith.constant 0 : i32
        %dma_start3A_160 = tpu.memref_slice %arg20[%dma_start3A] : memref<10240xf32, #tpu.memory_space<vmem_shared>> -> memref<10240xf32, #tpu.memory_space<vmem_shared>>
        tpu.enqueue_indirect_dma source(%arg16 : memref<80xf32, #tpu.memory_space<vmem>>) target(%dma_start3A_160 : memref<10240xf32, #tpu.memory_space<vmem_shared>>) offsets(%arg15 : memref<80xi32, #tpu.memory_space<vmem>>) semaphore(%run_scoped3A : memref<!tpu.dma_semaphore, #tpu.memory_space<semaphore_mem>>) {add = true}
        %dma_wait3A = arith.constant 0 : i32
        %dma_wait3A_161 = tpu.memref_slice %arg20[%dma_wait3A] : memref<10240xf32, #tpu.memory_space<vmem_shared>> -> memref<10240xf32, #tpu.memory_space<vmem_shared>>
        tpu.wait_indirect_dma semaphore(%run_scoped3A : memref<!tpu.dma_semaphore, #tpu.memory_space<semaphore_mem>>) src(%arg16 : memref<80xf32, #tpu.memory_space<vmem>>) dst(%dma_wait3A_161 : memref<10240xf32, #tpu.memory_space<vmem_shared>>)
        tpu.yield
      }) : () -> ()
    }
    %scan3A_22 = arith.constant 125 : i32
    %barrier3A_23 = arith.constant 0 : index
    tpu.barrier barrier_id(%barrier3A_23)
    %mul3A_24 = arith.constant 30720 : i32
    %mul3A_25 = arith.muli %arg0, %mul3A_24 : i32
    %mul3A_26 = arith.constant 640 : i32
    %mul3A_27 = arith.muli %arg1, %mul3A_26 : i32
    %add3A_28 = arith.addi %mul3A_25, %mul3A_27 : i32
    %mul3A_29 = arith.constant 640 : i32
    %mul3A_30 = arith.muli %arg1, %mul3A_29 : i32
    "tpu.region"() ({
      %run_scoped3A = tpu.sem_alloc : memref<!tpu.dma_semaphore, #tpu.memory_space<semaphore_mem>>
      %dma_start3A = tpu.memref_slice %arg18[%mul3A_30] : memref<10240xf32, #tpu.memory_space<vmem_shared>> -> memref<640xf32, #tpu.memory_space<vmem_shared>>
      %dma_start3A_39 = tpu.memref_slice %arg18[%mul3A_30] : memref<10240xf32, #tpu.memory_space<vmem_shared>> -> memref<640xf32, #tpu.memory_space<vmem_shared>>
      tpu.enqueue_dma source(%dma_start3A_39 : memref<640xf32, #tpu.memory_space<vmem_shared>>) target(%arg17 : memref<640xf32, #tpu.memory_space<vmem>>) target_semaphore(%run_scoped3A : memref<!tpu.dma_semaphore, #tpu.memory_space<semaphore_mem>>)
      %dma_wait3A = tpu.memref_slice %arg18[%mul3A_30] : memref<10240xf32, #tpu.memory_space<vmem_shared>> -> memref<640xf32, #tpu.memory_space<vmem_shared>>
      %dma_wait3A_40 = tpu.memref_slice %arg18[%mul3A_30] : memref<10240xf32, #tpu.memory_space<vmem_shared>> -> memref<640xf32, #tpu.memory_space<vmem_shared>>
      tpu.wait_dma2 semaphore(%run_scoped3A : memref<!tpu.dma_semaphore, #tpu.memory_space<semaphore_mem>>) src(%dma_wait3A_40 : memref<640xf32, #tpu.memory_space<vmem_shared>>) dst(%arg17 : memref<640xf32, #tpu.memory_space<vmem>>)
      tpu.yield
    }) : () -> ()
    "tpu.region"() ({
      %run_scoped3A = tpu.sem_alloc : memref<!tpu.dma_semaphore, #tpu.memory_space<semaphore_mem>>
      %dma_start3A = tpu.memref_slice %arg8[%add3A_28] : memref<61440xf32, #tpu.memory_space<hbm>> -> memref<640xf32, #tpu.memory_space<hbm>>
      %dma_start3A_39 = tpu.memref_slice %arg8[%add3A_28] : memref<61440xf32, #tpu.memory_space<hbm>> -> memref<640xf32, #tpu.memory_space<hbm>>
      tpu.enqueue_dma source(%arg17 : memref<640xf32, #tpu.memory_space<vmem>>) target(%dma_start3A_39 : memref<640xf32, #tpu.memory_space<hbm>>) target_semaphore(%run_scoped3A : memref<!tpu.dma_semaphore, #tpu.memory_space<semaphore_mem>>)
      %dma_wait3A = tpu.memref_slice %arg8[%add3A_28] : memref<61440xf32, #tpu.memory_space<hbm>> -> memref<640xf32, #tpu.memory_space<hbm>>
      %dma_wait3A_40 = tpu.memref_slice %arg8[%add3A_28] : memref<61440xf32, #tpu.memory_space<hbm>> -> memref<640xf32, #tpu.memory_space<hbm>>
      tpu.wait_dma2 semaphore(%run_scoped3A : memref<!tpu.dma_semaphore, #tpu.memory_space<semaphore_mem>>) src(%arg17 : memref<640xf32, #tpu.memory_space<vmem>>) dst(%dma_wait3A_40 : memref<640xf32, #tpu.memory_space<hbm>>)
      tpu.yield
    }) : () -> ()
    %mul3A_31 = arith.constant 640 : i32
    %mul3A_32 = arith.muli %arg1, %mul3A_31 : i32
    "tpu.region"() ({
      %run_scoped3A = tpu.sem_alloc : memref<!tpu.dma_semaphore, #tpu.memory_space<semaphore_mem>>
      %dma_start3A = tpu.memref_slice %arg19[%mul3A_32] : memref<10240xf32, #tpu.memory_space<vmem_shared>> -> memref<640xf32, #tpu.memory_space<vmem_shared>>
      %dma_start3A_39 = tpu.memref_slice %arg19[%mul3A_32] : memref<10240xf32, #tpu.memory_space<vmem_shared>> -> memref<640xf32, #tpu.memory_space<vmem_shared>>
      tpu.enqueue_dma source(%dma_start3A_39 : memref<640xf32, #tpu.memory_space<vmem_shared>>) target(%arg17 : memref<640xf32, #tpu.memory_space<vmem>>) target_semaphore(%run_scoped3A : memref<!tpu.dma_semaphore, #tpu.memory_space<semaphore_mem>>)
      %dma_wait3A = tpu.memref_slice %arg19[%mul3A_32] : memref<10240xf32, #tpu.memory_space<vmem_shared>> -> memref<640xf32, #tpu.memory_space<vmem_shared>>
      %dma_wait3A_40 = tpu.memref_slice %arg19[%mul3A_32] : memref<10240xf32, #tpu.memory_space<vmem_shared>> -> memref<640xf32, #tpu.memory_space<vmem_shared>>
      tpu.wait_dma2 semaphore(%run_scoped3A : memref<!tpu.dma_semaphore, #tpu.memory_space<semaphore_mem>>) src(%dma_wait3A_40 : memref<640xf32, #tpu.memory_space<vmem_shared>>) dst(%arg17 : memref<640xf32, #tpu.memory_space<vmem>>)
      tpu.yield
    }) : () -> ()
    %add3A_33 = arith.constant 10240 : i32
    %add3A_34 = arith.addi %add3A_28, %add3A_33 : i32
    "tpu.region"() ({
      %run_scoped3A = tpu.sem_alloc : memref<!tpu.dma_semaphore, #tpu.memory_space<semaphore_mem>>
      %dma_start3A = tpu.memref_slice %arg8[%add3A_34] : memref<61440xf32, #tpu.memory_space<hbm>> -> memref<640xf32, #tpu.memory_space<hbm>>
      %dma_start3A_39 = tpu.memref_slice %arg8[%add3A_34] : memref<61440xf32, #tpu.memory_space<hbm>> -> memref<640xf32, #tpu.memory_space<hbm>>
      tpu.enqueue_dma source(%arg17 : memref<640xf32, #tpu.memory_space<vmem>>) target(%dma_start3A_39 : memref<640xf32, #tpu.memory_space<hbm>>) target_semaphore(%run_scoped3A : memref<!tpu.dma_semaphore, #tpu.memory_space<semaphore_mem>>)
      %dma_wait3A = tpu.memref_slice %arg8[%add3A_34] : memref<61440xf32, #tpu.memory_space<hbm>> -> memref<640xf32, #tpu.memory_space<hbm>>
      %dma_wait3A_40 = tpu.memref_slice %arg8[%add3A_34] : memref<61440xf32, #tpu.memory_space<hbm>> -> memref<640xf32, #tpu.memory_space<hbm>>
      tpu.wait_dma2 semaphore(%run_scoped3A : memref<!tpu.dma_semaphore, #tpu.memory_space<semaphore_mem>>) src(%arg17 : memref<640xf32, #tpu.memory_space<vmem>>) dst(%dma_wait3A_40 : memref<640xf32, #tpu.memory_space<hbm>>)
      tpu.yield
    }) : () -> ()
    %mul3A_35 = arith.constant 640 : i32
    %mul3A_36 = arith.muli %arg1, %mul3A_35 : i32
    "tpu.region"() ({
      %run_scoped3A = tpu.sem_alloc : memref<!tpu.dma_semaphore, #tpu.memory_space<semaphore_mem>>
      %dma_start3A = tpu.memref_slice %arg20[%mul3A_36] : memref<10240xf32, #tpu.memory_space<vmem_shared>> -> memref<640xf32, #tpu.memory_space<vmem_shared>>
      %dma_start3A_39 = tpu.memref_slice %arg20[%mul3A_36] : memref<10240xf32, #tpu.memory_space<vmem_shared>> -> memref<640xf32, #tpu.memory_space<vmem_shared>>
      tpu.enqueue_dma source(%dma_start3A_39 : memref<640xf32, #tpu.memory_space<vmem_shared>>) target(%arg17 : memref<640xf32, #tpu.memory_space<vmem>>) target_semaphore(%run_scoped3A : memref<!tpu.dma_semaphore, #tpu.memory_space<semaphore_mem>>)
      %dma_wait3A = tpu.memref_slice %arg20[%mul3A_36] : memref<10240xf32, #tpu.memory_space<vmem_shared>> -> memref<640xf32, #tpu.memory_space<vmem_shared>>
      %dma_wait3A_40 = tpu.memref_slice %arg20[%mul3A_36] : memref<10240xf32, #tpu.memory_space<vmem_shared>> -> memref<640xf32, #tpu.memory_space<vmem_shared>>
      tpu.wait_dma2 semaphore(%run_scoped3A : memref<!tpu.dma_semaphore, #tpu.memory_space<semaphore_mem>>) src(%dma_wait3A_40 : memref<640xf32, #tpu.memory_space<vmem_shared>>) dst(%arg17 : memref<640xf32, #tpu.memory_space<vmem>>)
      tpu.yield
    }) : () -> ()
    %add3A_37 = arith.constant 20480 : i32
    %add3A_38 = arith.addi %add3A_28, %add3A_37 : i32
    "tpu.region"() ({
      %run_scoped3A = tpu.sem_alloc : memref<!tpu.dma_semaphore, #tpu.memory_space<semaphore_mem>>
      %dma_start3A = tpu.memref_slice %arg8[%add3A_38] : memref<61440xf32, #tpu.memory_space<hbm>> -> memref<640xf32, #tpu.memory_space<hbm>>
      %dma_start3A_39 = tpu.memref_slice %arg8[%add3A_38] : memref<61440xf32, #tpu.memory_space<hbm>> -> memref<640xf32, #tpu.memory_space<hbm>>
      tpu.enqueue_dma source(%arg17 : memref<640xf32, #tpu.memory_space<vmem>>) target(%dma_start3A_39 : memref<640xf32, #tpu.memory_space<hbm>>) target_semaphore(%run_scoped3A : memref<!tpu.dma_semaphore, #tpu.memory_space<semaphore_mem>>)
      %dma_wait3A = tpu.memref_slice %arg8[%add3A_38] : memref<61440xf32, #tpu.memory_space<hbm>> -> memref<640xf32, #tpu.memory_space<hbm>>
      %dma_wait3A_40 = tpu.memref_slice %arg8[%add3A_38] : memref<61440xf32, #tpu.memory_space<hbm>> -> memref<640xf32, #tpu.memory_space<hbm>>
      tpu.wait_dma2 semaphore(%run_scoped3A : memref<!tpu.dma_semaphore, #tpu.memory_space<semaphore_mem>>) src(%arg17 : memref<640xf32, #tpu.memory_space<vmem>>) dst(%dma_wait3A_40 : memref<640xf32, #tpu.memory_space<hbm>>)
      tpu.yield
    }) : () -> ()
    return
  }
}

module attributes {stable_mosaic.version = 14 : i64} {
  func.func @_node_tables_body(%arg0: i32, %arg1: memref<1000x128xf32, #tpu.memory_space<vmem>>, %arg2: memref<2x128x128xf32, #tpu.memory_space<vmem>>, %arg3: memref<128x512xf32, #tpu.memory_space<vmem>>, %arg4: memref<1x256xf32, #tpu.memory_space<vmem>>, %arg5: memref<1000x384xf32, #tpu.memory_space<vmem>>, %arg6: memref<1000x8xf32, #tpu.memory_space<vmem>>) attributes {dimension_semantics = [#tpu.dimension_semantics<arbitrary>], iteration_bounds = array<i64: 10>, scalar_prefetch = 0 : i64, scratch_operands = 0 : i64, tpu.core_type = #tpu.core_type<tc>, window_params = [{transform_indices = @transform_0, window_bounds = array<i64: 1000, 128>}, {pipeline_mode = #tpu.pipeline_mode<synchronous>, transform_indices = @transform_1, window_bounds = array<i64: 2, 128, 128>}, {pipeline_mode = #tpu.pipeline_mode<synchronous>, transform_indices = @transform_2, window_bounds = array<i64: 128, 512>}, {pipeline_mode = #tpu.pipeline_mode<synchronous>, transform_indices = @transform_3, window_bounds = array<i64: 1, 256>}, {transform_indices = @transform_4, window_bounds = array<i64: 1000, 384>}, {transform_indices = @transform_5, window_bounds = array<i64: 1000, 8>}]} {
    %get3A = arith.constant 0 : index
    %get3A_0 = arith.constant 0 : index
    %get3A_1 = vector.load %arg1[%get3A, %get3A_0] : memref<1000x128xf32, #tpu.memory_space<vmem>>, vector<1000x128xf32>
    %get3A_2 = arith.constant 0 : index
    %get3A_3 = arith.constant 0 : index
    %get3A_4 = arith.constant 0 : index
    %get3A_5 = vector.load %arg2[%get3A_2, %get3A_3, %get3A_4] : memref<2x128x128xf32, #tpu.memory_space<vmem>>, vector<1x128x128xf32>
    %get3A_6 = vector.shape_cast %get3A_5 : vector<1x128x128xf32> to vector<128x128xf32>
    %get3A_7 = arith.constant 1 : index
    %get3A_8 = arith.constant 0 : index
    %get3A_9 = arith.constant 0 : index
    %get3A_10 = vector.load %arg2[%get3A_7, %get3A_8, %get3A_9] : memref<2x128x128xf32, #tpu.memory_space<vmem>>, vector<1x128x128xf32>
    %get3A_11 = vector.shape_cast %get3A_10 : vector<1x128x128xf32> to vector<128x128xf32>
    %get3A_12 = arith.constant 0 : index
    %get3A_13 = arith.constant 0 : index
    %get3A_14 = vector.load %arg3[%get3A_12, %get3A_13] : memref<128x512xf32, #tpu.memory_space<vmem>>, vector<128x512xf32>
    %transpose3A = tpu.transpose %get3A_6, [1, 0] : vector<128x128xf32> -> vector<128x128xf32>
    %slice3A = vector.extract_strided_slice %get3A_14 {offsets = [0, 0], sizes = [128, 128], strides = [1, 1]} : vector<128x512xf32> to vector<128x128xf32>
    %transpose3A_15 = tpu.transpose %slice3A, [1, 0] : vector<128x128xf32> -> vector<128x128xf32>
    %dot_general3A = arith.constant dense<0.000000e+00> : vector<128x128xf32>
    %dot_general3A_16 = tpu.matmul %transpose3A, %transpose3A_15, %dot_general3A {dimension_numbers = #tpu.dot_dimension_numbers<[1], [0], [0], [1], [0, 0, 1, 1], [], []>, precision = #tpu.contract_precision<fp32>, transpose_lhs_hint = false} : vector<128x128xf32>, vector<128x128xf32>, vector<128x128xf32> -> vector<128x128xf32>
    %transpose3A_17 = tpu.transpose %get3A_11, [1, 0] : vector<128x128xf32> -> vector<128x128xf32>
    %slice3A_18 = vector.extract_strided_slice %get3A_14 {offsets = [0, 128], sizes = [128, 128], strides = [1, 1]} : vector<128x512xf32> to vector<128x128xf32>
    %transpose3A_19 = tpu.transpose %slice3A_18, [1, 0] : vector<128x128xf32> -> vector<128x128xf32>
    %dot_general3A_20 = arith.constant dense<0.000000e+00> : vector<128x128xf32>
    %dot_general3A_21 = tpu.matmul %transpose3A_17, %transpose3A_19, %dot_general3A_20 {dimension_numbers = #tpu.dot_dimension_numbers<[1], [0], [0], [1], [0, 0, 1, 1], [], []>, precision = #tpu.contract_precision<fp32>, transpose_lhs_hint = false} : vector<128x128xf32>, vector<128x128xf32>, vector<128x128xf32> -> vector<128x128xf32>
    %transpose3A_22 = tpu.transpose %get3A_6, [1, 0] : vector<128x128xf32> -> vector<128x128xf32>
    %slice3A_23 = vector.extract_strided_slice %get3A_14 {offsets = [0, 256], sizes = [128, 128], strides = [1, 1]} : vector<128x512xf32> to vector<128x128xf32>
    %transpose3A_24 = tpu.transpose %slice3A_23, [1, 0] : vector<128x128xf32> -> vector<128x128xf32>
    %dot_general3A_25 = arith.constant dense<0.000000e+00> : vector<128x128xf32>
    %dot_general3A_26 = tpu.matmul %transpose3A_22, %transpose3A_24, %dot_general3A_25 {dimension_numbers = #tpu.dot_dimension_numbers<[1], [0], [0], [1], [0, 0, 1, 1], [], []>, precision = #tpu.contract_precision<fp32>, transpose_lhs_hint = false} : vector<128x128xf32>, vector<128x128xf32>, vector<128x128xf32> -> vector<128x128xf32>
    %transpose3A_27 = tpu.transpose %get3A_11, [1, 0] : vector<128x128xf32> -> vector<128x128xf32>
    %slice3A_28 = vector.extract_strided_slice %get3A_14 {offsets = [0, 384], sizes = [128, 128], strides = [1, 1]} : vector<128x512xf32> to vector<128x128xf32>
    %transpose3A_29 = tpu.transpose %slice3A_28, [1, 0] : vector<128x128xf32> -> vector<128x128xf32>
    %dot_general3A_30 = arith.constant dense<0.000000e+00> : vector<128x128xf32>
    %dot_general3A_31 = tpu.matmul %transpose3A_27, %transpose3A_29, %dot_general3A_30 {dimension_numbers = #tpu.dot_dimension_numbers<[1], [0], [0], [1], [0, 0, 1, 1], [], []>, precision = #tpu.contract_precision<fp32>, transpose_lhs_hint = false} : vector<128x128xf32>, vector<128x128xf32>, vector<128x128xf32> -> vector<128x128xf32>
    %add3A = arith.addf %dot_general3A_26, %dot_general3A_31 : vector<128x128xf32>
    %concatenate3A = tpu.concatenate %dot_general3A_16, %dot_general3A_21, %add3A in 1 : vector<128x128xf32>, vector<128x128xf32>, vector<128x128xf32> -> vector<128x384xf32>
    %dot_general3A_32 = arith.constant dense<0.000000e+00> : vector<1000x384xf32>
    %dot_general3A_33 = tpu.matmul %get3A_1, %concatenate3A, %dot_general3A_32 {dimension_numbers = #tpu.dot_dimension_numbers<[1], [0], [0], [1], [0, 0, 1, 1], [], []>, precision = #tpu.contract_precision<fp32>, transpose_lhs_hint = false} : vector<1000x128xf32>, vector<128x384xf32>, vector<1000x384xf32> -> vector<1000x384xf32>
    %swap3A = arith.constant 0 : index
    %swap3A_34 = arith.constant 0 : index
    %swap3A_35 = vector.load %arg5[%swap3A, %swap3A_34] : memref<1000x384xf32, #tpu.memory_space<vmem>>, vector<1000x384xf32>
    tpu.vector_store %arg5[%swap3A, %swap3A_34], %dot_general3A_33 {strides = array<i32>} : memref<1000x384xf32, #tpu.memory_space<vmem>>, vector<1000x384xf32>,
    %get3A_36 = arith.constant 0 : index
    %get3A_37 = arith.constant 0 : index
    %get3A_38 = vector.load %arg4[%get3A_36, %get3A_37] : memref<1x256xf32, #tpu.memory_space<vmem>>, vector<1x256xf32>
    %slice3A_39 = vector.extract_strided_slice %get3A_38 {offsets = [0, 0], sizes = [1, 128], strides = [1, 1]} : vector<1x256xf32> to vector<1x128xf32>
    %squeeze3A = vector.shape_cast %slice3A_39 : vector<1x128xf32> to vector<128xf32>
    %slice3A_40 = vector.extract_strided_slice %get3A_38 {offsets = [0, 128], sizes = [1, 128], strides = [1, 1]} : vector<1x256xf32> to vector<1x128xf32>
    %squeeze3A_41 = vector.shape_cast %slice3A_40 : vector<1x128xf32> to vector<128xf32>
    %broadcast_in_dim3A = arith.constant 0.000000e+00 : f32
    %broadcast_in_dim3A_42 = vector.broadcast %broadcast_in_dim3A : f32 to vector<128xf32>
    %dot_general3A_43 = arith.constant dense<0.000000e+00> : vector<128xf32>
    %dot_general3A_44 = tpu.matmul %squeeze3A, %get3A_6, %dot_general3A_43 {dimension_numbers = #tpu.dot_dimension_numbers<[0], [0], [], [1], [1, 1], [], []>, precision = #tpu.contract_precision<fp32>, transpose_lhs_hint = false} : vector<128xf32>, vector<128x128xf32>, vector<128xf32> -> vector<128xf32>
    %dot_general3A_45 = arith.constant dense<0.000000e+00> : vector<128xf32>
    %dot_general3A_46 = tpu.matmul %squeeze3A, %get3A_11, %dot_general3A_45 {dimension_numbers = #tpu.dot_dimension_numbers<[0], [0], [], [1], [1, 1], [], []>, precision = #tpu.contract_precision<fp32>, transpose_lhs_hint = false} : vector<128xf32>, vector<128x128xf32>, vector<128xf32> -> vector<128xf32>
    %dot_general3A_47 = arith.constant dense<0.000000e+00> : vector<128xf32>
    %dot_general3A_48 = tpu.matmul %squeeze3A_41, %get3A_6, %dot_general3A_47 {dimension_numbers = #tpu.dot_dimension_numbers<[0], [0], [], [1], [1, 1], [], []>, precision = #tpu.contract_precision<fp32>, transpose_lhs_hint = false} : vector<128xf32>, vector<128x128xf32>, vector<128xf32> -> vector<128xf32>
    %dot_general3A_49 = arith.constant dense<0.000000e+00> : vector<128xf32>
    %dot_general3A_50 = tpu.matmul %squeeze3A_41, %get3A_11, %dot_general3A_49 {dimension_numbers = #tpu.dot_dimension_numbers<[0], [0], [], [1], [1, 1], [], []>, precision = #tpu.contract_precision<fp32>, transpose_lhs_hint = false} : vector<128xf32>, vector<128x128xf32>, vector<128xf32> -> vector<128xf32>
    %stack3A = vector.shape_cast %dot_general3A_44 : vector<128xf32> to vector<128x1xf32>
    %stack3A_51 = vector.shape_cast %dot_general3A_46 : vector<128xf32> to vector<128x1xf32>
    %stack3A_52 = vector.shape_cast %dot_general3A_48 : vector<128xf32> to vector<128x1xf32>
    %stack3A_53 = vector.shape_cast %dot_general3A_50 : vector<128xf32> to vector<128x1xf32>
    %stack3A_54 = vector.shape_cast %broadcast_in_dim3A_42 : vector<128xf32> to vector<128x1xf32>
    %stack3A_55 = vector.shape_cast %broadcast_in_dim3A_42 : vector<128xf32> to vector<128x1xf32>
    %stack3A_56 = vector.shape_cast %broadcast_in_dim3A_42 : vector<128xf32> to vector<128x1xf32>
    %stack3A_57 = vector.shape_cast %broadcast_in_dim3A_42 : vector<128xf32> to vector<128x1xf32>
    %stack3A_58 = tpu.concatenate %stack3A, %stack3A_51, %stack3A_52, %stack3A_53, %stack3A_54, %stack3A_55, %stack3A_56, %stack3A_57 in 1 : vector<128x1xf32>, vector<128x1xf32>, vector<128x1xf32>, vector<128x1xf32>, vector<128x1xf32>, vector<128x1xf32>, vector<128x1xf32>, vector<128x1xf32> -> vector<128x8xf32>
    %dot_general3A_59 = arith.constant dense<0.000000e+00> : vector<1000x8xf32>
    %dot_general3A_60 = tpu.matmul %get3A_1, %stack3A_58, %dot_general3A_59 {dimension_numbers = #tpu.dot_dimension_numbers<[1], [0], [0], [1], [0, 0, 1, 1], [], []>, precision = #tpu.contract_precision<fp32>, transpose_lhs_hint = false} : vector<1000x128xf32>, vector<128x8xf32>, vector<1000x8xf32> -> vector<1000x8xf32>
    %swap3A_61 = arith.constant 0 : index
    %swap3A_62 = arith.constant 0 : index
    %swap3A_63 = vector.load %arg6[%swap3A_61, %swap3A_62] : memref<1000x8xf32, #tpu.memory_space<vmem>>, vector<1000x8xf32>
    tpu.vector_store %arg6[%swap3A_61, %swap3A_62], %dot_general3A_60 {strides = array<i32>} : memref<1000x8xf32, #tpu.memory_space<vmem>>, vector<1000x8xf32>,
    return
  }
  func.func @transform_0(%arg0: i32) -> (i32, i32) {
    %c0_i32 = arith.constant 0 : i32
    %c0_i32_0 = arith.constant 0 : i32
    return %arg0, %c0_i32 : i32, i32
  }
  func.func @transform_1(%arg0: i32) -> (i32, i32, i32) {
    %c0_i32 = arith.constant 0 : i32
    %c0_i32_0 = arith.constant 0 : i32
    %c0_i32_1 = arith.constant 0 : i32
    %c0_i32_2 = arith.constant 0 : i32
    return %c0_i32, %c0_i32_0, %c0_i32_1 : i32, i32, i32
  }
  func.func @transform_2(%arg0: i32) -> (i32, i32) {
    %c0_i32 = arith.constant 0 : i32
    %c0_i32_0 = arith.constant 0 : i32
    %c0_i32_1 = arith.constant 0 : i32
    return %c0_i32, %c0_i32_0 : i32, i32
  }
  func.func @transform_3(%arg0: i32) -> (i32, i32) {
    %c0_i32 = arith.constant 0 : i32
    %c0_i32_0 = arith.constant 0 : i32
    %c0_i32_1 = arith.constant 0 : i32
    return %c0_i32, %c0_i32_0 : i32, i32
  }
  func.func @transform_4(%arg0: i32) -> (i32, i32) {
    %c0_i32 = arith.constant 0 : i32
    %c0_i32_0 = arith.constant 0 : i32
    return %arg0, %c0_i32 : i32, i32
  }
  func.func @transform_5(%arg0: i32) -> (i32, i32) {
    %c0_i32 = arith.constant 0 : i32
    %c0_i32_0 = arith.constant 0 : i32
    return %arg0, %c0_i32 : i32, i32
  }
}

module attributes {stable_mosaic.version = 14 : i64} {
  func.func @_rel_alpha_body(%arg0: i32, %arg1: memref<2560x16xf32, #tpu.memory_space<vmem>>, %arg2: memref<128x16xf32, #tpu.memory_space<vmem>>, %arg3: memref<128xf32, #tpu.memory_space<vmem>>, %arg4: memref<1x128xf32, #tpu.memory_space<vmem>>, %arg5: memref<1xf32, #tpu.memory_space<vmem>>, %arg6: memref<2560x1xf32, #tpu.memory_space<vmem>>) attributes {dimension_semantics = [#tpu.dimension_semantics<arbitrary>], iteration_bounds = array<i64: 125>, scalar_prefetch = 0 : i64, scratch_operands = 0 : i64, tpu.core_type = #tpu.core_type<tc>, window_params = [{transform_indices = @transform_0, window_bounds = array<i64: 2560, 16>}, {pipeline_mode = #tpu.pipeline_mode<synchronous>, transform_indices = @transform_1, window_bounds = array<i64: 128, 16>}, {pipeline_mode = #tpu.pipeline_mode<synchronous>, transform_indices = @transform_2, window_bounds = array<i64: 128>}, {pipeline_mode = #tpu.pipeline_mode<synchronous>, transform_indices = @transform_3, window_bounds = array<i64: 1, 128>}, {pipeline_mode = #tpu.pipeline_mode<synchronous>, transform_indices = @transform_4, window_bounds = array<i64: 1>}, {transform_indices = @transform_5, window_bounds = array<i64: 2560, 1>}]} {
    %get3A = arith.constant 0 : index
    %get3A_0 = arith.constant 0 : index
    %get3A_1 = vector.load %arg1[%get3A, %get3A_0] : memref<2560x16xf32, #tpu.memory_space<vmem>>, vector<2560x16xf32>
    %get3A_2 = arith.constant 0 : index
    %get3A_3 = arith.constant 0 : index
    %get3A_4 = vector.load %arg2[%get3A_2, %get3A_3] : memref<128x16xf32, #tpu.memory_space<vmem>>, vector<128x16xf32>
    %dot_general3A = arith.constant dense<0.000000e+00> : vector<2560x128xf32>
    %dot_general3A_5 = tpu.matmul %get3A_1, %get3A_4, %dot_general3A {dimension_numbers = #tpu.dot_dimension_numbers<[1], [1], [0], [0], [0, 0, 1, 0], [], []>, precision = #tpu.contract_precision<fp32>, transpose_lhs_hint = false} : vector<2560x16xf32>, vector<128x16xf32>, vector<2560x128xf32> -> vector<2560x128xf32>
    %get3A_6 = arith.constant 0 : index
    %get3A_7 = vector.load %arg3[%get3A_6] : memref<128xf32, #tpu.memory_space<vmem>>, vector<128xf32>
    %broadcast_in_dim3A = vector.shape_cast %get3A_7 : vector<128xf32> to vector<1x128xf32>
    %add3A = vector.broadcast %broadcast_in_dim3A : vector<1x128xf32> to vector<2560x128xf32>
    %add3A_8 = arith.addf %dot_general3A_5, %add3A : vector<2560x128xf32>
    %max3A = arith.constant 0.000000e+00 : f32
    %max3A_9 = vector.broadcast %max3A : f32 to vector<2560x128xf32>
    %max3A_10 = arith.maximumf %add3A_8, %max3A_9 : vector<2560x128xf32>
    %get3A_11 = arith.constant 0 : index
    %get3A_12 = arith.constant 0 : index
    %get3A_13 = vector.load %arg4[%get3A_11, %get3A_12] : memref<1x128xf32, #tpu.memory_space<vmem>>, vector<1x128xf32>
    %mul3A = vector.broadcast %get3A_13 : vector<1x128xf32> to vector<2560x128xf32>
    %mul3A_14 = arith.mulf %max3A_10, %mul3A : vector<2560x128xf32>
    %reduce_sum3A = arith.constant dense<0.000000e+00> : vector<2560xf32>
    %reduce_sum3A_15 = vector.multi_reduction <add>, %mul3A_14, %reduce_sum3A [1] : vector<2560x128xf32> to vector<2560xf32>
    %broadcast_in_dim3A_16 = vector.shape_cast %reduce_sum3A_15 : vector<2560xf32> to vector<2560x1xf32>
    %get3A_17 = arith.constant 0 : index
    %get3A_18 = vector.load %arg5[%get3A_17] : memref<1xf32, #tpu.memory_space<vmem>>, vector<1xf32>
    %get3A_19 = vector.extract %get3A_18[0] : f32 from vector<1xf32>
    %add3A_20 = vector.broadcast %get3A_19 : f32 to vector<2560x1xf32>
    %add3A_21 = arith.addf %broadcast_in_dim3A_16, %add3A_20 : vector<2560x1xf32>
    %exp3A = math.exp %add3A_21 : vector<2560x1xf32>
    %swap3A = arith.constant 0 : index
    %swap3A_22 = arith.constant 0 : index
    %swap3A_23 = vector.load %arg6[%swap3A, %swap3A_22] : memref<2560x1xf32, #tpu.memory_space<vmem>>, vector<2560x1xf32>
    tpu.vector_store %arg6[%swap3A, %swap3A_22], %exp3A {strides = array<i32>} : memref<2560x1xf32, #tpu.memory_space<vmem>>, vector<2560x1xf32>,
    return
  }
  func.func @transform_0(%arg0: i32) -> (i32, i32) {
    %c0_i32 = arith.constant 0 : i32
    %c0_i32_0 = arith.constant 0 : i32
    return %arg0, %c0_i32 : i32, i32
  }
  func.func @transform_1(%arg0: i32) -> (i32, i32) {
    %c0_i32 = arith.constant 0 : i32
    %c0_i32_0 = arith.constant 0 : i32
    %c0_i32_1 = arith.constant 0 : i32
    return %c0_i32, %c0_i32_0 : i32, i32
  }
  func.func @transform_2(%arg0: i32) -> i32 {
    %c0_i32 = arith.constant 0 : i32
    %c0_i32_0 = arith.constant 0 : i32
    return %c0_i32 : i32
  }
  func.func @transform_3(%arg0: i32) -> (i32, i32) {
    %c0_i32 = arith.constant 0 : i32
    %c0_i32_0 = arith.constant 0 : i32
    %c0_i32_1 = arith.constant 0 : i32
    return %c0_i32, %c0_i32_0 : i32, i32
  }
  func.func @transform_4(%arg0: i32) -> i32 {
    %c0_i32 = arith.constant 0 : i32
    %c0_i32_0 = arith.constant 0 : i32
    return %c0_i32 : i32
  }
  func.func @transform_5(%arg0: i32) -> (i32, i32) {
    %c0_i32 = arith.constant 0 : i32
    %c0_i32_0 = arith.constant 0 : i32
    return %arg0, %c0_i32 : i32, i32
  }
}

module attributes {stable_mosaic.version = 14 : i64} {
  func.func @_inv_den_body(%arg0: memref<2x3x10240xf32, #tpu.memory_space<vmem>>, %arg1: memref<3x10240xf32, #tpu.memory_space<vmem>>) attributes {dimension_semantics = [], scalar_prefetch = 0 : i64, scratch_operands = 0 : i64, tpu.core_type = #tpu.core_type<tc>} {
    %get3A = arith.constant 0 : index
    %get3A_0 = arith.constant 0 : index
    %get3A_1 = arith.constant 0 : index
    %get3A_2 = vector.load %arg0[%get3A, %get3A_0, %get3A_1] : memref<2x3x10240xf32, #tpu.memory_space<vmem>>, vector<1x3x10240xf32>
    %get3A_3 = vector.shape_cast %get3A_2 : vector<1x3x10240xf32> to vector<3x10240xf32>
    %get3A_4 = arith.constant 1 : index
    %get3A_5 = arith.constant 0 : index
    %get3A_6 = arith.constant 0 : index
    %get3A_7 = vector.load %arg0[%get3A_4, %get3A_5, %get3A_6] : memref<2x3x10240xf32, #tpu.memory_space<vmem>>, vector<1x3x10240xf32>
    %get3A_8 = vector.shape_cast %get3A_7 : vector<1x3x10240xf32> to vector<3x10240xf32>
    %add3A = arith.addf %get3A_3, %get3A_8 : vector<3x10240xf32>
    %add3A_9 = arith.constant 9.99999971E-10 : f32
    %add3A_10 = vector.broadcast %add3A_9 : f32 to vector<3x10240xf32>
    %add3A_11 = arith.addf %add3A, %add3A_10 : vector<3x10240xf32>
    %div3A = arith.constant 1.000000e+00 : f32
    %div3A_12 = vector.broadcast %div3A : f32 to vector<3x10240xf32>
    %div3A_13 = arith.divf %div3A_12, %add3A_11 : vector<3x10240xf32>
    %swap3A = arith.constant 0 : index
    %swap3A_14 = arith.constant 0 : index
    %swap3A_15 = vector.load %arg1[%swap3A, %swap3A_14] : memref<3x10240xf32, #tpu.memory_space<vmem>>, vector<3x10240xf32>
    tpu.vector_store %arg1[%swap3A, %swap3A_14], %div3A_13 {strides = array<i32>} : memref<3x10240xf32, #tpu.memory_space<vmem>>, vector<3x10240xf32>,
    return
  }
}

module attributes {stable_mosaic.version = 14 : i64} {
  func.func @_final_body(%arg0: i32, %arg1: memref<2x640x128xf32, #tpu.memory_space<vmem>>, %arg2: memref<128xf32, #tpu.memory_space<vmem>>, %arg3: memref<640x128xf32, #tpu.memory_space<vmem>>) attributes {dimension_semantics = [#tpu.dimension_semantics<arbitrary>], iteration_bounds = array<i64: 16>, scalar_prefetch = 0 : i64, scratch_operands = 0 : i64, tpu.core_type = #tpu.core_type<tc>, window_params = [{transform_indices = @transform_0, window_bounds = array<i64: 2, 640, 128>}, {pipeline_mode = #tpu.pipeline_mode<synchronous>, transform_indices = @transform_1, window_bounds = array<i64: 128>}, {transform_indices = @transform_2, window_bounds = array<i64: 640, 128>}]} {
    %get3A = arith.constant 0 : index
    %get3A_0 = arith.constant 0 : index
    %get3A_1 = arith.constant 0 : index
    %get3A_2 = vector.load %arg1[%get3A, %get3A_0, %get3A_1] : memref<2x640x128xf32, #tpu.memory_space<vmem>>, vector<1x640x128xf32>
    %get3A_3 = vector.shape_cast %get3A_2 : vector<1x640x128xf32> to vector<640x128xf32>
    %get3A_4 = arith.constant 1 : index
    %get3A_5 = arith.constant 0 : index
    %get3A_6 = arith.constant 0 : index
    %get3A_7 = vector.load %arg1[%get3A_4, %get3A_5, %get3A_6] : memref<2x640x128xf32, #tpu.memory_space<vmem>>, vector<1x640x128xf32>
    %get3A_8 = vector.shape_cast %get3A_7 : vector<1x640x128xf32> to vector<640x128xf32>
    %add3A = arith.addf %get3A_3, %get3A_8 : vector<640x128xf32>
    %get3A_9 = arith.constant 0 : index
    %get3A_10 = vector.load %arg2[%get3A_9] : memref<128xf32, #tpu.memory_space<vmem>>, vector<128xf32>
    %broadcast_in_dim3A = vector.shape_cast %get3A_10 : vector<128xf32> to vector<1x128xf32>
    %add3A_11 = vector.broadcast %broadcast_in_dim3A : vector<1x128xf32> to vector<640x128xf32>
    %add3A_12 = arith.addf %add3A, %add3A_11 : vector<640x128xf32>
    %max3A = arith.constant 0.000000e+00 : f32
    %max3A_13 = vector.broadcast %max3A : f32 to vector<640x128xf32>
    %max3A_14 = arith.maximumf %add3A_12, %max3A_13 : vector<640x128xf32>
    %swap3A = arith.constant 0 : index
    %swap3A_15 = arith.constant 0 : index
    %swap3A_16 = vector.load %arg3[%swap3A, %swap3A_15] : memref<640x128xf32, #tpu.memory_space<vmem>>, vector<640x128xf32>
    tpu.vector_store %arg3[%swap3A, %swap3A_15], %max3A_14 {strides = array<i32>} : memref<640x128xf32, #tpu.memory_space<vmem>>, vector<640x128xf32>,
    return
  }
  func.func @transform_0(%arg0: i32) -> (i32, i32, i32) {
    %c0_i32 = arith.constant 0 : i32
    %c0_i32_0 = arith.constant 0 : i32
    %c0_i32_1 = arith.constant 0 : i32
    return %c0_i32, %arg0, %c0_i32_0 : i32, i32, i32
  }
  func.func @transform_1(%arg0: i32) -> i32 {
    %c0_i32 = arith.constant 0 : i32
    %c0_i32_0 = arith.constant 0 : i32
    return %c0_i32 : i32
  }
  func.func @transform_2(%arg0: i32) -> (i32, i32) {
    %c0_i32 = arith.constant 0 : i32
    %c0_i32_0 = arith.constant 0 : i32
    return %arg0, %c0_i32 : i32, i32
  }
}

</mosaic_0001>

<sc_bundles>
// kernel: kernel.12.cloned.1.call-start
scs
__scs_entry_jumppad:
0x0: {  	(pc) =	sbr.rel $0x88, $3  }
0x1: {  	(tag) =	ssettag $0x0;
	lr =	simm.s32 $0x1  }
0x2: {  	[smem:$0x3F96] =	sst lr;
	_ =	strace $0xD0000000  }
0x3: {  	_ = 	snop  }
0x4: {  	_ = 	snop  }
0x5: {  	_ = 	snop  }
0x6: {  	_ = 	snop  }
0x7: {  	_ = 	snop  }
__scs_overlays_trampoline_lowered:
0x8: {  	[smem:$0x3FA5] =	sst s0  }
0x9: {  	[smem:$0x3FA6] =	sst s1  }
0xa: {  	[smem:$0x3FA7] =	sst s2  }
0xb: {  	[smem:$0x3FA8] =	sst s3  }
0xc: {  	[smem:$0x3FA9] =	sst s4  }
0xd: {  	[smem:$0x3FAA] =	sst s5  }
0xe: {  	[smem:$0x3FAB] =	sst s6  }
0xf: {  	[smem:$0x3FAC] =	sst s7  }
0x10: {  	[smem:$0x3FAD] =	sst s8  }
0x11: {  	[smem:$0x3FAE] =	sst s9;
	s0 =	simm.s32 @!p0 $0x0  }
0x12: {  	s1 =	sld [smem:$0x3F94];
	s0 =	simm.s32 @p0 $0x1  }
0x13: {  	[smem:$0x3FAF] =	sst s0;
	s0 =	simm.s32 @!p1 $0x0  }
0x14: {  	s2 =	sld [smem:$0x3F93];
	s0 =	simm.s32 @p1 $0x1  }
0x15: {  	[smem:$0x3FB0] =	sst s0;
	s0 =	simm.s32 @!p2 $0x0  }
0x16: {  	s3 =	sld [smem:$0x3FDB];
	s0 =	simm.s32 @p2 $0x1  }
0x17: {  	s4 =	simm.s32 $0x1BF5;
	[smem:$0x3FB2] =	sst s0  }
0x18: {  	s0 =	sld [smem:$0x3F95];
	_ =	swait.ge [sflag:s4], $0x0  }
0x19: {  	s7 =	sld [smem:$0x3F96]  }
0x1a: {  	s8 =	sadd.s32 $0xFFFFE003, lr  }
0x1b: {  	s9 =	sadd.s32 $0xFFFFFEF7, lr;
	s5 =	simm.s32 $0xFFFFFFFF;
	p2 =	slt.u32 s8, $0xFFFFF086  }
0x1c: {  	p1 =	slt.u32 s9, $0xF7A;
	s5 =	simm.s32 @!p2 $0x0  }
0x1d: {  	s5 =	simm.s32 @p1 $0x1;
	p0 =	seq.s32 s7, s2  }
0x1e: {  	s7 =	smul.u32 @!p0 $0xF7A, s2;
	p2 =	seq.s32 @!p0 s5, $0x0  }
0x1f: {  	s9 =	smul.u32 $0xF7A, s1;
	s8 =	simm.s32 @!p0 $0x1BF5;
	p2 =	por !p2, p0  }
0x20: {  	[sflag:s8] =	ssyncset.s32 @!p0 $0xFFFFF086;
	s6 =	sadd.s32 @!p0 s3, s7;
	s7 =	simm.s32 @!p0 $0x108  }
0x21: {  	s3 =	sadd.s32 s3, s9;
	s6 =	sadd.s32 @!p0 $0x88, s6;
	s7 =	simm.s32 @p2 $0x1082  }
0x22: {  	[simem:s7], [sflag:s8] =	dma.local @!p0 [hbm:s6], $0xF7A  }
0x23: {  	s9 =	sor.u32 $0xD0000000, s2;
	s6 =	simm.s32 $0x108;
	_ =	swait.ge @!p0 [sflag:s8], $0x0  }
0x24: {  	s3 =	sadd.s32 $0x88, s3;
	s6 =	simm.s32 @!p1 $0x1082;
	[sflag:s4] =	ssyncset.s32 $0xFFFFF086  }
0x25: {  	[simem:s6], [sflag:s4] =	dma.local [hbm:s3], $0xF7A  }
0x26: {  	[smem:$0x3F96] =	sst s1;
	(tag) =	ssettag s2;
	_ =	strace s9  }
0x27: {  	s1 =	sld [smem:$0x3FA6]  }
0x28: {  	s2 =	sld [smem:$0x3FA7]  }
0x29: {  	s4 =	sld [smem:$0x3FA9]  }
0x2a: {  	p0 =	seq.s32 s5, $0x0;
	s5 =	sld [smem:$0x3FAA]  }
0x2b: {  	s6 =	sld [smem:$0x3FAB]  }
0x2c: {  	s7 =	sld [smem:$0x3FAC]  }
0x2d: {  	s3 =	simm.s32 $0x108;
	s8 =	sld [smem:$0x3FAD]  }
0x2e: {  	s3 =	simm.s32 @!p0 $0x1082;
	s9 =	sld [smem:$0x3FAE]  }
0x2f: {  	lr =	sadd.s32 s0, s3;
	s0 =	sld [smem:$0x3FA5]  }
0x30: {  	s3 =	sld [smem:$0x3FA8]  }
0x31: {  	[smem:$0x3FB1] =	sst s10  }
0x32: {  	s10 =	sld [smem:$0x3FAF];
	_ =	sdelay $0x3  }
0x33: {  	p0 =	seq.s32 s10, $0x1;
	s10 =	sld [smem:$0x3FB1];
	_ =	sdelay $0x3  }
0x34: {  	[smem:$0x3FB1] =	sst s10  }
0x35: {  	s10 =	sld [smem:$0x3FB0];
	_ =	sdelay $0x3  }
0x36: {  	p1 =	seq.s32 s10, $0x1;
	s10 =	sld [smem:$0x3FB1];
	_ =	sdelay $0x3  }
0x37: {  	[smem:$0x3FB1] =	sst s10  }
0x38: {  	s10 =	sld [smem:$0x3FB2]  }
0x39: {  	_ = 	snop;
	(pc) =	sbr.ind lr, $3  }
0x3a: {  	_ = 	snop  }
0x3b: {  	_ = 	snop  }
0x3c: {  	p2 =	seq.s32 s10, $0x1;
	s10 =	sld [smem:$0x3FB1]  }
0x3d: {  	_ =	shalt  }
0x3e: {  	_ =	shalt  }
0x3f: {  	_ =	shalt  }
0x40: {  	_ =	shalt  }
0x41: {  	_ =	shalt  }
0x42: {  	_ =	shalt  }
0x43: {  	_ =	shalt  }
0x44: {  	_ =	shalt  }
0x45: {  	_ =	shalt  }
0x46: {  	_ =	shalt  }
0x47: {  	_ =	shalt  }
0x48: {  	_ =	shalt  }
0x49: {  	_ =	shalt  }
0x4a: {  	_ =	shalt  }
0x4b: {  	_ =	shalt  }
0x4c: {  	_ =	shalt  }
0x4d: {  	_ =	shalt  }
0x4e: {  	_ =	shalt  }
0x4f: {  	_ =	shalt  }
0x50: {  	_ =	shalt  }
0x51: {  	_ =	shalt  }
0x52: {  	_ =	shalt  }
0x53: {  	_ =	shalt  }
0x54: {  	_ =	shalt  }
0x55: {  	_ =	shalt  }
0x56: {  	_ =	shalt  }
0x57: {  	_ =	shalt  }
0x58: {  	_ =	shalt  }
0x59: {  	_ =	shalt  }
0x5a: {  	_ =	shalt  }
0x5b: {  	_ =	shalt  }
0x5c: {  	_ =	shalt  }
0x5d: {  	_ =	shalt  }
0x5e: {  	_ =	shalt  }
0x5f: {  	_ =	shalt  }
0x60: {  	_ =	shalt  }
0x61: {  	_ =	shalt  }
0x62: {  	_ =	shalt  }
0x63: {  	_ =	shalt  }
0x64: {  	_ =	shalt  }
0x65: {  	_ =	shalt  }
0x66: {  	_ =	shalt  }
0x67: {  	_ =	shalt  }
0x68: {  	_ =	shalt  }
0x69: {  	_ =	shalt  }
0x6a: {  	_ =	shalt  }
0x6b: {  	_ =	shalt  }
0x6c: {  	_ =	shalt  }
0x6d: {  	_ =	shalt  }
0x6e: {  	_ =	shalt  }
0x6f: {  	_ =	shalt  }
0x70: {  	_ =	shalt  }
0x71: {  	_ =	shalt  }
0x72: {  	_ =	shalt  }
0x73: {  	_ =	shalt  }
0x74: {  	_ =	shalt  }
0x75: {  	_ =	shalt  }
0x76: {  	_ =	shalt  }
0x77: {  	_ =	shalt  }
0x78: {  	_ =	shalt  }
0x79: {  	_ =	shalt  }
0x7a: {  	_ =	shalt  }
0x7b: {  	_ =	shalt  }
0x7c: {  	_ =	shalt  }
0x7d: {  	_ =	shalt  }
0x7e: {  	_ =	shalt  }
0x7f: {  	_ =	shalt  }
0x80: {  	_ =	shalt  }
0x81: {  	_ =	shalt  }
0x82: {  	_ =	shalt  }
0x83: {  	_ =	shalt  }
0x84: {  	_ =	shalt  }
0x85: {  	_ =	shalt  }
0x86: {  	_ =	shalt  }
0x87: {  	_ =	shalt  }
.Lfunc_end0:
.L_simem_size_0:
called_computation.1_lowered:
.L_overlay_start_0:
0x88: {  	s2 =	sld [smem:$0x3FD9]  }
0x89: {  	s3 =	sld [smem:$0x3FFE];
	_ =	sdelay $0x1  }
0x8a: {  	s1 =	srdreg.scid  }
0x8b: {  	s0 =	sand.u32 $0x1, s1  }
0x8c: {  	s17 =	sshll.u32 s0, $0xA;
	s2 =	sadd.s32 s3, s2  }
0x8d: {  	s2 =	sadd.s32 s2, s17  }
0x8e: {  	[smem:$0x3FBD] =	sst s2  }
0x8f: {  	_ = 	snop  }
0x90: {  	s2 =	sld [smem:$0x3FD0];
	(tm) =	ssettm $0x1  }
0x91: {  	s18 =	sld [smem:$0x3FFB];
	_ =	sdelay $0x3  }
0x92: {  	_ =	strace s18  }
0x93: {  	s3 =	sld [smem:$0x3FFC];
	_ =	sdelay $0x3  }
0x94: {  	_ =	strace s3  }
0x95: {  	s3 =	sld [smem:$0x3FFD];
	_ =	sdelay $0x3  }
0x96: {  	_ =	strace s3  }
0x97: {  	_ =	strace $0x8FFFFFFF  }
0x98: {  	s19 =	sld [smem:$0x3FDB];
	_ =	sdelay $0x1  }
0x99: {  	s4 =	simm.s32 $_scs_section_size  }
0x9a: {  	s5 =	simm.s32 $_size__tile_overlayer_lowered;
	s6 =	simm.s32 $_tile_overlayer_lowered  }
0x9b: {  	s22 =	simm.s32 $0x1BFF;
	s21 =	sshll.u32 s6, $0x1;
	s3 =	sadd.s32 s4, s19  }
0x9c: {  	s7 =	simm.s32 $0x0;
	s20 =	sshll.u32 s5, $0x1;
	s5 =	sadd.s32 s21, s3  }
0x9d: {  	[timem:s7], [sflag:s22] =	dma.local [hbm:s5], s20  }
0x9e: {  	_ =	swait.ge [sflag:s22], s20  }
0x9f: {  	s4 =	ssub.s32 $0x0, s20;
	[sflag:s22] =	ssyncset.done $0x0  }
0xa0: {  	[sflag:s22] =	ssyncadd.s32 s4;
	_ =	sdelay $0x1  }
0xa1: {  	s23 =	simm.s32 $0x1B8B  }
0xa2: {  	_ =	swait.ge [sflag:s23], $0x1  }
0xa3: {  	[sflag:s23] =	ssyncset.done $0x0  }
0xa4: {  	s25 =	simm.s32 $0x1B8E;
	s24 =	sld [smem:$0x3FFE];
	[sflag:s23] =	ssyncadd.s32 $0xFFFFFFFF  }
0xa5: {  	s26 =	simm.s32 $execute0_lowered;
	[smem:$0x3FD2] =	sst s25  }
0xa6: {  	s5 =	sshll.u32 s26, $0x1;
	_ =	strace $0x80000049;
	[dreg:$0x1] =	wrdreg $0xFFFFFFFF  }
0xa7: {  	s28 =	simm.s32 $_size_execute0_lowered;
	s3 =	sadd.s32 s3, s5;
	[dreg:$0x0] =	wrdreg $0x0  }
0xa8: {  	s5 =	sshll.u32 s28, $0x1;
	[dreg:$0x2] =	wrdreg s3  }
0xa9: {  	[dreg:$0x3] =	wrdreg s5  }
0xaa: {  	[dreg:$0x4] =	wrdreg $0xC0  }
0xab: {  	_ =	task [dreg:s7], $0x5FFFF  }
0xac: {  	[dreg:$0x1] =	wrdreg $0xFFFFFFFF  }
0xad: {  	[dreg:$0x0] =	wrdreg $0x60  }
0xae: {  	[dreg:$0x2] =	wrdreg s24  }
0xaf: {  	[dreg:$0x3] =	wrdreg s2  }
0xb0: {  	[dreg:$0x4] =	wrdreg $0x9  }
0xb1: {  	_ =	task.clear_ibuf [dreg:s7], $0x5FFFF;
	_ =	strace $0x90000049  }
0xb2: {  	s29 =	simm.s32 $0x9;
	_ =	strace $0x8000004B  }
0xb3: {  	_ =	swait.ge [sflag:s29], $0x1  }
0xb4: {  	[sflag:s29] =	ssyncadd.s32 $0xFFFFFFFF  }
0xb5: {  	_ =	strace $0x9000004B  }
0xb6: {  	_ =	sfence  }
0xb7: {  	s30 =	sld [smem:$0x0];
	_ =	sdelay $0x2  }
0xb8: {  	s31 =	sshll.u32 s1, $0xD;
	s1 =	sshrl.u32 s1, $0x2  }
0xb9: {  	s3 =	sand.u32 $0x4000, s31;
	s1 =	sadd.s32 s1, s30  }
0xba: {  	s0 =	sor.u32 s3, s0;
	s1 =	sshll.u32 s1, $0x11  }
0xbb: {  	s0 =	sor.u32 s1, s0  }
0xbc: {  	s0 =	sadd.s32 $0x8F2B, s0  }
0xbd: {  	[sflag:s0] =	ssyncadd.remote.s32 $0x1  }
0xbe: {  	_ =	sfence.sel $0xFFFF  }
0xbf: {  	[dreg:$0x0] =	wrdreg $0xFFFFFFFF;
	(pc) =	sbr.abs _section_cstart, $3  }
0xc0: {  	[dreg:$0x1] =	wrdreg $0xFFFFFFFF  }
0xc1: {  	_ =	task.clear_ibuf [dreg:s7], $0x2FFFF;
	_ =	strace $0x9FFFFFFF  }
0xc2: {  	(tm) =	ssettm $0x7FFFFFFF  }
0xc3: {  	_ =	shalt  }
tec
execute0_lowered:
.L_overlay_start_1:
0x0: {  	(tag) =	ssettag $0x1  }
0x1: {  	s0 =	srdreg.scid;
	s3 =	rddreg [dreg:$0x0]  }
0x2: {  	s8 =	rddreg [dreg:$0x1];
	s1 =	stileid.u32  }
0x3: {  	s2 =	simm.s32 $0x0;
	s11 =	simm.s32 $0x9E00;
	s4 =	sand.u32 $0x1, s0  }
0x4: {  	s12 =	simm.s32 $0x11600;
	s13 =	simm.s32 $0x0;
	s5 =	sshll.u32 s4, $0x4  }
0x5: {  	s0 =	rddreg [dreg:$0x2];
	s4 =	ssub.s32 $0x2, s4;
	s5 =	sor.u32 s1, s5  }
0x6: {  	[smem:$0x7FF] =	sst s2;
	s31 =	sshrl.u32 s4, $0x1;
	s6 =	smul.u32 $0x4E2, s5  }
0x7: {  	_ =	strace $0x8000004A;
	s9 =	ssub.s32 s4, s31;
	s10 =	smul.u32 $0x1388, s5  }
0x8: {  	s9 =	smax.u32 s9, $0x1;
	s7 =	sadd.s32 s6, s3;
	s3 =	sadd.s32 $0x33200, s3  }
0x9: {  	v0 =	vlaneseq.u32;
	s8 =	sadd.s32 s8, s10;
	s10 =	simm.s32 $0x1;
	s4 =	sadd.s32 $0x1C00, s7  }
0xa: {  	v0 =	vmul.u32 $0x4, v0;
	s5 =	sadd.s32 $0x1F600, s7;
	s6 =	sadd.s32 $0x29400, s7;
	s7 =	sadd.s32 $0x15800, s7  }
.LBB2_1:
0xb: {  	[tilespmem:s2], [sflag:$0x1] =	stream.linear.gather [hbm4b:s4+s2], $0x2710, $0x38;
	[tilespmem:$0x1B280] =	vst v63  }
0xc: {  	_ =	swait.ge [sflag:s10], $0x2710  }
0xd: {  	[sflag:s10] =	ssyncset.done $0x0  }
0xe: {  	s14 =	simm.s32 $0x2780;
	[sflag:s10] =	ssyncadd.s32 $0xFFFFD8F0  }
0xf: {  	[tilespmem:s14], [sflag:$0x1] =	stream.linear.gather [hbm4b:s5+s2], $0x2710, $0x38;
	[tilespmem:$0x1B280] =	vst v63  }
0x10: {  	_ =	swait.ge [sflag:s10], $0x2710  }
0x11: {  	[sflag:s10] =	ssyncset.done $0x0  }
0x12: {  	s15 =	simm.s32 $0x4F00;
	[sflag:s10] =	ssyncadd.s32 $0xFFFFD8F0  }
0x13: {  	[tilespmem:s15], [sflag:$0x1] =	stream.linear.gather [hbm4b:s6+s2], $0x2710, $0x38;
	[tilespmem:$0x1B280] =	vst v63  }
0x14: {  	_ =	swait.ge [sflag:s10], $0x2710  }
0x15: {  	[sflag:s10] =	ssyncset.done $0x0  }
0x16: {  	s16 =	simm.s32 $0x7680;
	[sflag:s10] =	ssyncadd.s32 $0xFFFFD8F0  }
0x17: {  	[tilespmem:s16], [sflag:$0x1] =	stream.linear.gather [hbm4b:s7+s2], $0x2710, $0x38;
	[tilespmem:$0x1B280] =	vst v63  }
0x18: {  	_ =	swait.ge [sflag:s10], $0x2710  }
0x19: {  	[sflag:s10] =	ssyncset.done $0x0  }
0x1a: {  	[sflag:s10] =	ssyncadd.s32 $0xFFFFD8F0  }
0x1b: {  	[tilespmem:s11], [sflag:$0x1] =	stream.linear.gather [hbm4b:s3+s2], $0x7800, $0x38;
	[tilespmem:$0x1B280] =	vst v63  }
0x1c: {  	_ =	swait.ge [sflag:s10], $0x7800  }
0x1d: {  	[sflag:s10] =	ssyncset.done $0x0  }
0x1e: {  	[sflag:s10] =	ssyncadd.s32 $0xFFFF8800  }
0x1f: {  	v1 =	vld [tilespmem:s2+$0x0];
	_ =	sdelay $0x6  }
0x20: {  	v5 =	vld [tilespmem:s14+$0x0]  }
0x21: {  	v4 =	vmov s2;
	v2 =	vld.idx.msk [tilespmem:v1+s11+$0x0], $0xffff  }
0x22: {  	v4 =	vshll.u32 v4, $0x2;
	v3 =	vadd.s32 $0x5000, v1  }
0x23: {  	v4 =	vor.u32 v0, v4;
	v6 =	vadd.s32 $0x2800, v1;
	_ =	sdelay $0x2  }
0x24: {  	v2 =	vmul.f32 v5, v2  }
0x25: {  	v3 =	vld.idx.msk [tilespmem:v3+s11+$0x0], $0xffff  }
0x26: {  	v61 =	vld.idx.msk [tilespmem:v6+s11+$0x0], $0xffff;
	[tilespmem:v4+s12+$0x0] =	vst.idx.msk $0xffff, v2  }
0x27: {  	v2 =	vld [tilespmem:s15+$0x0];
	_ =	sdelay $0x1  }
0x28: {  	v62 =	vor.u32 $0x1, v4;
	_ =	sdelay $0x2  }
0x29: {  	v2 =	vmul.f32 v2, v61;
	_ =	sdelay $0x1  }
0x2a: {  	[tilespmem:v62+s12+$0x0] =	vst.idx.msk $0xffff, v2  }
0x2b: {  	v2 =	vld [tilespmem:s16+$0x0];
	_ =	sdelay $0x3  }
0x2c: {  	v63 =	vor.u32 $0x2, v4  }
0x2d: {  	v3 =	vmul.f32 v2, v3;
	v2 =	vor.u32 $0x3, v4;
	_ =	sdelay $0x3  }
0x2e: {  	s17 =	simm.s32 $0x7690;
	s18 =	simm.s32 $0x0;
	s16 =	simm.s32 $0x10;
	[tilespmem:v63+s12+$0x0] =	vst.idx.msk $0xffff, v3  }
.LBB2_2:
0x2f: {  	[tilespmem:v2+s12+$0x0] =	vst.idx.msk $0xffff, v1;
	s18 =	sadd.s32 $0x10, s18;
	s14 =	sadd.s32 $0x10, s14;
	s15 =	sadd.s32 $0x10, s15  }
0x30: {  	p0 =	sne.s32 s16, $0x2700;
	s19 =	smov.u32 s16;
	s16 =	sadd.s32 $0x10, s16;
	v1 =	vld [tilespmem:s18+$0x0]  }
0x31: {  	_ =	sdelay $0x3  }
0x32: {  	v2 =	vadd.s32 $0x2800, v1;
	v3 =	vadd.s32 $0x5000, v1;
	_ =	sdelay $0x2  }
0x33: {  	v4 =	vld.idx.msk [tilespmem:v1+s11+$0x0], $0xffff  }
0x34: {  	v5 =	vmov s19;
	v6 =	vld [tilespmem:s14+$0x0]  }
0x35: {  	v5 =	vshll.u32 v5, $0x2  }
0x36: {  	v5 =	vor.u32 v0, v5;
	_ =	sdelay $0x2  }
0x37: {  	v3 =	vld.idx.msk [tilespmem:v3+s11+$0x0], $0xffff;
	v4 =	vmul.f32 v6, v4  }
0x38: {  	v2 =	vld.idx.msk [tilespmem:v2+s11+$0x0], $0xffff  }
0x39: {  	[tilespmem:v5+s12+$0x0] =	vst.idx.msk $0xffff, v4  }
0x3a: {  	v4 =	vld [tilespmem:s15+$0x0];
	_ =	sdelay $0x1  }
0x3b: {  	v6 =	vor.u32 $0x1, v5;
	_ =	sdelay $0x2  }
0x3c: {  	v2 =	vmul.f32 v4, v2;
	_ =	sdelay $0x1  }
0x3d: {  	[tilespmem:v6+s12+$0x0] =	vst.idx.msk $0xffff, v2  }
0x3e: {  	v4 =	vld [tilespmem:s17+$0x0];
	_ =	sdelay $0x1  }
0x3f: {  	v6 =	vor.u32 $0x2, v5  }
.Ltmp0:
0x40: {  	v2 =	vor.u32 $0x3, v5;
	(pc) =	sbr.rel @p0 .LBB2_2-.Ltmp0, $3  }
0x41: {  	_ = 	snop  }
0x42: {  	v3 =	vmul.f32 v4, v3;
	_ =	sdelay $0x1  }
0x43: {  	s17 =	sadd.s32 $0x10, s17;
	[tilespmem:v6+s12+$0x0] =	vst.idx.msk $0xffff, v3  }
0x44: {  	_ =	sdelay $0x1  }
0x45: {  	s13 =	sadd.s32 $0x1, s13  }
0x46: {  	p0 =	sne.s32 s13, s9  }
.Ltmp1:
0x47: {  	[tilespmem:v2+s12+$0x0] =	vst.idx.msk $0xffff, v1;
	(pc) =	sbr.rel @p0 .LBB2_1-.Ltmp1, $4  }
0x48: {  	[hbm4b:s8+s2] =	stream.linear.scatter [tilespmem:s12], [sflag:$0x1], $0x9C40, $0x38;
	[tilespmem:$0x1B280] =	vst v63  }
0x49: {  	_ =	swait.ge [sflag:s10], $0x9C40  }
0x4a: {  	[sflag:s10] =	ssyncset.done $0x0  }
0x4b: {  	[sflag:s10] =	ssyncadd.s32 $0xFFFF63C0  }
0x4c: {  	_ =	sfence.sel $0x180000  }
0x4d: {  	[bflag:$0x0] =	sbarrier.arrive $0xFFFF  }
0x4e: {  	p0 =	sne.s32 s1, $0x0;
	_ =	strace $0x9000004A  }
0x4f: {  	s0 =	sadd.s32 @!p0 $0x100000, s0;
	[bflag:$0x2] =	sbarrier.arrive $0xFFFF  }
0x50: {  	[sflag:s0] =	ssyncadd.tile.s32 @!p0 $0x1;
	_ =	shalt  }
.Lfunc_end2:
_tile_overlayer_lowered:
.L_overlay_start_2:
0x51: {  	(tag) =	ssettag $0x2  }
0x52: {  	s0 =	rddreg [dreg:$0x0];
	s2 =	stileid.u32  }
0x53: {  	s1 =	rddreg [dreg:$0x1];
	p0 =	sne.s32 s2, $0x0  }
0x54: {  	s3 =	rddreg [dreg:$0x2];
	[bflag:$0x3] =	sbarrier.arrive $0xFFFF;
	s2 =	simm.s32 @!p0 $0x1C01  }
0x55: {  	[timem:s3], [sflag:s2] =	dma.local @!p0 [hbm:s0], s1  }
0x56: {  	s0 =	simm.s32 @!p0 $0x1  }
0x57: {  	_ =	swait.ge @!p0 [sflag:s0], s1  }
0x58: {  	s1 =	ssub.s32 @!p0 $0x0, s1;
	[sflag:s0] =	ssyncset.done @!p0 $0x0  }
0x59: {  	[sflag:s0] =	ssyncadd.s32 @!p0 s1  }
0x5a: {  	[bflag:$0x3] =	sbarrier.arrive $0xFFFF  }
0x5b: {  	_ =	shalt  }

// kernel: kernel.15.cloned.1.call-start
scs
__scs_entry_jumppad:
0x0: {  	(pc) =	sbr.rel $0x88, $3  }
0x1: {  	(tag) =	ssettag $0x0;
	lr =	simm.s32 $0x1  }
0x2: {  	[smem:$0x3F96] =	sst lr;
	_ =	strace $0xD0000000  }
0x3: {  	_ = 	snop  }
0x4: {  	_ = 	snop  }
0x5: {  	_ = 	snop  }
0x6: {  	_ = 	snop  }
0x7: {  	_ = 	snop  }
__scs_overlays_trampoline_lowered:
0x8: {  	[smem:$0x3FA5] =	sst s0  }
0x9: {  	[smem:$0x3FA6] =	sst s1  }
0xa: {  	[smem:$0x3FA7] =	sst s2  }
0xb: {  	[smem:$0x3FA8] =	sst s3  }
0xc: {  	[smem:$0x3FA9] =	sst s4  }
0xd: {  	[smem:$0x3FAA] =	sst s5  }
0xe: {  	[smem:$0x3FAB] =	sst s6  }
0xf: {  	[smem:$0x3FAC] =	sst s7  }
0x10: {  	[smem:$0x3FAD] =	sst s8  }
0x11: {  	[smem:$0x3FAE] =	sst s9;
	s0 =	simm.s32 @!p0 $0x0  }
0x12: {  	s1 =	sld [smem:$0x3F94];
	s0 =	simm.s32 @p0 $0x1  }
0x13: {  	[smem:$0x3FAF] =	sst s0;
	s0 =	simm.s32 @!p1 $0x0  }
0x14: {  	s2 =	sld [smem:$0x3F93];
	s0 =	simm.s32 @p1 $0x1  }
0x15: {  	[smem:$0x3FB0] =	sst s0;
	s0 =	simm.s32 @!p2 $0x0  }
0x16: {  	s3 =	sld [smem:$0x3FDB];
	s0 =	simm.s32 @p2 $0x1  }
0x17: {  	s4 =	simm.s32 $0x1BF5;
	[smem:$0x3FB2] =	sst s0  }
0x18: {  	s0 =	sld [smem:$0x3F95];
	_ =	swait.ge [sflag:s4], $0x0  }
0x19: {  	s7 =	sld [smem:$0x3F96]  }
0x1a: {  	s8 =	sadd.s32 $0xFFFFE003, lr  }
0x1b: {  	s9 =	sadd.s32 $0xFFFFFEF7, lr;
	s5 =	simm.s32 $0xFFFFFFFF;
	p2 =	slt.u32 s8, $0xFFFFF086  }
0x1c: {  	p1 =	slt.u32 s9, $0xF7A;
	s5 =	simm.s32 @!p2 $0x0  }
0x1d: {  	s5 =	simm.s32 @p1 $0x1;
	p0 =	seq.s32 s7, s2  }
0x1e: {  	s7 =	smul.u32 @!p0 $0xF7A, s2;
	p2 =	seq.s32 @!p0 s5, $0x0  }
0x1f: {  	s9 =	smul.u32 $0xF7A, s1;
	s8 =	simm.s32 @!p0 $0x1BF5;
	p2 =	por !p2, p0  }
0x20: {  	[sflag:s8] =	ssyncset.s32 @!p0 $0xFFFFF086;
	s6 =	sadd.s32 @!p0 s3, s7;
	s7 =	simm.s32 @!p0 $0x108  }
0x21: {  	s3 =	sadd.s32 s3, s9;
	s6 =	sadd.s32 @!p0 $0x88, s6;
	s7 =	simm.s32 @p2 $0x1082  }
0x22: {  	[simem:s7], [sflag:s8] =	dma.local @!p0 [hbm:s6], $0xF7A  }
0x23: {  	s9 =	sor.u32 $0xD0000000, s2;
	s6 =	simm.s32 $0x108;
	_ =	swait.ge @!p0 [sflag:s8], $0x0  }
0x24: {  	s3 =	sadd.s32 $0x88, s3;
	s6 =	simm.s32 @!p1 $0x1082;
	[sflag:s4] =	ssyncset.s32 $0xFFFFF086  }
0x25: {  	[simem:s6], [sflag:s4] =	dma.local [hbm:s3], $0xF7A  }
0x26: {  	[smem:$0x3F96] =	sst s1;
	(tag) =	ssettag s2;
	_ =	strace s9  }
0x27: {  	s1 =	sld [smem:$0x3FA6]  }
0x28: {  	s2 =	sld [smem:$0x3FA7]  }
0x29: {  	s4 =	sld [smem:$0x3FA9]  }
0x2a: {  	p0 =	seq.s32 s5, $0x0;
	s5 =	sld [smem:$0x3FAA]  }
0x2b: {  	s6 =	sld [smem:$0x3FAB]  }
0x2c: {  	s7 =	sld [smem:$0x3FAC]  }
0x2d: {  	s3 =	simm.s32 $0x108;
	s8 =	sld [smem:$0x3FAD]  }
0x2e: {  	s3 =	simm.s32 @!p0 $0x1082;
	s9 =	sld [smem:$0x3FAE]  }
0x2f: {  	lr =	sadd.s32 s0, s3;
	s0 =	sld [smem:$0x3FA5]  }
0x30: {  	s3 =	sld [smem:$0x3FA8]  }
0x31: {  	[smem:$0x3FB1] =	sst s10  }
0x32: {  	s10 =	sld [smem:$0x3FAF];
	_ =	sdelay $0x3  }
0x33: {  	p0 =	seq.s32 s10, $0x1;
	s10 =	sld [smem:$0x3FB1];
	_ =	sdelay $0x3  }
0x34: {  	[smem:$0x3FB1] =	sst s10  }
0x35: {  	s10 =	sld [smem:$0x3FB0];
	_ =	sdelay $0x3  }
0x36: {  	p1 =	seq.s32 s10, $0x1;
	s10 =	sld [smem:$0x3FB1];
	_ =	sdelay $0x3  }
0x37: {  	[smem:$0x3FB1] =	sst s10  }
0x38: {  	s10 =	sld [smem:$0x3FB2]  }
0x39: {  	_ = 	snop;
	(pc) =	sbr.ind lr, $3  }
0x3a: {  	_ = 	snop  }
0x3b: {  	_ = 	snop  }
0x3c: {  	p2 =	seq.s32 s10, $0x1;
	s10 =	sld [smem:$0x3FB1]  }
0x3d: {  	_ =	shalt  }
0x3e: {  	_ =	shalt  }
0x3f: {  	_ =	shalt  }
0x40: {  	_ =	shalt  }
0x41: {  	_ =	shalt  }
0x42: {  	_ =	shalt  }
0x43: {  	_ =	shalt  }
0x44: {  	_ =	shalt  }
0x45: {  	_ =	shalt  }
0x46: {  	_ =	shalt  }
0x47: {  	_ =	shalt  }
0x48: {  	_ =	shalt  }
0x49: {  	_ =	shalt  }
0x4a: {  	_ =	shalt  }
0x4b: {  	_ =	shalt  }
0x4c: {  	_ =	shalt  }
0x4d: {  	_ =	shalt  }
0x4e: {  	_ =	shalt  }
0x4f: {  	_ =	shalt  }
0x50: {  	_ =	shalt  }
0x51: {  	_ =	shalt  }
0x52: {  	_ =	shalt  }
0x53: {  	_ =	shalt  }
0x54: {  	_ =	shalt  }
0x55: {  	_ =	shalt  }
0x56: {  	_ =	shalt  }
0x57: {  	_ =	shalt  }
0x58: {  	_ =	shalt  }
0x59: {  	_ =	shalt  }
0x5a: {  	_ =	shalt  }
0x5b: {  	_ =	shalt  }
0x5c: {  	_ =	shalt  }
0x5d: {  	_ =	shalt  }
0x5e: {  	_ =	shalt  }
0x5f: {  	_ =	shalt  }
0x60: {  	_ =	shalt  }
0x61: {  	_ =	shalt  }
0x62: {  	_ =	shalt  }
0x63: {  	_ =	shalt  }
0x64: {  	_ =	shalt  }
0x65: {  	_ =	shalt  }
0x66: {  	_ =	shalt  }
0x67: {  	_ =	shalt  }
0x68: {  	_ =	shalt  }
0x69: {  	_ =	shalt  }
0x6a: {  	_ =	shalt  }
0x6b: {  	_ =	shalt  }
0x6c: {  	_ =	shalt  }
0x6d: {  	_ =	shalt  }
0x6e: {  	_ =	shalt  }
0x6f: {  	_ =	shalt  }
0x70: {  	_ =	shalt  }
0x71: {  	_ =	shalt  }
0x72: {  	_ =	shalt  }
0x73: {  	_ =	shalt  }
0x74: {  	_ =	shalt  }
0x75: {  	_ =	shalt  }
0x76: {  	_ =	shalt  }
0x77: {  	_ =	shalt  }
0x78: {  	_ =	shalt  }
0x79: {  	_ =	shalt  }
0x7a: {  	_ =	shalt  }
0x7b: {  	_ =	shalt  }
0x7c: {  	_ =	shalt  }
0x7d: {  	_ =	shalt  }
0x7e: {  	_ =	shalt  }
0x7f: {  	_ =	shalt  }
0x80: {  	_ =	shalt  }
0x81: {  	_ =	shalt  }
0x82: {  	_ =	shalt  }
0x83: {  	_ =	shalt  }
0x84: {  	_ =	shalt  }
0x85: {  	_ =	shalt  }
0x86: {  	_ =	shalt  }
0x87: {  	_ =	shalt  }
.Lfunc_end0:
.L_simem_size_0:
called_computation.2_lowered:
.L_overlay_start_0:
0x88: {  	s2 =	sld [smem:$0x3FD9]  }
0x89: {  	s3 =	sld [smem:$0x3FFE];
	_ =	sdelay $0x1  }
0x8a: {  	s1 =	srdreg.scid  }
0x8b: {  	s0 =	sand.u32 $0x1, s1  }
0x8c: {  	s17 =	sshll.u32 s0, $0xA;
	s2 =	sadd.s32 s3, s2  }
0x8d: {  	s2 =	sadd.s32 s2, s17  }
0x8e: {  	[smem:$0x3FBD] =	sst s2  }
0x8f: {  	_ = 	snop  }
0x90: {  	s2 =	sld [smem:$0x3FD0];
	(tm) =	ssettm $0x1  }
0x91: {  	s18 =	sld [smem:$0x3FFB];
	_ =	sdelay $0x3  }
0x92: {  	_ =	strace s18  }
0x93: {  	s3 =	sld [smem:$0x3FFC];
	_ =	sdelay $0x3  }
0x94: {  	_ =	strace s3  }
0x95: {  	s3 =	sld [smem:$0x3FFD];
	_ =	sdelay $0x3  }
0x96: {  	_ =	strace s3  }
0x97: {  	_ =	strace $0x8FFFFFFF  }
0x98: {  	s19 =	sld [smem:$0x3FDB];
	_ =	sdelay $0x1  }
0x99: {  	s4 =	simm.s32 $_scs_section_size  }
0x9a: {  	s5 =	simm.s32 $_size__tile_overlayer_lowered;
	s6 =	simm.s32 $_tile_overlayer_lowered  }
0x9b: {  	s22 =	simm.s32 $0x1BFF;
	s21 =	sshll.u32 s6, $0x1;
	s3 =	sadd.s32 s4, s19  }
0x9c: {  	s7 =	simm.s32 $0x0;
	s20 =	sshll.u32 s5, $0x1;
	s5 =	sadd.s32 s21, s3  }
0x9d: {  	[timem:s7], [sflag:s22] =	dma.local [hbm:s5], s20  }
0x9e: {  	_ =	swait.ge [sflag:s22], s20  }
0x9f: {  	s4 =	ssub.s32 $0x0, s20;
	[sflag:s22] =	ssyncset.done $0x0  }
0xa0: {  	[sflag:s22] =	ssyncadd.s32 s4;
	_ =	sdelay $0x1  }
0xa1: {  	s23 =	simm.s32 $0x1B8B  }
0xa2: {  	_ =	swait.ge [sflag:s23], $0x1  }
0xa3: {  	[sflag:s23] =	ssyncset.done $0x0  }
0xa4: {  	s25 =	simm.s32 $0x1B8E;
	s24 =	sld [smem:$0x3FFE];
	[sflag:s23] =	ssyncadd.s32 $0xFFFFFFFF  }
0xa5: {  	s26 =	simm.s32 $execute0_lowered;
	[smem:$0x3FD2] =	sst s25  }
0xa6: {  	s5 =	sshll.u32 s26, $0x1;
	_ =	strace $0x8000004C;
	[dreg:$0x1] =	wrdreg $0xFFFFFFFF  }
0xa7: {  	s28 =	simm.s32 $_size_execute0_lowered;
	s3 =	sadd.s32 s3, s5;
	[dreg:$0x0] =	wrdreg $0x0  }
0xa8: {  	s5 =	sshll.u32 s28, $0x1;
	[dreg:$0x2] =	wrdreg s3  }
0xa9: {  	[dreg:$0x3] =	wrdreg s5  }
0xaa: {  	[dreg:$0x4] =	wrdreg $0xC0  }
0xab: {  	_ =	task [dreg:s7], $0x5FFFF  }
0xac: {  	[dreg:$0x1] =	wrdreg $0xFFFFFFFF  }
0xad: {  	[dreg:$0x0] =	wrdreg $0x60  }
0xae: {  	[dreg:$0x2] =	wrdreg s24  }
0xaf: {  	[dreg:$0x3] =	wrdreg s2  }
0xb0: {  	[dreg:$0x4] =	wrdreg $0xA2800  }
0xb1: {  	[dreg:$0x5] =	wrdreg $0x9  }
0xb2: {  	_ =	task.clear_ibuf [dreg:s7], $0x6FFFF;
	_ =	strace $0x9000004C  }
0xb3: {  	s29 =	simm.s32 $0x9;
	_ =	strace $0x8000004E  }
0xb4: {  	_ =	swait.ge [sflag:s29], $0x1  }
0xb5: {  	[sflag:s29] =	ssyncadd.s32 $0xFFFFFFFF  }
0xb6: {  	_ =	strace $0x9000004E  }
0xb7: {  	_ =	sfence  }
0xb8: {  	s30 =	sld [smem:$0x0];
	_ =	sdelay $0x2  }
0xb9: {  	s31 =	sshll.u32 s1, $0xD;
	s1 =	sshrl.u32 s1, $0x2  }
0xba: {  	s3 =	sand.u32 $0x4000, s31;
	s1 =	sadd.s32 s1, s30  }
0xbb: {  	s0 =	sor.u32 s3, s0;
	s1 =	sshll.u32 s1, $0x11  }
0xbc: {  	s0 =	sor.u32 s1, s0  }
0xbd: {  	s0 =	sadd.s32 $0x8F2B, s0  }
0xbe: {  	[sflag:s0] =	ssyncadd.remote.s32 $0x1  }
0xbf: {  	_ =	sfence.sel $0xFFFF  }
0xc0: {  	[dreg:$0x0] =	wrdreg $0xFFFFFFFF;
	(pc) =	sbr.abs _section_cstart, $3  }
0xc1: {  	[dreg:$0x1] =	wrdreg $0xFFFFFFFF  }
0xc2: {  	_ =	task.clear_ibuf [dreg:s7], $0x2FFFF;
	_ =	strace $0x9FFFFFFF  }
0xc3: {  	(tm) =	ssettm $0x7FFFFFFF  }
tec
execute0_lowered:
.L_overlay_start_1:
0x0: {  	(tag) =	ssettag $0x1  }
0x1: {  	s0 =	rddreg [dreg:$0x0];
	s1 =	srdreg.scid  }
0x2: {  	s8 =	stileid.u32;
	s9 =	rddreg [dreg:$0x2];
	s4 =	simm.s32 $0x0  }
0x3: {  	s28 =	simm.s32 $0x2;
	s1 =	sand.u32 $0x1, s1;
	s2 =	smul.u32 $0x280, s8  }
0x4: {  	s10 =	simm.s32 $0x5C00;
	s11 =	smul.u32 $0x50000, s8;
	s12 =	ssub.s32 $0x2, s1  }
0x5: {  	[smem:$0x7FF] =	sst s4;
	s3 =	smul.u32 $0x2800, s1;
	s7 =	sshrl.u32 s12, $0x1  }
0x6: {  	s5 =	sadd.s32 $0xBA00, s0;
	s6 =	sadd.s32 $0x4F7800, s0;
	s4 =	ssub.s32 s12, s7  }
0x7: {  	s2 =	sadd.s32 s2, s3;
	s3 =	sshrl.u32 s11, $0x2;
	s26 =	smax.u32 s4, $0x1  }
0x8: {  	_ =	strace $0x8000004D;
	s3 =	sadd.s32 s3, s9;
	[dreg:$0x14] =	wrdreg s26  }
0x9: {  	s16 =	sadd.s32 $0x4F7900, s0;
	s13 =	sadd.s32 $0x11800, s3;
	[dreg:$0x4] =	wrdreg s3  }
0xa: {  	s1 =	sshll.u32 s1, $0x4;
	s17 =	sadd.s32 $0x2800, s3;
	[dreg:$0xb] =	wrdreg s13  }
0xb: {  	s1 =	sor.u32 s8, s1;
	s18 =	sadd.s32 $0x5000, s3;
	[dreg:$0x5] =	wrdreg s17  }
0xc: {  	s8 =	smul.u32 $0x2710, s1;
	s19 =	sadd.s32 $0x7800, s3;
	[dreg:$0x6] =	wrdreg s18  }
0xd: {  	s11 =	simm.s32 $0x6000;
	s29 =	sadd.s32 $0xA000, s3;
	[dreg:$0x7] =	wrdreg s19  }
0xe: {  	s2 =	sshll.u32 s2, $0x4;
	s30 =	sadd.s32 $0xC800, s3;
	[dreg:$0x8] =	wrdreg s29  }
0xf: {  	s2 =	sadd.s32 s2, s0;
	s31 =	sadd.s32 $0xF000, s3;
	[dreg:$0x9] =	wrdreg s30  }
0x10: {  	s12 =	simm.s32 $0x6800;
	s14 =	sadd.s32 $0x15800, s2;
	[dreg:$0xa] =	wrdreg s31  }
0x11: {  	s7 =	simm.s32 $0xA100;
	s15 =	sadd.s32 $0x15D00, s2;
	[dreg:$0xc] =	wrdreg s14  }
0x12: {  	s1 =	simm.s32 $0x0;
	s20 =	sadd.s32 $0x16200, s2;
	[dreg:$0xd] =	wrdreg s15  }
0x13: {  	s9 =	simm.s32 $0x5400;
	s21 =	sadd.s32 $0x16700, s2;
	[dreg:$0xe] =	wrdreg s20  }
0x14: {  	s4 =	simm.s32 $0x50;
	s22 =	sadd.s32 $0x16C00, s2;
	[dreg:$0xf] =	wrdreg s21  }
0x15: {  	s26 =	simm.s32 $0x7800;
	s23 =	sadd.s32 $0x17100, s2;
	[dreg:$0x10] =	wrdreg s22  }
0x16: {  	v0 =	vimm.f32 $0.0e+00;
	v3 =	vlaneseq.u32;
	s24 =	sadd.s32 $0x17600, s2;
	s25 =	sadd.s32 $0x17B00, s2;
	[dreg:$0x11] =	wrdreg s23  }
0x17: {  	vm0 =	vmmov $0xffff;
	vm1 =	vmmov $0xff;
	v8 =	vmul.u32 $0x4, v3;
	s13 =	simm.s32 $0x6C00;
	s2 =	simm.s32 $0xA080;
	[dreg:$0x12] =	wrdreg s24  }
0x18: {  	v1 =	vand.u32 $0x7, v3;
	v2 =	vshrl.u32 v3, $0x3;
	v3 =	vor.u32 $0x8, v3;
	[dreg:$0x13] =	wrdreg s25;
	s20 =	simm.s32 $0x3000;
	s21 =	simm.s32 $0x3800  }
0x19: {  	v2 =	vmul.u32 $0x8, v2;
	v4 =	vor.u32 $0x3, v8;
	v5 =	vor.u32 $0x43, v8;
	s22 =	simm.s32 $0x3C00;
	s23 =	simm.s32 $0x4400;
	s24 =	simm.s32 $0x4800  }
0x1a: {  	v6 =	vor.u32 $0x83, v8;
	v7 =	vor.u32 $0xC3, v8;
	v8 =	vor.u32 $0x103, v8;
	s25 =	simm.s32 $0x5000;
	s14 =	simm.s32 $0x7400;
	s15 =	simm.s32 $0x1  }
.LBB2_1:
0x1b: {  	[dreg:$0x15] =	wrdreg s1;
	s0 =	simm.s32 $0x0;
	s1 =	simm.s32 $0x200  }
.LBB2_2:
0x1c: {  	p0 =	sne.s32 s1, $0x9E00;
	[tilespmem:s0+$0x7870] =	vst v0  }
0x1d: {  	[tilespmem:s0+$0x7800] =	vst v0  }
0x1e: {  	[tilespmem:s0+$0x7810] =	vst v0  }
.Ltmp0:
0x1f: {  	[tilespmem:s0+$0x7820] =	vst v0;
	(pc) =	sbr.rel @p0 .LBB2_2-.Ltmp0, $4  }
0x20: {  	[tilespmem:s0+$0x7830] =	vst v0  }
0x21: {  	[tilespmem:s0+$0x7840] =	vst v0  }
0x22: {  	[tilespmem:s0+$0x7850] =	vst v0  }
0x23: {  	[tilespmem:s0+$0x7860] =	vst v0;
	s0 =	sshra.s32 s1, $0x2;
	s1 =	sadd.s32 $0x200, s1  }
0x24: {  	[tilespmem:s0+$0x7870] =	vst v0  }
0x25: {  	[tilespmem:s0+$0x7800] =	vst v0  }
0x26: {  	[tilespmem:s0+$0x7810] =	vst v0  }
0x27: {  	[tilespmem:s0+$0x7820] =	vst v0  }
0x28: {  	[tilespmem:s0+$0x7830] =	vst v0  }
0x29: {  	[tilespmem:s0+$0x7840] =	vst v0  }
0x2a: {  	[tilespmem:s0+$0x7850] =	vst v0  }
0x2b: {  	[tilespmem:s0+$0x7860] =	vst v0  }
0x2c: {  	[spmem:s3] =	stream.linear.scatter [tilespmem:s26], [sflag:$0x2], $0x2800, $0x38;
	[tilespmem:$0x1E280] =	vst v63  }
0x2d: {  	_ =	swait.ge [sflag:s28], $0x2800  }
0x2e: {  	[sflag:s28] =	ssyncset.done $0x0  }
0x2f: {  	[sflag:s28] =	ssyncadd.s32 $0xFFFFD800  }
0x30: {  	[spmem:s17] =	stream.linear.scatter [tilespmem:s26], [sflag:$0x2], $0x2800, $0x38;
	[tilespmem:$0x1E280] =	vst v63  }
0x31: {  	_ =	swait.ge [sflag:s28], $0x2800  }
0x32: {  	[sflag:s28] =	ssyncset.done $0x0  }
0x33: {  	[sflag:s28] =	ssyncadd.s32 $0xFFFFD800  }
0x34: {  	[spmem:s18] =	stream.linear.scatter [tilespmem:s26], [sflag:$0x2], $0x2800, $0x38;
	[tilespmem:$0x1E280] =	vst v63  }
0x35: {  	_ =	swait.ge [sflag:s28], $0x2800  }
0x36: {  	[sflag:s28] =	ssyncset.done $0x0  }
0x37: {  	[sflag:s28] =	ssyncadd.s32 $0xFFFFD800  }
0x38: {  	[spmem:s19] =	stream.linear.scatter [tilespmem:s26], [sflag:$0x2], $0x2800, $0x38;
	[tilespmem:$0x1E280] =	vst v63  }
0x39: {  	_ =	swait.ge [sflag:s28], $0x2800  }
0x3a: {  	[sflag:s28] =	ssyncset.done $0x0  }
0x3b: {  	[sflag:s28] =	ssyncadd.s32 $0xFFFFD800  }
0x3c: {  	[spmem:s29] =	stream.linear.scatter [tilespmem:s26], [sflag:$0x2], $0x2800, $0x38;
	[tilespmem:$0x1E280] =	vst v63  }
0x3d: {  	_ =	swait.ge [sflag:s28], $0x2800  }
0x3e: {  	[sflag:s28] =	ssyncset.done $0x0  }
0x3f: {  	[sflag:s28] =	ssyncadd.s32 $0xFFFFD800  }
0x40: {  	[spmem:s30] =	stream.linear.scatter [tilespmem:s26], [sflag:$0x2], $0x2800, $0x38;
	[tilespmem:$0x1E280] =	vst v63  }
0x41: {  	_ =	swait.ge [sflag:s28], $0x2800  }
0x42: {  	[sflag:s28] =	ssyncset.done $0x0  }
0x43: {  	[sflag:s28] =	ssyncadd.s32 $0xFFFFD800  }
0x44: {  	[spmem:s31] =	stream.linear.scatter [tilespmem:s26], [sflag:$0x2], $0x2800, $0x38;
	[tilespmem:$0x1E280] =	vst v63  }
0x45: {  	_ =	swait.ge [sflag:s28], $0x2800  }
0x46: {  	[sflag:s28] =	ssyncset.done $0x0  }
0x47: {  	s31 =	rddreg [dreg:$0xb];
	[sflag:s28] =	ssyncadd.s32 $0xFFFFD800  }
0x48: {  	[spmem:s31] =	stream.linear.scatter [tilespmem:s26], [sflag:$0x2], $0x2800, $0x38;
	[tilespmem:$0x1E280] =	vst v63  }
0x49: {  	_ =	swait.ge [sflag:s28], $0x2800  }
0x4a: {  	[sflag:s28] =	ssyncset.done $0x0  }
0x4b: {  	[sflag:s28] =	ssyncadd.s32 $0xFFFFD800  }
0x4c: {  	s3 =	simm.s32 $0x0;
	s29 =	simm.s32 $0x0;
	[bflag:$0x0] =	sbarrier.arrive $0xFFFF  }
.LBB2_4:
0x4d: {  	s0 =	smul.u32 $0x50, s29;
	_ =	sdelay $0x1  }
0x4e: {  	s0 =	sadd.s32 s8, s0  }
0x4f: {  	s1 =	sshrl.u32 s0, $0x3  }
0x50: {  	s17 =	simm.s32 $0xA000;
	s1 =	sadd.s32 s5, s1  }
0x51: {  	[tilespmem:s17], [sflag:$0x2] =	stream.linear.gather [hbm4b:s1+s3], $0x50, $0x38;
	[tilespmem:$0x1E280] =	vst v63  }
0x52: {  	_ =	swait.ge [sflag:s28], $0x50  }
0x53: {  	[sflag:s28] =	ssyncset.done $0x0  }
0x54: {  	[sflag:s28] =	ssyncadd.s32 $0xFFFFFFB0  }
0x55: {  	v9 =	vld [tilespmem:$0xA000];
	_ =	sdelay $0x4  }
0x56: {  	v10 =	vshrl.u32 v9, $0x3  }
0x57: {  	v10 =	vmul.u32 $0x18, v10  }
0x58: {  	v9 =	vand.u32 $0x7, v9  }
0x59: {  	v9 =	vor.u32 v9, v10  }
0x5a: {  	v10 =	vperm.xlane v9, v1;
	_ =	sdelay $0x1  }
0x5b: {  	v10 =	vadd.s32 v2, v10;
	_ =	sdelay $0x1  }
0x5c: {  	v9 =	vperm.xlane v9, v3;
	_ =	sdelay $0x1  }
0x5d: {  	v9 =	vadd.s32 v2, v9  }
0x5e: {  	[tilespmem:s3], [sflag:$0x1] =	stream.indirect_vreg.gather [hbm4b:s6+s3], $0x80, v10, vm0, $0xb8;
	[tilespmem:$0x1E280] =	vst v63  }
0x5f: {  	s19 =	simm.s32 $0x800  }
0x60: {  	[tilespmem:s19], [sflag:$0x1] =	stream.indirect_vreg.gather [hbm4b:s16+s3], $0x80, v10, vm1, $0xb8;
	[tilespmem:$0x1E280] =	vst v63  }
0x61: {  	s17 =	simm.s32 $0xC00  }
0x62: {  	[tilespmem:s17], [sflag:$0x1] =	stream.indirect_vreg.gather [hbm4b:s6+s3], $0x80, v9, vm0, $0xb8;
	[tilespmem:$0x1E280] =	vst v63  }
0x63: {  	s18 =	simm.s32 $0x1400  }
0x64: {  	[tilespmem:s18], [sflag:$0x1] =	stream.indirect_vreg.gather [hbm4b:s16+s3], $0x80, v9, vm1, $0xb8;
	[tilespmem:$0x1E280] =	vst v63  }
0x65: {  	v9 =	vld [tilespmem:$0xA010];
	_ =	sdelay $0x4  }
0x66: {  	v10 =	vshrl.u32 v9, $0x3  }
0x67: {  	v10 =	vmul.u32 $0x18, v10  }
0x68: {  	v9 =	vand.u32 $0x7, v9  }
0x69: {  	v9 =	vor.u32 v9, v10  }
0x6a: {  	v10 =	vperm.xlane v9, v1;
	_ =	sdelay $0x1  }
0x6b: {  	v10 =	vadd.s32 v2, v10;
	_ =	sdelay $0x1  }
0x6c: {  	v9 =	vperm.xlane v9, v3;
	_ =	sdelay $0x1  }
0x6d: {  	s19 =	simm.s32 $0x1800;
	v9 =	vadd.s32 v2, v9  }
0x6e: {  	[tilespmem:s19], [sflag:$0x1] =	stream.indirect_vreg.gather [hbm4b:s6+s3], $0x80, v10, vm0, $0xb8;
	[tilespmem:$0x1E280] =	vst v63  }
0x6f: {  	s17 =	simm.s32 $0x2000  }
0x70: {  	[tilespmem:s17], [sflag:$0x1] =	stream.indirect_vreg.gather [hbm4b:s16+s3], $0x80, v10, vm1, $0xb8;
	[tilespmem:$0x1E280] =	vst v63  }
0x71: {  	s18 =	simm.s32 $0x2400  }
0x72: {  	[tilespmem:s18], [sflag:$0x1] =	stream.indirect_vreg.gather [hbm4b:s6+s3], $0x80, v9, vm0, $0xb8;
	[tilespmem:$0x1E280] =	vst v63  }
0x73: {  	s19 =	simm.s32 $0x2C00  }
0x74: {  	[tilespmem:s19], [sflag:$0x1] =	stream.indirect_vreg.gather [hbm4b:s16+s3], $0x80, v9, vm1, $0xb8;
	[tilespmem:$0x1E280] =	vst v63  }
0x75: {  	v9 =	vld [tilespmem:$0xA020];
	_ =	sdelay $0x4  }
0x76: {  	v10 =	vshrl.u32 v9, $0x3  }
0x77: {  	v10 =	vmul.u32 $0x18, v10  }
0x78: {  	v9 =	vand.u32 $0x7, v9  }
0x79: {  	v9 =	vor.u32 v9, v10  }
0x7a: {  	v10 =	vperm.xlane v9, v1;
	_ =	sdelay $0x1  }
0x7b: {  	v10 =	vadd.s32 v2, v10;
	_ =	sdelay $0x1  }
0x7c: {  	v9 =	vperm.xlane v9, v3;
	_ =	sdelay $0x1  }
0x7d: {  	v9 =	vadd.s32 v2, v9  }
0x7e: {  	[tilespmem:s20], [sflag:$0x1] =	stream.indirect_vreg.gather [hbm4b:s6+s3], $0x80, v10, vm0, $0xb8;
	[tilespmem:$0x1E280] =	vst v63  }
0x7f: {  	_ = 	snop  }
0x80: {  	[tilespmem:s21], [sflag:$0x1] =	stream.indirect_vreg.gather [hbm4b:s16+s3], $0x80, v10, vm1, $0xb8;
	[tilespmem:$0x1E280] =	vst v63  }
0x81: {  	_ = 	snop  }
0x82: {  	[tilespmem:s22], [sflag:$0x1] =	stream.indirect_vreg.gather [hbm4b:s6+s3], $0x80, v9, vm0, $0xb8;
	[tilespmem:$0x1E280] =	vst v63  }
0x83: {  	_ = 	snop  }
0x84: {  	[tilespmem:s23], [sflag:$0x1] =	stream.indirect_vreg.gather [hbm4b:s16+s3], $0x80, v9, vm1, $0xb8;
	[tilespmem:$0x1E280] =	vst v63  }
0x85: {  	v9 =	vld [tilespmem:$0xA030];
	_ =	sdelay $0x4  }
0x86: {  	v10 =	vshrl.u32 v9, $0x3  }
0x87: {  	v10 =	vmul.u32 $0x18, v10  }
0x88: {  	v9 =	vand.u32 $0x7, v9  }
0x89: {  	v9 =	vor.u32 v9, v10  }
0x8a: {  	v10 =	vperm.xlane v9, v1;
	_ =	sdelay $0x1  }
0x8b: {  	v10 =	vadd.s32 v2, v10;
	_ =	sdelay $0x1  }
0x8c: {  	v9 =	vperm.xlane v9, v3;
	_ =	sdelay $0x1  }
0x8d: {  	v9 =	vadd.s32 v2, v9  }
0x8e: {  	[tilespmem:s24], [sflag:$0x1] =	stream.indirect_vreg.gather [hbm4b:s6+s3], $0x80, v10, vm0, $0xb8;
	[tilespmem:$0x1E280] =	vst v63  }
0x8f: {  	_ = 	snop  }
0x90: {  	[tilespmem:s25], [sflag:$0x1] =	stream.indirect_vreg.gather [hbm4b:s16+s3], $0x80, v10, vm1, $0xb8;
	[tilespmem:$0x1E280] =	vst v63  }
0x91: {  	_ = 	snop  }
0x92: {  	[tilespmem:s9], [sflag:$0x1] =	stream.indirect_vreg.gather [hbm4b:s6+s3], $0x80, v9, vm0, $0xb8;
	[tilespmem:$0x1E280] =	vst v63  }
0x93: {  	_ = 	snop  }
0x94: {  	[tilespmem:s10], [sflag:$0x1] =	stream.indirect_vreg.gather [hbm4b:s16+s3], $0x80, v9, vm1, $0xb8;
	[tilespmem:$0x1E280] =	vst v63  }
0x95: {  	v9 =	vld [tilespmem:$0xA040];
	_ =	sdelay $0x4  }
0x96: {  	v10 =	vshrl.u32 v9, $0x3  }
0x97: {  	v10 =	vmul.u32 $0x18, v10  }
0x98: {  	v9 =	vand.u32 $0x7, v9  }
0x99: {  	v9 =	vor.u32 v9, v10  }
0x9a: {  	v10 =	vperm.xlane v9, v1;
	_ =	sdelay $0x1  }
0x9b: {  	v10 =	vadd.s32 v2, v10;
	_ =	sdelay $0x1  }
0x9c: {  	v9 =	vperm.xlane v9, v3;
	_ =	sdelay $0x1  }
0x9d: {  	v9 =	vadd.s32 v2, v9  }
0x9e: {  	[tilespmem:s11], [sflag:$0x1] =	stream.indirect_vreg.gather [hbm4b:s6+s3], $0x80, v10, vm0, $0xb8;
	[tilespmem:$0x1E280] =	vst v63  }
0x9f: {  	_ = 	snop  }
0xa0: {  	[tilespmem:s12], [sflag:$0x1] =	stream.indirect_vreg.gather [hbm4b:s16+s3], $0x80, v10, vm1, $0xb8;
	[tilespmem:$0x1E280] =	vst v63  }
0xa1: {  	_ = 	snop  }
0xa2: {  	[tilespmem:s13], [sflag:$0x1] =	stream.indirect_vreg.gather [hbm4b:s6+s3], $0x80, v9, vm0, $0xb8;
	[tilespmem:$0x1E280] =	vst v63  }
0xa3: {  	_ = 	snop  }
0xa4: {  	[tilespmem:s14], [sflag:$0x1] =	stream.indirect_vreg.gather [hbm4b:s16+s3], $0x80, v9, vm1, $0xb8;
	[tilespmem:$0x1E280] =	vst v63  }
0xa5: {  	_ =	swait.ge [sflag:s15], $0x7800  }
0xa6: {  	[sflag:s15] =	ssyncset.done $0x0  }
0xa7: {  	[sflag:s15] =	ssyncadd.s32 $0xFFFF8800  }
0xa8: {  	s0 =	sshrl.u32 s0, $0x1;
	s17 =	rddreg [dreg:$0x1]  }
0xa9: {  	s0 =	sadd.s32 s17, s0  }
0xaa: {  	[tilespmem:s7], [sflag:$0x2] =	stream.linear.gather [hbm4b:s0+s3], $0x140, $0x38;
	[tilespmem:$0x1E280] =	vst v63  }
0xab: {  	_ =	swait.ge [sflag:s28], $0x140  }
0xac: {  	[sflag:s28] =	ssyncset.done $0x0  }
0xad: {  	[sflag:s28] =	ssyncadd.s32 $0xFFFFFEC0  }
0xae: {  	v9 =	vld.idx.msk [tilespmem:v4+s7+$0x0], $0xffff;
	_ =	sdelay $0x4  }
0xaf: {  	[tilespmem:$0xA080] =	vst v9  }
0xb0: {  	v9 =	vld.idx.msk [tilespmem:v5+s7+$0x0], $0xffff;
	_ =	sdelay $0x4  }
0xb1: {  	[tilespmem:$0xA090] =	vst v9  }
0xb2: {  	v9 =	vld.idx.msk [tilespmem:v6+s7+$0x0], $0xffff;
	_ =	sdelay $0x4  }
0xb3: {  	[tilespmem:$0xA0A0] =	vst v9  }
0xb4: {  	v9 =	vld.idx.msk [tilespmem:v7+s7+$0x0], $0xffff;
	_ =	sdelay $0x4  }
0xb5: {  	[tilespmem:$0xA0B0] =	vst v9  }
0xb6: {  	v9 =	vld.idx.msk [tilespmem:v8+s7+$0x0], $0xffff  }
0xb7: {  	v10 =	vmov s3  }
0xb8: {  	s18 =	simm.s32 $0x0  }
0xb9: {  	v11 =	vor.u32 $0x1, v10;
	s0 =	smul.u32 $0x3000, s18;
	_ =	sdelay $0x1  }
0xba: {  	s19 =	sand.u32 $0x380, s3;
	v12 =	vor.u32 $0x2, v10;
	s0 =	sshra.s32 s0, $0x2;
	[tilespmem:$0xA0C0] =	vst v9  }
0xbb: {  	s30 =	sor.u32 s19, s0;
	v9 =	vld.idx.msk [tilespmem:v10+s7+$0x0], $0xffff  }
0xbc: {  	v13 =	vld [tilespmem:s30+$0x400]  }
0xbd: {  	v10 =	vld.idx.msk [tilespmem:v11+s7+$0x0], $0xffff  }
0xbe: {  	v14 =	vld [tilespmem:s30+$0x0]  }
0xbf: {  	v11 =	vld.idx.msk [tilespmem:v12+s7+$0x0], $0xffff  }
0xc0: {  	v12 =	vld [tilespmem:s30+$0x800];
	_ =	sdelay $0x2  }
0xc1: {  	v14 =	vmul.f32 v14, v9;
	v13 =	vmul.f32 v13, v10;
	_ =	sdelay $0x1  }
0xc2: {  	v12 =	vmul.f32 v12, v11;
	v13 =	vadd.f32 v13, v14;
	_ =	sdelay $0x1  }
0xc3: {  	v12 =	vadd.f32 v12, v13  }
0xc4: {  	s31 =	simm.s32 $0x7840  }
0xc5: {  	[tilespmem:s31+$0xFFFFFFC0] =	vst v12  }
0xc6: {  	v12 =	vld [tilespmem:s30+$0x10]  }
0xc7: {  	v13 =	vld [tilespmem:s30+$0x410];
	_ =	sdelay $0x1  }
0xc8: {  	v14 =	vld [tilespmem:s30+$0x810];
	_ =	sdelay $0x2  }
0xc9: {  	v12 =	vmul.f32 v12, v9;
	v13 =	vmul.f32 v13, v10;
	_ =	sdelay $0x1  }
0xca: {  	v14 =	vmul.f32 v14, v11;
	v12 =	vadd.f32 v13, v12;
	_ =	sdelay $0x1  }
0xcb: {  	v12 =	vadd.f32 v14, v12;
	_ =	sdelay $0x1  }
0xcc: {  	[tilespmem:s31+$0xFFFFFFD0] =	vst v12  }
0xcd: {  	v12 =	vld [tilespmem:s30+$0x20]  }
0xce: {  	v13 =	vld [tilespmem:s30+$0x420];
	_ =	sdelay $0x1  }
0xcf: {  	v14 =	vld [tilespmem:s30+$0x820];
	_ =	sdelay $0x2  }
0xd0: {  	v12 =	vmul.f32 v12, v9;
	v13 =	vmul.f32 v13, v10;
	_ =	sdelay $0x1  }
0xd1: {  	v14 =	vmul.f32 v14, v11;
	v12 =	vadd.f32 v13, v12;
	_ =	sdelay $0x1  }
0xd2: {  	v12 =	vadd.f32 v14, v12;
	_ =	sdelay $0x1  }
0xd3: {  	[tilespmem:s31+$0xFFFFFFE0] =	vst v12  }
0xd4: {  	v12 =	vld [tilespmem:s30+$0x30]  }
0xd5: {  	v13 =	vld [tilespmem:s30+$0x430];
	_ =	sdelay $0x1  }
0xd6: {  	v14 =	vld [tilespmem:s30+$0x830];
	_ =	sdelay $0x2  }
0xd7: {  	v12 =	vmul.f32 v12, v9;
	v13 =	vmul.f32 v13, v10;
	_ =	sdelay $0x1  }
0xd8: {  	v12 =	vadd.f32 v13, v12;
	v13 =	vmul.f32 v14, v11;
	_ =	sdelay $0x1  }
0xd9: {  	v12 =	vadd.f32 v13, v12;
	_ =	sdelay $0x1  }
0xda: {  	[tilespmem:s31+$0xFFFFFFF0] =	vst v12  }
0xdb: {  	v12 =	vld [tilespmem:s30+$0x40]  }
0xdc: {  	v13 =	vld [tilespmem:s30+$0x440];
	_ =	sdelay $0x1  }
0xdd: {  	v14 =	vld [tilespmem:s30+$0x840];
	_ =	sdelay $0x2  }
0xde: {  	v12 =	vmul.f32 v12, v9;
	v13 =	vmul.f32 v13, v10;
	_ =	sdelay $0x1  }
0xdf: {  	v12 =	vadd.f32 v13, v12;
	v13 =	vmul.f32 v14, v11;
	_ =	sdelay $0x1  }
0xe0: {  	v12 =	vadd.f32 v13, v12;
	_ =	sdelay $0x1  }
0xe1: {  	[tilespmem:s31+$0x0] =	vst v12  }
0xe2: {  	v12 =	vld [tilespmem:s30+$0x50]  }
0xe3: {  	v13 =	vld [tilespmem:s30+$0x450];
	_ =	sdelay $0x1  }
0xe4: {  	v14 =	vld [tilespmem:s30+$0x850];
	_ =	sdelay $0x2  }
0xe5: {  	v12 =	vmul.f32 v12, v9;
	v13 =	vmul.f32 v13, v10;
	_ =	sdelay $0x1  }
0xe6: {  	v14 =	vmul.f32 v14, v11;
	v12 =	vadd.f32 v13, v12;
	_ =	sdelay $0x1  }
0xe7: {  	v12 =	vadd.f32 v14, v12;
	_ =	sdelay $0x1  }
0xe8: {  	[tilespmem:s31+$0x10] =	vst v12  }
0xe9: {  	v12 =	vld [tilespmem:s30+$0x60]  }
0xea: {  	v13 =	vld [tilespmem:s30+$0x460];
	_ =	sdelay $0x1  }
0xeb: {  	v14 =	vld [tilespmem:s30+$0x860];
	_ =	sdelay $0x2  }
0xec: {  	v15 =	vmul.f32 v12, v9;
	v13 =	vmul.f32 v13, v10  }
0xed: {  	s1 =	simm.s32 $0x7840  }
0xee: {  	s17 =	simm.s32 $0x0;
	s18 =	simm.s32 $0x0;
	s0 =	simm.s32 $0x1;
	v12 =	vmul.f32 v14, v11;
	v13 =	vadd.f32 v13, v15  }
.LBB2_5:
0xef: {  	s17 =	sadd.s32 $0x4, s17;
	s18 =	sadd.s32 $0x80, s18;
	s31 =	sadd.s32 $0x80, s31  }
0xf0: {  	p0 =	sne.s32 s0, $0x4F;
	s19 =	smov.u32 s0;
	s0 =	sadd.s32 $0x1, s0;
	v12 =	vadd.f32 v12, v13  }
0xf1: {  	_ = 	snop  }
0xf2: {  	[tilespmem:s1+$0x20] =	vst v12  }
0xf3: {  	s19 =	sshrl.u32 s19, $0x3;
	v12 =	vmov s17;
	v13 =	vld [tilespmem:s30+$0x70]  }
0xf4: {  	s19 =	smul.u32 $0x3000, s19;
	v14 =	vor.u32 $0x1, v12;
	v15 =	vor.u32 $0x2, v12;
	v16 =	vld [tilespmem:s30+$0x470]  }
0xf5: {  	v17 =	vld [tilespmem:s30+$0x870]  }
0xf6: {  	s19 =	sshra.s32 s19, $0x2;
	s30 =	sand.u32 $0x380, s18  }
0xf7: {  	s30 =	sor.u32 s30, s19  }
0xf8: {  	v9 =	vmul.f32 v13, v9  }
0xf9: {  	v10 =	vmul.f32 v16, v10  }
0xfa: {  	v11 =	vmul.f32 v17, v11  }
0xfb: {  	v9 =	vadd.f32 v10, v9;
	_ =	sdelay $0x1  }
0xfc: {  	v9 =	vadd.f32 v11, v9;
	_ =	sdelay $0x1  }
0xfd: {  	[tilespmem:s1+$0x30] =	vst v9;
	s1 =	smov.u32 s31  }
0xfe: {  	v9 =	vld.idx.msk [tilespmem:v12+s7+$0x0], $0xffff  }
0xff: {  	v12 =	vld [tilespmem:s30+$0x400]  }
0x100: {  	v10 =	vld.idx.msk [tilespmem:v14+s7+$0x0], $0xffff  }
0x101: {  	v13 =	vld [tilespmem:s30+$0x0]  }
0x102: {  	v11 =	vld.idx.msk [tilespmem:v15+s7+$0x0], $0xffff  }
0x103: {  	v14 =	vld [tilespmem:s30+$0x800];
	_ =	sdelay $0x2  }
0x104: {  	v12 =	vmul.f32 v12, v10;
	v13 =	vmul.f32 v13, v9;
	_ =	sdelay $0x1  }
0x105: {  	v12 =	vadd.f32 v12, v13;
	v13 =	vmul.f32 v14, v11;
	_ =	sdelay $0x1  }
0x106: {  	v12 =	vadd.f32 v13, v12;
	_ =	sdelay $0x1  }
0x107: {  	[tilespmem:s31+$0xFFFFFFC0] =	vst v12  }
0x108: {  	v12 =	vld [tilespmem:s30+$0x10]  }
0x109: {  	v13 =	vld [tilespmem:s30+$0x410]  }
0x10a: {  	v14 =	vld [tilespmem:s30+$0x810];
	_ =	sdelay $0x3  }
0x10b: {  	v12 =	vmul.f32 v12, v9;
	v13 =	vmul.f32 v13, v10  }
0x10c: {  	v14 =	vmul.f32 v14, v11  }
0x10d: {  	v12 =	vadd.f32 v13, v12;
	_ =	sdelay $0x1  }
0x10e: {  	v12 =	vadd.f32 v14, v12;
	_ =	sdelay $0x1  }
0x10f: {  	[tilespmem:s31+$0xFFFFFFD0] =	vst v12  }
0x110: {  	v12 =	vld [tilespmem:s30+$0x20]  }
0x111: {  	v13 =	vld [tilespmem:s30+$0x420]  }
0x112: {  	v14 =	vld [tilespmem:s30+$0x820];
	_ =	sdelay $0x3  }
0x113: {  	v12 =	vmul.f32 v12, v9;
	v13 =	vmul.f32 v13, v10  }
0x114: {  	v14 =	vmul.f32 v14, v11  }
0x115: {  	v12 =	vadd.f32 v13, v12;
	_ =	sdelay $0x1  }
0x116: {  	v12 =	vadd.f32 v14, v12;
	_ =	sdelay $0x1  }
0x117: {  	[tilespmem:s31+$0xFFFFFFE0] =	vst v12  }
0x118: {  	v12 =	vld [tilespmem:s30+$0x30]  }
0x119: {  	v13 =	vld [tilespmem:s30+$0x430];
	_ =	sdelay $0x1  }
0x11a: {  	v14 =	vld [tilespmem:s30+$0x830];
	_ =	sdelay $0x2  }
0x11b: {  	v12 =	vmul.f32 v12, v9;
	v13 =	vmul.f32 v13, v10;
	_ =	sdelay $0x1  }
0x11c: {  	v12 =	vadd.f32 v13, v12;
	v13 =	vmul.f32 v14, v11;
	_ =	sdelay $0x1  }
0x11d: {  	v12 =	vadd.f32 v13, v12;
	_ =	sdelay $0x1  }
0x11e: {  	[tilespmem:s31+$0xFFFFFFF0] =	vst v12  }
0x11f: {  	v12 =	vld [tilespmem:s30+$0x40]  }
0x120: {  	v13 =	vld [tilespmem:s30+$0x440];
	_ =	sdelay $0x1  }
0x121: {  	v14 =	vld [tilespmem:s30+$0x840];
	_ =	sdelay $0x2  }
0x122: {  	v12 =	vmul.f32 v12, v9;
	v13 =	vmul.f32 v13, v10;
	_ =	sdelay $0x1  }
0x123: {  	v12 =	vadd.f32 v13, v12;
	v13 =	vmul.f32 v14, v11;
	_ =	sdelay $0x1  }
0x124: {  	v12 =	vadd.f32 v13, v12;
	_ =	sdelay $0x1  }
0x125: {  	[tilespmem:s31+$0x0] =	vst v12  }
0x126: {  	v12 =	vld [tilespmem:s30+$0x50]  }
0x127: {  	v13 =	vld [tilespmem:s30+$0x450]  }
0x128: {  	v14 =	vld [tilespmem:s30+$0x850];
	_ =	sdelay $0x3  }
0x129: {  	v12 =	vmul.f32 v12, v9;
	v13 =	vmul.f32 v13, v10  }
0x12a: {  	v14 =	vmul.f32 v14, v11  }
0x12b: {  	v12 =	vadd.f32 v13, v12;
	_ =	sdelay $0x1  }
0x12c: {  	v12 =	vadd.f32 v14, v12;
	_ =	sdelay $0x1  }
0x12d: {  	[tilespmem:s31+$0x10] =	vst v12  }
0x12e: {  	v12 =	vld [tilespmem:s30+$0x60]  }
0x12f: {  	v13 =	vld [tilespmem:s30+$0x460]  }
0x130: {  	v14 =	vld [tilespmem:s30+$0x860];
	_ =	sdelay $0x1  }
.Ltmp1:
0x131: {  	(pc) =	sbr.rel @p0 .LBB2_5-.Ltmp1, $4  }
0x132: {  	v15 =	vmul.f32 v12, v9  }
0x133: {  	v13 =	vmul.f32 v13, v10  }
0x134: {  	v12 =	vmul.f32 v14, v11  }
0x135: {  	v13 =	vadd.f32 v13, v15  }
0x136: {  	_ = 	snop  }
0x137: {  	v12 =	vadd.f32 v12, v13;
	_ =	sdelay $0x1  }
0x138: {  	[tilespmem:s1+$0x20] =	vst v12  }
0x139: {  	v12 =	vld [tilespmem:s30+$0x70]  }
0x13a: {  	v63 =	vld [tilespmem:s30+$0x470];
	_ =	sdelay $0x1  }
0x13b: {  	v14 =	vld [tilespmem:s30+$0x870];
	_ =	sdelay $0x2  }
0x13c: {  	v9 =	vmul.f32 v12, v9;
	v10 =	vmul.f32 v63, v10;
	_ =	sdelay $0x1  }
0x13d: {  	v11 =	vmul.f32 v14, v11;
	v9 =	vadd.f32 v10, v9;
	_ =	sdelay $0x1  }
0x13e: {  	s29 =	sadd.s32 $0x1, s29;
	v9 =	vadd.f32 v11, v9  }
0x13f: {  	p0 =	sne.s32 s29, $0x7D  }
.Ltmp2:
0x140: {  	s0 =	rddreg [dreg:$0x2];
	[tilespmem:s1+$0x30] =	vst v9;
	(pc) =	sbr.rel @p0 .LBB2_4-.Ltmp2, $4  }
0x141: {  	[spmem:s0] =	stream.indirect.scatter.add.f32 [tilespmem:s26], [sflag:$0x2], $0x80, s2, s4, $0xb8;
	[tilespmem:$0x1E280] =	vst v63  }
0x142: {  	_ =	swait.ge [sflag:s28], $0x2800  }
0x143: {  	[sflag:s28] =	ssyncset.done $0x0  }
0x144: {  	[sflag:s28] =	ssyncadd.s32 $0xFFFFD800  }
0x145: {  	[bflag:$0x0] =	sbarrier.arrive $0xFFFF  }
0x146: {  	s3 =	rddreg [dreg:$0x4]  }
0x147: {  	[tilespmem:s26], [sflag:$0x2] =	stream.linear.gather [spmem:s3], $0x2800, $0x38;
	[tilespmem:$0x1E280] =	vst v63  }
0x148: {  	_ =	swait.ge [sflag:s28], $0x2800  }
0x149: {  	[sflag:s28] =	ssyncset.done $0x0  }
0x14a: {  	s0 =	simm.s32 $0x0;
	s1 =	rddreg [dreg:$0xc];
	[sflag:s28] =	ssyncadd.s32 $0xFFFFD800  }
0x14b: {  	[hbm4b:s1+s0] =	stream.linear.scatter [tilespmem:s26], [sflag:$0x2], $0x2800, $0x38;
	[tilespmem:$0x1E280] =	vst v63  }
0x14c: {  	_ =	swait.ge [sflag:s28], $0x2800  }
0x14d: {  	[sflag:s28] =	ssyncset.done $0x0  }
0x14e: {  	s17 =	rddreg [dreg:$0x5];
	[sflag:s28] =	ssyncadd.s32 $0xFFFFD800  }
0x14f: {  	[tilespmem:s26], [sflag:$0x2] =	stream.linear.gather [spmem:s17], $0x2800, $0x38;
	[tilespmem:$0x1E280] =	vst v63  }
0x150: {  	_ =	swait.ge [sflag:s28], $0x2800  }
0x151: {  	[sflag:s28] =	ssyncset.done $0x0  }
0x152: {  	s18 =	rddreg [dreg:$0xd];
	[sflag:s28] =	ssyncadd.s32 $0xFFFFD800  }
0x153: {  	[hbm4b:s18+s0] =	stream.linear.scatter [tilespmem:s26], [sflag:$0x2], $0x2800, $0x38;
	[tilespmem:$0x1E280] =	vst v63  }
0x154: {  	_ =	swait.ge [sflag:s28], $0x2800  }
0x155: {  	[sflag:s28] =	ssyncset.done $0x0  }
0x156: {  	s18 =	rddreg [dreg:$0x6];
	[sflag:s28] =	ssyncadd.s32 $0xFFFFD800  }
0x157: {  	[tilespmem:s26], [sflag:$0x2] =	stream.linear.gather [spmem:s18], $0x2800, $0x38;
	[tilespmem:$0x1E280] =	vst v63  }
0x158: {  	_ =	swait.ge [sflag:s28], $0x2800  }
0x159: {  	[sflag:s28] =	ssyncset.done $0x0  }
0x15a: {  	s19 =	rddreg [dreg:$0xe];
	[sflag:s28] =	ssyncadd.s32 $0xFFFFD800  }
0x15b: {  	[hbm4b:s19+s0] =	stream.linear.scatter [tilespmem:s26], [sflag:$0x2], $0x2800, $0x38;
	[tilespmem:$0x1E280] =	vst v63  }
0x15c: {  	_ =	swait.ge [sflag:s28], $0x2800  }
0x15d: {  	[sflag:s28] =	ssyncset.done $0x0  }
0x15e: {  	s19 =	rddreg [dreg:$0x7];
	[sflag:s28] =	ssyncadd.s32 $0xFFFFD800  }
0x15f: {  	[tilespmem:s26], [sflag:$0x2] =	stream.linear.gather [spmem:s19], $0x2800, $0x38;
	[tilespmem:$0x1E280] =	vst v63  }
0x160: {  	_ =	swait.ge [sflag:s28], $0x2800  }
0x161: {  	[sflag:s28] =	ssyncset.done $0x0  }
0x162: {  	s1 =	rddreg [dreg:$0xf];
	[sflag:s28] =	ssyncadd.s32 $0xFFFFD800  }
0x163: {  	[hbm4b:s1+s0] =	stream.linear.scatter [tilespmem:s26], [sflag:$0x2], $0x2800, $0x38;
	[tilespmem:$0x1E280] =	vst v63  }
0x164: {  	_ =	swait.ge [sflag:s28], $0x2800  }
0x165: {  	[sflag:s28] =	ssyncset.done $0x0  }
0x166: {  	s29 =	rddreg [dreg:$0x8];
	[sflag:s28] =	ssyncadd.s32 $0xFFFFD800  }
0x167: {  	[tilespmem:s26], [sflag:$0x2] =	stream.linear.gather [spmem:s29], $0x2800, $0x38;
	[tilespmem:$0x1E280] =	vst v63  }
0x168: {  	_ =	swait.ge [sflag:s28], $0x2800  }
0x169: {  	[sflag:s28] =	ssyncset.done $0x0  }
0x16a: {  	s1 =	rddreg [dreg:$0x10];
	[sflag:s28] =	ssyncadd.s32 $0xFFFFD800  }
0x16b: {  	[hbm4b:s1+s0] =	stream.linear.scatter [tilespmem:s26], [sflag:$0x2], $0x2800, $0x38;
	[tilespmem:$0x1E280] =	vst v63  }
0x16c: {  	_ =	swait.ge [sflag:s28], $0x2800  }
0x16d: {  	[sflag:s28] =	ssyncset.done $0x0  }
0x16e: {  	s30 =	rddreg [dreg:$0x9];
	[sflag:s28] =	ssyncadd.s32 $0xFFFFD800  }
0x16f: {  	[tilespmem:s26], [sflag:$0x2] =	stream.linear.gather [spmem:s30], $0x2800, $0x38;
	[tilespmem:$0x1E280] =	vst v63  }
0x170: {  	_ =	swait.ge [sflag:s28], $0x2800  }
0x171: {  	[sflag:s28] =	ssyncset.done $0x0  }
0x172: {  	s1 =	rddreg [dreg:$0x11];
	[sflag:s28] =	ssyncadd.s32 $0xFFFFD800  }
0x173: {  	[hbm4b:s1+s0] =	stream.linear.scatter [tilespmem:s26], [sflag:$0x2], $0x2800, $0x38;
	[tilespmem:$0x1E280] =	vst v63  }
0x174: {  	_ =	swait.ge [sflag:s28], $0x2800  }
0x175: {  	[sflag:s28] =	ssyncset.done $0x0  }
0x176: {  	s31 =	rddreg [dreg:$0xa];
	[sflag:s28] =	ssyncadd.s32 $0xFFFFD800  }
0x177: {  	[tilespmem:s26], [sflag:$0x2] =	stream.linear.gather [spmem:s31], $0x2800, $0x38;
	[tilespmem:$0x1E280] =	vst v63  }
0x178: {  	_ =	swait.ge [sflag:s28], $0x2800  }
0x179: {  	[sflag:s28] =	ssyncset.done $0x0  }
0x17a: {  	s1 =	rddreg [dreg:$0x12];
	[sflag:s28] =	ssyncadd.s32 $0xFFFFD800  }
0x17b: {  	[hbm4b:s1+s0] =	stream.linear.scatter [tilespmem:s26], [sflag:$0x2], $0x2800, $0x38;
	[tilespmem:$0x1E280] =	vst v63  }
0x17c: {  	_ =	swait.ge [sflag:s28], $0x2800  }
0x17d: {  	[sflag:s28] =	ssyncset.done $0x0  }
0x17e: {  	s1 =	rddreg [dreg:$0xb];
	[sflag:s28] =	ssyncadd.s32 $0xFFFFD800  }
0x17f: {  	[tilespmem:s26], [sflag:$0x2] =	stream.linear.gather [spmem:s1], $0x2800, $0x38;
	[tilespmem:$0x1E280] =	vst v63  }
0x180: {  	_ =	swait.ge [sflag:s28], $0x2800  }
0x181: {  	[sflag:s28] =	ssyncset.done $0x0  }
0x182: {  	s1 =	rddreg [dreg:$0x13];
	[sflag:s28] =	ssyncadd.s32 $0xFFFFD800  }
0x183: {  	[hbm4b:s1+s0] =	stream.linear.scatter [tilespmem:s26], [sflag:$0x2], $0x2800, $0x38;
	[tilespmem:$0x1E280] =	vst v63  }
0x184: {  	_ =	swait.ge [sflag:s28], $0x2800  }
0x185: {  	s0 =	rddreg [dreg:$0x15]  }
0x186: {  	s1 =	sadd.s32 $0x1, s0;
	s0 =	rddreg [dreg:$0x14]  }
0x187: {  	p0 =	sne.s32 s1, s0  }
.Ltmp3:
0x188: {  	_ = 	snop;
	(pc) =	sbr.rel @p0 .LBB2_1-.Ltmp3, $3  }
0x189: {  	_ =	sdelay $0x1  }
0x18a: {  	[sflag:s28] =	ssyncset.done $0x0  }
0x18b: {  	[sflag:s28] =	ssyncadd.s32 $0xFFFFD800  }
0x18c: {  	_ =	sfence.sel $0x180000  }
0x18d: {  	[bflag:$0x0] =	sbarrier.arrive $0xFFFF  }
0x18e: {  	_ =	strace $0x9000004D  }
0x18f: {  	s0 =	stileid.u32;
	[bflag:$0x2] =	sbarrier.arrive $0xFFFF  }
0x190: {  	p0 =	sne.s32 s0, $0x0;
	s0 =	rddreg [dreg:$0x3]  }
0x191: {  	s0 =	sadd.s32 @!p0 $0x100000, s0  }
0x192: {  	[sflag:s0] =	ssyncadd.tile.s32 @!p0 $0x1;
	_ =	shalt  }
.Lfunc_end2:
_tile_overlayer_lowered:
.L_overlay_start_2:
0x193: {  	(tag) =	ssettag $0x2  }
0x194: {  	s0 =	rddreg [dreg:$0x0];
	s2 =	stileid.u32  }
0x195: {  	s1 =	rddreg [dreg:$0x1];
	p0 =	sne.s32 s2, $0x0  }
0x196: {  	s3 =	rddreg [dreg:$0x2];
	[bflag:$0x3] =	sbarrier.arrive $0xFFFF;
	s2 =	simm.s32 @!p0 $0x1C02  }
0x197: {  	[timem:s3], [sflag:s2] =	dma.local @!p0 [hbm:s0], s1  }
0x198: {  	s0 =	simm.s32 @!p0 $0x2  }
0x199: {  	_ =	swait.ge @!p0 [sflag:s0], s1  }
0x19a: {  	s1 =	ssub.s32 @!p0 $0x0, s1;
	[sflag:s0] =	ssyncset.done @!p0 $0x0  }
0x19b: {  	[sflag:s0] =	ssyncadd.s32 @!p0 s1  }
0x19c: {  	[bflag:$0x3] =	sbarrier.arrive $0xFFFF  }
0x19d: {  	_ =	shalt  }

// kernel: kernel.9.cloned.1.call-start
scs
__scs_entry_jumppad:
0x0: {  	(pc) =	sbr.rel $0x88, $3  }
0x1: {  	(tag) =	ssettag $0x0;
	lr =	simm.s32 $0x1  }
0x2: {  	[smem:$0x3F96] =	sst lr;
	_ =	strace $0xD0000000  }
0x3: {  	_ = 	snop  }
0x4: {  	_ = 	snop  }
0x5: {  	_ = 	snop  }
0x6: {  	_ = 	snop  }
0x7: {  	_ = 	snop  }
__scs_overlays_trampoline_lowered:
0x8: {  	[smem:$0x3FA5] =	sst s0  }
0x9: {  	[smem:$0x3FA6] =	sst s1  }
0xa: {  	[smem:$0x3FA7] =	sst s2  }
0xb: {  	[smem:$0x3FA8] =	sst s3  }
0xc: {  	[smem:$0x3FA9] =	sst s4  }
0xd: {  	[smem:$0x3FAA] =	sst s5  }
0xe: {  	[smem:$0x3FAB] =	sst s6  }
0xf: {  	[smem:$0x3FAC] =	sst s7  }
0x10: {  	[smem:$0x3FAD] =	sst s8  }
0x11: {  	[smem:$0x3FAE] =	sst s9;
	s0 =	simm.s32 @!p0 $0x0  }
0x12: {  	s1 =	sld [smem:$0x3F94];
	s0 =	simm.s32 @p0 $0x1  }
0x13: {  	[smem:$0x3FAF] =	sst s0;
	s0 =	simm.s32 @!p1 $0x0  }
0x14: {  	s2 =	sld [smem:$0x3F93];
	s0 =	simm.s32 @p1 $0x1  }
0x15: {  	[smem:$0x3FB0] =	sst s0;
	s0 =	simm.s32 @!p2 $0x0  }
0x16: {  	s3 =	sld [smem:$0x3FDB];
	s0 =	simm.s32 @p2 $0x1  }
0x17: {  	s4 =	simm.s32 $0x1BF5;
	[smem:$0x3FB2] =	sst s0  }
0x18: {  	s0 =	sld [smem:$0x3F95];
	_ =	swait.ge [sflag:s4], $0x0  }
0x19: {  	s7 =	sld [smem:$0x3F96]  }
0x1a: {  	s8 =	sadd.s32 $0xFFFFE003, lr  }
0x1b: {  	s9 =	sadd.s32 $0xFFFFFEF7, lr;
	s5 =	simm.s32 $0xFFFFFFFF;
	p2 =	slt.u32 s8, $0xFFFFF086  }
0x1c: {  	p1 =	slt.u32 s9, $0xF7A;
	s5 =	simm.s32 @!p2 $0x0  }
0x1d: {  	s5 =	simm.s32 @p1 $0x1;
	p0 =	seq.s32 s7, s2  }
0x1e: {  	s7 =	smul.u32 @!p0 $0xF7A, s2;
	p2 =	seq.s32 @!p0 s5, $0x0  }
0x1f: {  	s9 =	smul.u32 $0xF7A, s1;
	s8 =	simm.s32 @!p0 $0x1BF5;
	p2 =	por !p2, p0  }
0x20: {  	[sflag:s8] =	ssyncset.s32 @!p0 $0xFFFFF086;
	s6 =	sadd.s32 @!p0 s3, s7;
	s7 =	simm.s32 @!p0 $0x108  }
0x21: {  	s3 =	sadd.s32 s3, s9;
	s6 =	sadd.s32 @!p0 $0x88, s6;
	s7 =	simm.s32 @p2 $0x1082  }
0x22: {  	[simem:s7], [sflag:s8] =	dma.local @!p0 [hbm:s6], $0xF7A  }
0x23: {  	s9 =	sor.u32 $0xD0000000, s2;
	s6 =	simm.s32 $0x108;
	_ =	swait.ge @!p0 [sflag:s8], $0x0  }
0x24: {  	s3 =	sadd.s32 $0x88, s3;
	s6 =	simm.s32 @!p1 $0x1082;
	[sflag:s4] =	ssyncset.s32 $0xFFFFF086  }
0x25: {  	[simem:s6], [sflag:s4] =	dma.local [hbm:s3], $0xF7A  }
0x26: {  	[smem:$0x3F96] =	sst s1;
	(tag) =	ssettag s2;
	_ =	strace s9  }
0x27: {  	s1 =	sld [smem:$0x3FA6]  }
0x28: {  	s2 =	sld [smem:$0x3FA7]  }
0x29: {  	s4 =	sld [smem:$0x3FA9]  }
0x2a: {  	p0 =	seq.s32 s5, $0x0;
	s5 =	sld [smem:$0x3FAA]  }
0x2b: {  	s6 =	sld [smem:$0x3FAB]  }
0x2c: {  	s7 =	sld [smem:$0x3FAC]  }
0x2d: {  	s3 =	simm.s32 $0x108;
	s8 =	sld [smem:$0x3FAD]  }
0x2e: {  	s3 =	simm.s32 @!p0 $0x1082;
	s9 =	sld [smem:$0x3FAE]  }
0x2f: {  	lr =	sadd.s32 s0, s3;
	s0 =	sld [smem:$0x3FA5]  }
0x30: {  	s3 =	sld [smem:$0x3FA8]  }
0x31: {  	[smem:$0x3FB1] =	sst s10  }
0x32: {  	s10 =	sld [smem:$0x3FAF];
	_ =	sdelay $0x3  }
0x33: {  	p0 =	seq.s32 s10, $0x1;
	s10 =	sld [smem:$0x3FB1];
	_ =	sdelay $0x3  }
0x34: {  	[smem:$0x3FB1] =	sst s10  }
0x35: {  	s10 =	sld [smem:$0x3FB0];
	_ =	sdelay $0x3  }
0x36: {  	p1 =	seq.s32 s10, $0x1;
	s10 =	sld [smem:$0x3FB1];
	_ =	sdelay $0x3  }
0x37: {  	[smem:$0x3FB1] =	sst s10  }
0x38: {  	s10 =	sld [smem:$0x3FB2]  }
0x39: {  	_ = 	snop;
	(pc) =	sbr.ind lr, $3  }
0x3a: {  	_ = 	snop  }
0x3b: {  	_ = 	snop  }
0x3c: {  	p2 =	seq.s32 s10, $0x1;
	s10 =	sld [smem:$0x3FB1]  }
0x3d: {  	_ =	shalt  }
0x3e: {  	_ =	shalt  }
0x3f: {  	_ =	shalt  }
0x40: {  	_ =	shalt  }
0x41: {  	_ =	shalt  }
0x42: {  	_ =	shalt  }
0x43: {  	_ =	shalt  }
0x44: {  	_ =	shalt  }
0x45: {  	_ =	shalt  }
0x46: {  	_ =	shalt  }
0x47: {  	_ =	shalt  }
0x48: {  	_ =	shalt  }
0x49: {  	_ =	shalt  }
0x4a: {  	_ =	shalt  }
0x4b: {  	_ =	shalt  }
0x4c: {  	_ =	shalt  }
0x4d: {  	_ =	shalt  }
0x4e: {  	_ =	shalt  }
0x4f: {  	_ =	shalt  }
0x50: {  	_ =	shalt  }
0x51: {  	_ =	shalt  }
0x52: {  	_ =	shalt  }
0x53: {  	_ =	shalt  }
0x54: {  	_ =	shalt  }
0x55: {  	_ =	shalt  }
0x56: {  	_ =	shalt  }
0x57: {  	_ =	shalt  }
0x58: {  	_ =	shalt  }
0x59: {  	_ =	shalt  }
0x5a: {  	_ =	shalt  }
0x5b: {  	_ =	shalt  }
0x5c: {  	_ =	shalt  }
0x5d: {  	_ =	shalt  }
0x5e: {  	_ =	shalt  }
0x5f: {  	_ =	shalt  }
0x60: {  	_ =	shalt  }
0x61: {  	_ =	shalt  }
0x62: {  	_ =	shalt  }
0x63: {  	_ =	shalt  }
0x64: {  	_ =	shalt  }
0x65: {  	_ =	shalt  }
0x66: {  	_ =	shalt  }
0x67: {  	_ =	shalt  }
0x68: {  	_ =	shalt  }
0x69: {  	_ =	shalt  }
0x6a: {  	_ =	shalt  }
0x6b: {  	_ =	shalt  }
0x6c: {  	_ =	shalt  }
0x6d: {  	_ =	shalt  }
0x6e: {  	_ =	shalt  }
0x6f: {  	_ =	shalt  }
0x70: {  	_ =	shalt  }
0x71: {  	_ =	shalt  }
0x72: {  	_ =	shalt  }
0x73: {  	_ =	shalt  }
0x74: {  	_ =	shalt  }
0x75: {  	_ =	shalt  }
0x76: {  	_ =	shalt  }
0x77: {  	_ =	shalt  }
0x78: {  	_ =	shalt  }
0x79: {  	_ =	shalt  }
0x7a: {  	_ =	shalt  }
0x7b: {  	_ =	shalt  }
0x7c: {  	_ =	shalt  }
0x7d: {  	_ =	shalt  }
0x7e: {  	_ =	shalt  }
0x7f: {  	_ =	shalt  }
0x80: {  	_ =	shalt  }
0x81: {  	_ =	shalt  }
0x82: {  	_ =	shalt  }
0x83: {  	_ =	shalt  }
0x84: {  	_ =	shalt  }
0x85: {  	_ =	shalt  }
0x86: {  	_ =	shalt  }
0x87: {  	_ =	shalt  }
.Lfunc_end0:
.L_simem_size_0:
called_computation_lowered:
.L_overlay_start_0:
0x88: {  	s2 =	sld [smem:$0x3FD9]  }
0x89: {  	s3 =	sld [smem:$0x3FFE];
	_ =	sdelay $0x1  }
0x8a: {  	s1 =	srdreg.scid  }
0x8b: {  	s0 =	sand.u32 $0x1, s1  }
0x8c: {  	s17 =	sshll.u32 s0, $0xA;
	s2 =	sadd.s32 s3, s2  }
0x8d: {  	s2 =	sadd.s32 s2, s17  }
0x8e: {  	[smem:$0x3FBD] =	sst s2  }
0x8f: {  	_ = 	snop  }
0x90: {  	s2 =	sld [smem:$0x3FD0];
	(tm) =	ssettm $0x1  }
0x91: {  	s18 =	sld [smem:$0x3FFB];
	_ =	sdelay $0x3  }
0x92: {  	_ =	strace s18  }
0x93: {  	s3 =	sld [smem:$0x3FFC];
	_ =	sdelay $0x3  }
0x94: {  	_ =	strace s3  }
0x95: {  	s3 =	sld [smem:$0x3FFD];
	_ =	sdelay $0x3  }
0x96: {  	_ =	strace s3  }
0x97: {  	_ =	strace $0x8FFFFFFF  }
0x98: {  	s19 =	sld [smem:$0x3FDB];
	_ =	sdelay $0x1  }
0x99: {  	s4 =	simm.s32 $_scs_section_size  }
0x9a: {  	s5 =	simm.s32 $_size__tile_overlayer_lowered;
	s6 =	simm.s32 $_tile_overlayer_lowered  }
0x9b: {  	s22 =	simm.s32 $0x1BFF;
	s21 =	sshll.u32 s6, $0x1;
	s3 =	sadd.s32 s4, s19  }
0x9c: {  	s7 =	simm.s32 $0x0;
	s20 =	sshll.u32 s5, $0x1;
	s5 =	sadd.s32 s21, s3  }
0x9d: {  	[timem:s7], [sflag:s22] =	dma.local [hbm:s5], s20  }
0x9e: {  	_ =	swait.ge [sflag:s22], s20  }
0x9f: {  	s4 =	ssub.s32 $0x0, s20;
	[sflag:s22] =	ssyncset.done $0x0  }
0xa0: {  	[sflag:s22] =	ssyncadd.s32 s4;
	_ =	sdelay $0x1  }
0xa1: {  	s23 =	simm.s32 $0x1B8B  }
0xa2: {  	_ =	swait.ge [sflag:s23], $0x1  }
0xa3: {  	[sflag:s23] =	ssyncset.done $0x0  }
0xa4: {  	s25 =	simm.s32 $0x1B8E;
	s24 =	sld [smem:$0x3FFE];
	[sflag:s23] =	ssyncadd.s32 $0xFFFFFFFF  }
0xa5: {  	s26 =	simm.s32 $execute0_lowered;
	[smem:$0x3FD2] =	sst s25  }
0xa6: {  	s5 =	sshll.u32 s26, $0x1;
	_ =	strace $0x80000046;
	[dreg:$0x1] =	wrdreg $0xFFFFFFFF  }
0xa7: {  	s28 =	simm.s32 $_size_execute0_lowered;
	s3 =	sadd.s32 s3, s5;
	[dreg:$0x0] =	wrdreg $0x0  }
0xa8: {  	s5 =	sshll.u32 s28, $0x1;
	[dreg:$0x2] =	wrdreg s3  }
0xa9: {  	[dreg:$0x3] =	wrdreg s5  }
0xaa: {  	[dreg:$0x4] =	wrdreg $0xC0  }
0xab: {  	_ =	task [dreg:s7], $0x5FFFF  }
0xac: {  	[dreg:$0x1] =	wrdreg $0xFFFFFFFF  }
0xad: {  	[dreg:$0x0] =	wrdreg $0x60  }
0xae: {  	[dreg:$0x2] =	wrdreg s24  }
0xaf: {  	[dreg:$0x3] =	wrdreg s2  }
0xb0: {  	[dreg:$0x4] =	wrdreg $0x165800  }
0xb1: {  	[dreg:$0x5] =	wrdreg $0x168000  }
0xb2: {  	[dreg:$0x6] =	wrdreg $0x16A800  }
0xb3: {  	[dreg:$0x7] =	wrdreg $0x9  }
0xb4: {  	_ =	task.clear_ibuf [dreg:s7], $0x8FFFF;
	_ =	strace $0x90000046  }
0xb5: {  	s29 =	simm.s32 $0x9;
	_ =	strace $0x80000048  }
0xb6: {  	_ =	swait.ge [sflag:s29], $0x1  }
0xb7: {  	[sflag:s29] =	ssyncadd.s32 $0xFFFFFFFF  }
0xb8: {  	_ =	strace $0x90000048  }
0xb9: {  	_ =	sfence  }
0xba: {  	s30 =	sld [smem:$0x0];
	_ =	sdelay $0x2  }
0xbb: {  	s31 =	sshll.u32 s1, $0xD;
	s1 =	sshrl.u32 s1, $0x2  }
0xbc: {  	s3 =	sand.u32 $0x4000, s31;
	s1 =	sadd.s32 s1, s30  }
0xbd: {  	s0 =	sor.u32 s3, s0;
	s1 =	sshll.u32 s1, $0x11  }
0xbe: {  	s0 =	sor.u32 s1, s0  }
0xbf: {  	s0 =	sadd.s32 $0x8F2B, s0  }
0xc0: {  	[sflag:s0] =	ssyncadd.remote.s32 $0x1  }
0xc1: {  	_ =	sfence.sel $0xFFFF  }
0xc2: {  	[dreg:$0x0] =	wrdreg $0xFFFFFFFF;
	(pc) =	sbr.abs _section_cstart, $3  }
0xc3: {  	[dreg:$0x1] =	wrdreg $0xFFFFFFFF  }
0xc4: {  	_ =	task.clear_ibuf [dreg:s7], $0x2FFFF;
	_ =	strace $0x9FFFFFFF  }
0xc5: {  	(tm) =	ssettm $0x7FFFFFFF  }
tec
execute0_lowered:
.L_overlay_start_1:
0x0: {  	(tag) =	ssettag $0x1  }
0x1: {  	s1 =	rddreg [dreg:$0x0]  }
0x2: {  	s2 =	rddreg [dreg:$0x1]  }
0x3: {  	s0 =	rddreg [dreg:$0x2];
	s4 =	srdreg.scid  }
0x4: {  	s3 =	rddreg [dreg:$0x3];
	s10 =	stileid.u32  }
0x5: {  	s5 =	simm.s32 $0x0;
	s19 =	simm.s32 $0x16300;
	s20 =	simm.s32 $0x1  }
0x6: {  	s22 =	simm.s32 $0x4F00;
	s23 =	simm.s32 $0x7680;
	s24 =	simm.s32 $0x11300  }
0x7: {  	s25 =	simm.s32 $0x13A80;
	s26 =	simm.s32 $0x50;
	s28 =	simm.s32 $0x16200  }
0x8: {  	s29 =	simm.s32 $0x16280;
	s7 =	sand.u32 $0x1, s4;
	s4 =	rddreg [dreg:$0x4]  }
0x9: {  	s30 =	simm.s32 $0x0;
	[smem:$0x7FF] =	sst s5;
	s6 =	sshll.u32 s7, $0x4  }
0xa: {  	_ =	strace $0x80000047;
	s9 =	ssub.s32 $0x2, s7;
	s12 =	smul.u32 $0x7800, s7  }
0xb: {  	s6 =	sor.u32 s10, s6;
	s10 =	smul.u32 $0x280, s10;
	s11 =	sshrl.u32 s9, $0x1  }
0xc: {  	s8 =	smul.u32 $0x4E2, s6;
	s6 =	sadd.s32 $0x56CC00, s1;
	s18 =	ssub.s32 s9, s11  }
0xd: {  	s7 =	sadd.s32 s10, s0;
	s9 =	sadd.s32 s10, s4;
	s12 =	sadd.s32 s10, s12  }
0xe: {  	s18 =	smax.u32 s18, $0x1;
	s1 =	sadd.s32 s8, s1;
	s8 =	sadd.s32 s10, s3  }
0xf: {  	s14 =	sshrl.u32 s12, $0x3;
	s10 =	sadd.s32 $0xBA00, s1;
	s11 =	sadd.s32 $0x1C00, s1  }
0x10: {  	s12 =	sadd.s32 $0x15800, s1;
	s13 =	sadd.s32 $0x1F600, s1;
	s14 =	sadd.s32 s2, s14  }
0x11: {  	v0 =	vimm.f32 $0.0e+00;
	s15 =	sadd.s32 $0x29400, s1;
	s16 =	sadd.s32 $0x500, s14;
	s17 =	sadd.s32 $0xA00, s14  }
.LBB2_1:
0x12: {  	[tilespmem:$0x16300] =	vst v0  }
0x13: {  	[tilespmem:$0x16310] =	vst v0  }
0x14: {  	[tilespmem:$0x16320] =	vst v0  }
0x15: {  	[tilespmem:$0x16330] =	vst v0  }
0x16: {  	[tilespmem:$0x16340] =	vst v0  }
0x17: {  	[tilespmem:$0x16350] =	vst v0  }
0x18: {  	[tilespmem:$0x16360] =	vst v0  }
0x19: {  	[tilespmem:$0x16370] =	vst v0  }
0x1a: {  	[tilespmem:$0x16380] =	vst v0  }
0x1b: {  	[tilespmem:$0x16390] =	vst v0  }
0x1c: {  	[tilespmem:$0x163A0] =	vst v0  }
0x1d: {  	[tilespmem:$0x163B0] =	vst v0  }
0x1e: {  	[tilespmem:$0x163C0] =	vst v0  }
0x1f: {  	[tilespmem:$0x163D0] =	vst v0  }
0x20: {  	[tilespmem:$0x163E0] =	vst v0  }
0x21: {  	[tilespmem:$0x163F0] =	vst v0  }
0x22: {  	[tilespmem:$0x16400] =	vst v0  }
0x23: {  	[tilespmem:$0x16410] =	vst v0  }
0x24: {  	[tilespmem:$0x16420] =	vst v0  }
0x25: {  	[tilespmem:$0x16430] =	vst v0  }
0x26: {  	[tilespmem:$0x16440] =	vst v0  }
0x27: {  	[tilespmem:$0x16450] =	vst v0  }
0x28: {  	[tilespmem:$0x16460] =	vst v0  }
0x29: {  	[tilespmem:$0x16470] =	vst v0  }
0x2a: {  	[tilespmem:$0x16480] =	vst v0  }
0x2b: {  	[tilespmem:$0x16490] =	vst v0  }
0x2c: {  	[tilespmem:$0x164A0] =	vst v0  }
0x2d: {  	[tilespmem:$0x164B0] =	vst v0  }
0x2e: {  	[tilespmem:$0x164C0] =	vst v0  }
0x2f: {  	[tilespmem:$0x164D0] =	vst v0  }
0x30: {  	[tilespmem:$0x164E0] =	vst v0  }
0x31: {  	[tilespmem:$0x164F0] =	vst v0  }
0x32: {  	[tilespmem:$0x16500] =	vst v0  }
0x33: {  	[tilespmem:$0x16510] =	vst v0  }
0x34: {  	[tilespmem:$0x16520] =	vst v0  }
0x35: {  	[tilespmem:$0x16530] =	vst v0  }
0x36: {  	[tilespmem:$0x16540] =	vst v0  }
0x37: {  	[tilespmem:$0x16550] =	vst v0  }
0x38: {  	[tilespmem:$0x16560] =	vst v0  }
0x39: {  	[tilespmem:$0x16570] =	vst v0  }
0x3a: {  	[spmem:s7] =	stream.linear.scatter [tilespmem:s19], [sflag:$0x1], $0x280, $0x38;
	[tilespmem:$0x16D00] =	vst v63  }
0x3b: {  	_ =	swait.ge [sflag:s20], $0x280  }
0x3c: {  	[sflag:s20] =	ssyncset.done $0x0  }
0x3d: {  	[sflag:s20] =	ssyncadd.s32 $0xFFFFFD80  }
0x3e: {  	[spmem:s8] =	stream.linear.scatter [tilespmem:s19], [sflag:$0x1], $0x280, $0x38;
	[tilespmem:$0x16D00] =	vst v63  }
0x3f: {  	_ =	swait.ge [sflag:s20], $0x280  }
0x40: {  	[sflag:s20] =	ssyncset.done $0x0  }
0x41: {  	[sflag:s20] =	ssyncadd.s32 $0xFFFFFD80  }
0x42: {  	[spmem:s9] =	stream.linear.scatter [tilespmem:s19], [sflag:$0x1], $0x280, $0x38;
	[tilespmem:$0x16D00] =	vst v63  }
0x43: {  	_ =	swait.ge [sflag:s20], $0x280  }
0x44: {  	[sflag:s20] =	ssyncset.done $0x0  }
0x45: {  	[sflag:s20] =	ssyncadd.s32 $0xFFFFFD80  }
0x46: {  	[bflag:$0x0] =	sbarrier.arrive $0xFFFF  }
0x47: {  	[tilespmem:s5], [sflag:$0x1] =	stream.linear.gather [hbm4b:s10+s5], $0x2710, $0x38;
	[tilespmem:$0x16D00] =	vst v63  }
0x48: {  	_ =	swait.ge [sflag:s20], $0x2710  }
0x49: {  	[sflag:s20] =	ssyncset.done $0x0  }
0x4a: {  	s1 =	simm.s32 $0x2780;
	[sflag:s20] =	ssyncadd.s32 $0xFFFFD8F0  }
0x4b: {  	[tilespmem:s1], [sflag:$0x1] =	stream.linear.gather [hbm4b:s11+s5], $0x2710, $0x38;
	[tilespmem:$0x16D00] =	vst v63  }
0x4c: {  	_ =	swait.ge [sflag:s20], $0x2710  }
0x4d: {  	[sflag:s20] =	ssyncset.done $0x0  }
0x4e: {  	[sflag:s20] =	ssyncadd.s32 $0xFFFFD8F0  }
0x4f: {  	[tilespmem:s22], [sflag:$0x1] =	stream.linear.gather [hbm4b:s12+s5], $0x2710, $0x38;
	[tilespmem:$0x16D00] =	vst v63  }
0x50: {  	_ =	swait.ge [sflag:s20], $0x2710  }
0x51: {  	[sflag:s20] =	ssyncset.done $0x0  }
0x52: {  	[sflag:s20] =	ssyncadd.s32 $0xFFFFD8F0  }
0x53: {  	[tilespmem:s23], [sflag:$0x1] =	stream.linear.gather [hbm4b:s6+s5], $0x9C80, $0x38;
	[tilespmem:$0x16D00] =	vst v63  }
0x54: {  	_ =	swait.ge [sflag:s20], $0x9C80  }
0x55: {  	[sflag:s20] =	ssyncset.done $0x0  }
0x56: {  	s1 =	simm.s32 $0x0;
	[sflag:s20] =	ssyncadd.s32 $0xFFFF6380  }
0x57: {  	v1 =	vld [tilespmem:s1+$0x0]  }
0x58: {  	v2 =	vld [tilespmem:s1+$0x2780];
	_ =	sdelay $0x3  }
0x59: {  	v1 =	vshll.u32 v1, $0x2  }
0x5a: {  	v2 =	vshll.u32 v2, $0x2;
	v3 =	vor.u32 $0x1, v1  }
0x5b: {  	v4 =	vor.u32 $0x2, v2  }
0x5c: {  	v2 =	vor.u32 $0x3, v2;
	_ =	sdelay $0x1  }
0x5d: {  	v1 =	vld.idx.msk [tilespmem:v1+s23+$0x0], $0xffff  }
0x5e: {  	v3 =	vld.idx.msk [tilespmem:v3+s23+$0x0], $0xffff  }
0x5f: {  	v4 =	vld.idx.msk [tilespmem:v4+s23+$0x0], $0xffff  }
0x60: {  	v2 =	vld.idx.msk [tilespmem:v2+s23+$0x0], $0xffff;
	_ =	sdelay $0x3  }
0x61: {  	v1 =	vadd.f32 v4, v1  }
0x62: {  	v2 =	vadd.f32 v2, v3  }
0x63: {  	v3 =	vmul.f32 $2.000000030e-01, v1  }
0x64: {  	vm0 =	vge.f32 v1, $0.0e+00;
	v5 =	vmul.f32 $2.000000030e-01, v2  }
0x65: {  	vm15 =	vge.f32 v2, $0.0e+00;
	v1 =	vsel vm0, v1, v3  }
0x66: {  	v2 =	vsel vm15, v2, v5;
	v1 =	vmul.f32 $1.442695020e+00, v1  }
0x67: {  	v2 =	vmul.f32 $1.442695020e+00, v2  }
0x68: {  	(erf) = vpow2.f32 v1  }
0x69: {  	s2 =	simm.s32 $0x10;
	(erf) = vpow2.f32 v2  }
0x6a: {  	v4 =	vld [tilespmem:s2+$0x0]  }
0x6b: {  	v6 =	vld [tilespmem:s2+$0x2780];
	_ =	sdelay $0x3  }
0x6c: {  	v1 =	vshll.u32 v4, $0x2  }
0x6d: {  	s31 =	simm.s32 $0x80;
	v3 =	vshll.u32 v6, $0x2;
	v2 =	vor.u32 $0x1, v1  }
.LBB2_2:
0x6e: {  	p0 =	sne.s32 s31, $0x9C00;
	v4 =	vor.u32 $0x2, v3;
	v3 =	vor.u32 $0x3, v3;
	v5 =	vpop (erf);
	s21 =	smov.u32 s31;
	s31 =	sadd.s32 $0x40, s31  }
0x6f: {  	[tilespmem:s1+$0x11300] =	vst v5;
	v5 =	vpop (erf)  }
0x70: {  	[tilespmem:s1+$0x13A80] =	vst v5;
	s1 =	smov.u32 s2  }
0x71: {  	v1 =	vld.idx.msk [tilespmem:v1+s23+$0x0], $0xffff  }
0x72: {  	v2 =	vld.idx.msk [tilespmem:v2+s23+$0x0], $0xffff  }
0x73: {  	v4 =	vld.idx.msk [tilespmem:v4+s23+$0x0], $0xffff  }
0x74: {  	v3 =	vld.idx.msk [tilespmem:v3+s23+$0x0], $0xffff;
	_ =	sdelay $0x4  }
0x75: {  	v1 =	vadd.f32 v4, v1  }
0x76: {  	v2 =	vadd.f32 v3, v2  }
0x77: {  	vm0 =	vge.f32 v1, $0.0e+00;
	v3 =	vmul.f32 $2.000000030e-01, v1  }
0x78: {  	vm1 =	vge.f32 v2, $0.0e+00;
	v4 =	vmul.f32 $2.000000030e-01, v2  }
0x79: {  	v1 =	vsel vm0, v1, v3  }
0x7a: {  	v1 =	vmul.f32 $1.442695020e+00, v1;
	v2 =	vsel vm1, v2, v4  }
0x7b: {  	v2 =	vmul.f32 $1.442695020e+00, v2  }
0x7c: {  	(erf) = vpow2.f32 v1  }
0x7d: {  	s2 =	sshra.s32 s21, $0x2;
	(erf) = vpow2.f32 v2  }
0x7e: {  	v1 =	vld [tilespmem:s2+$0x0]  }
0x7f: {  	v2 =	vld [tilespmem:s2+$0x2780]  }
.Ltmp0:
0x80: {  	(pc) =	sbr.rel @p0 .LBB2_2-.Ltmp0, $3  }
0x81: {  	_ =	sdelay $0x1  }
0x82: {  	v1 =	vshll.u32 v1, $0x2  }
0x83: {  	v3 =	vshll.u32 v2, $0x2;
	v2 =	vor.u32 $0x1, v1  }
0x84: {  	_ = 	snop  }
0x85: {  	v4 =	vor.u32 $0x2, v3;
	v5 =	vpop (erf)  }
0x86: {  	v3 =	vor.u32 $0x3, v3;
	[tilespmem:s1+$0x11300] =	vst v5;
	v62 =	vpop (erf)  }
0x87: {  	[tilespmem:s1+$0x13A80] =	vst v62  }
0x88: {  	v1 =	vld.idx.msk [tilespmem:v1+s23+$0x0], $0xffff  }
0x89: {  	v2 =	vld.idx.msk [tilespmem:v2+s23+$0x0], $0xffff  }
0x8a: {  	v4 =	vld.idx.msk [tilespmem:v4+s23+$0x0], $0xffff  }
0x8b: {  	v3 =	vld.idx.msk [tilespmem:v3+s23+$0x0], $0xffff;
	_ =	sdelay $0x3  }
0x8c: {  	v1 =	vadd.f32 v4, v1  }
0x8d: {  	v2 =	vadd.f32 v3, v2  }
0x8e: {  	v3 =	vmul.f32 $2.000000030e-01, v1  }
0x8f: {  	vm0 =	vge.f32 v1, $0.0e+00;
	v63 =	vmul.f32 $2.000000030e-01, v2  }
0x90: {  	vm1 =	vge.f32 v2, $0.0e+00;
	v1 =	vsel vm0, v1, v3  }
0x91: {  	v2 =	vsel vm1, v2, v63;
	v1 =	vmul.f32 $1.442695020e+00, v1  }
0x92: {  	v2 =	vmul.f32 $1.442695020e+00, v2  }
0x93: {  	(erf) = vpow2.f32 v1  }
0x94: {  	(erf) = vpow2.f32 v2;
	_ =	sdelay $0x7  }
0x95: {  	v1 =	vpop (erf)  }
0x96: {  	[tilespmem:s2+$0x11300] =	vst v1;
	v1 =	vpop (erf)  }
0x97: {  	[tilespmem:s2+$0x13A80] =	vst v1;
	s2 =	simm.s32 $0x0  }
0x98: {  	[hbm4b:s13+s2] =	stream.linear.scatter [tilespmem:s24], [sflag:$0x1], $0x2710, $0x38;
	[tilespmem:$0x16D00] =	vst v63  }
0x99: {  	_ =	swait.ge [sflag:s20], $0x2710  }
0x9a: {  	[sflag:s20] =	ssyncset.done $0x0  }
0x9b: {  	[sflag:s20] =	ssyncadd.s32 $0xFFFFD8F0  }
0x9c: {  	[hbm4b:s15+s2] =	stream.linear.scatter [tilespmem:s25], [sflag:$0x1], $0x2710, $0x38;
	[tilespmem:$0x16D00] =	vst v63  }
0x9d: {  	_ =	swait.ge [sflag:s20], $0x2710  }
0x9e: {  	[sflag:s20] =	ssyncset.done $0x0  }
0x9f: {  	s21 =	simm.s32 $0x0;
	[sflag:s20] =	ssyncadd.s32 $0xFFFFD8F0  }
0xa0: {  	v1 =	vld [tilespmem:s21+$0x2780];
	_ =	sdelay $0x4  }
0xa1: {  	[tilespmem:$0x16200] =	vst v1  }
0xa2: {  	v1 =	vld [tilespmem:s21+$0x2790];
	_ =	sdelay $0x4  }
0xa3: {  	[tilespmem:$0x16210] =	vst v1  }
0xa4: {  	v1 =	vld [tilespmem:s21+$0x27A0];
	_ =	sdelay $0x4  }
0xa5: {  	[tilespmem:$0x16220] =	vst v1  }
0xa6: {  	v1 =	vld [tilespmem:s21+$0x27B0];
	_ =	sdelay $0x4  }
0xa7: {  	[tilespmem:$0x16230] =	vst v1  }
0xa8: {  	v1 =	vld [tilespmem:s21+$0x27C0];
	_ =	sdelay $0x4  }
0xa9: {  	[tilespmem:$0x16240] =	vst v1  }
0xaa: {  	v1 =	vld [tilespmem:s21+$0x11300];
	_ =	sdelay $0x4  }
0xab: {  	[tilespmem:$0x16280] =	vst v1  }
0xac: {  	v1 =	vld [tilespmem:s21+$0x11310];
	_ =	sdelay $0x4  }
0xad: {  	[tilespmem:$0x16290] =	vst v1  }
0xae: {  	v1 =	vld [tilespmem:s21+$0x11320];
	_ =	sdelay $0x4  }
0xaf: {  	[tilespmem:$0x162A0] =	vst v1  }
0xb0: {  	v1 =	vld [tilespmem:s21+$0x11330];
	_ =	sdelay $0x4  }
0xb1: {  	[tilespmem:$0x162B0] =	vst v1  }
0xb2: {  	v1 =	vld [tilespmem:s21+$0x11340];
	_ =	sdelay $0x4  }
0xb3: {  	[tilespmem:$0x162C0] =	vst v1  }
0xb4: {  	[spmem:s0] =	stream.indirect.scatter.add.f32 [tilespmem:s29], [sflag:$0x1], $0x1, s28, s26, $0xb8;
	[tilespmem:$0x16D00] =	vst v63  }
0xb5: {  	_ =	swait.ge [sflag:s20], $0x50  }
0xb6: {  	[sflag:s20] =	ssyncset.done $0x0  }
0xb7: {  	[sflag:s20] =	ssyncadd.s32 $0xFFFFFFB0  }
0xb8: {  	v1 =	vld [tilespmem:s21+$0x13A80];
	_ =	sdelay $0x4  }
0xb9: {  	[tilespmem:$0x16280] =	vst v1  }
0xba: {  	v1 =	vld [tilespmem:s21+$0x13A90];
	_ =	sdelay $0x4  }
0xbb: {  	[tilespmem:$0x16290] =	vst v1  }
0xbc: {  	v1 =	vld [tilespmem:s21+$0x13AA0];
	_ =	sdelay $0x4  }
0xbd: {  	[tilespmem:$0x162A0] =	vst v1  }
0xbe: {  	v1 =	vld [tilespmem:s21+$0x13AB0];
	_ =	sdelay $0x4  }
0xbf: {  	[tilespmem:$0x162B0] =	vst v1  }
0xc0: {  	v1 =	vld [tilespmem:s21+$0x13AC0];
	_ =	sdelay $0x4  }
0xc1: {  	[tilespmem:$0x162C0] =	vst v1  }
0xc2: {  	[spmem:s3] =	stream.indirect.scatter.add.f32 [tilespmem:s29], [sflag:$0x1], $0x1, s28, s26, $0xb8;
	[tilespmem:$0x16D00] =	vst v63  }
0xc3: {  	_ =	swait.ge [sflag:s20], $0x50  }
0xc4: {  	[sflag:s20] =	ssyncset.done $0x0  }
0xc5: {  	[sflag:s20] =	ssyncadd.s32 $0xFFFFFFB0  }
0xc6: {  	v1 =	vld [tilespmem:s21+$0x4F00];
	_ =	sdelay $0x4  }
0xc7: {  	[tilespmem:$0x16280] =	vst v1  }
0xc8: {  	v1 =	vld [tilespmem:s21+$0x4F10];
	_ =	sdelay $0x4  }
0xc9: {  	[tilespmem:$0x16290] =	vst v1  }
0xca: {  	v1 =	vld [tilespmem:s21+$0x4F20];
	_ =	sdelay $0x4  }
0xcb: {  	[tilespmem:$0x162A0] =	vst v1  }
0xcc: {  	v1 =	vld [tilespmem:s21+$0x4F30];
	_ =	sdelay $0x4  }
0xcd: {  	[tilespmem:$0x162B0] =	vst v1  }
0xce: {  	v1 =	vld [tilespmem:s21+$0x4F40];
	_ =	sdelay $0x4  }
0xcf: {  	[tilespmem:$0x162C0] =	vst v1  }
0xd0: {  	[spmem:s4] =	stream.indirect.scatter.add.f32 [tilespmem:s29], [sflag:$0x1], $0x1, s28, s26, $0xb8;
	[tilespmem:$0x16D00] =	vst v63  }
0xd1: {  	_ =	swait.ge [sflag:s20], $0x50  }
0xd2: {  	s31 =	simm.s32 $0x140;
	s1 =	simm.s32 $0x280;
	[sflag:s20] =	ssyncset.done $0x0  }
.LBB2_4:
0xd3: {  	s2 =	sshra.s32 s31, $0x2  }
0xd4: {  	[sflag:s20] =	ssyncadd.s32 $0xFFFFFFB0;
	s31 =	smov.u32 s1;
	s21 =	sadd.s32 $0x140, s1  }
0xd5: {  	p0 =	sne.s32 s1, $0x9B00;
	v1 =	vld [tilespmem:s2+$0x2780];
	_ =	sdelay $0x4  }
0xd6: {  	[tilespmem:$0x16200] =	vst v1  }
0xd7: {  	v1 =	vld [tilespmem:s2+$0x2790];
	_ =	sdelay $0x4  }
0xd8: {  	[tilespmem:$0x16210] =	vst v1  }
0xd9: {  	v1 =	vld [tilespmem:s2+$0x27A0];
	_ =	sdelay $0x4  }
0xda: {  	[tilespmem:$0x16220] =	vst v1  }
0xdb: {  	v1 =	vld [tilespmem:s2+$0x27B0];
	_ =	sdelay $0x4  }
0xdc: {  	[tilespmem:$0x16230] =	vst v1  }
0xdd: {  	v1 =	vld [tilespmem:s2+$0x27C0];
	_ =	sdelay $0x4  }
0xde: {  	[tilespmem:$0x16240] =	vst v1  }
0xdf: {  	v1 =	vld [tilespmem:s2+$0x11300];
	_ =	sdelay $0x4  }
0xe0: {  	[tilespmem:$0x16280] =	vst v1  }
0xe1: {  	v1 =	vld [tilespmem:s2+$0x11310];
	_ =	sdelay $0x4  }
0xe2: {  	[tilespmem:$0x16290] =	vst v1  }
0xe3: {  	v1 =	vld [tilespmem:s2+$0x11320];
	_ =	sdelay $0x4  }
0xe4: {  	[tilespmem:$0x162A0] =	vst v1  }
0xe5: {  	v1 =	vld [tilespmem:s2+$0x11330];
	_ =	sdelay $0x4  }
0xe6: {  	[tilespmem:$0x162B0] =	vst v1  }
0xe7: {  	v1 =	vld [tilespmem:s2+$0x11340];
	_ =	sdelay $0x4  }
0xe8: {  	[tilespmem:$0x162C0] =	vst v1  }
0xe9: {  	[spmem:s0] =	stream.indirect.scatter.add.f32 [tilespmem:s29], [sflag:$0x1], $0x1, s28, s26, $0xb8;
	[tilespmem:$0x16D00] =	vst v63  }
0xea: {  	_ =	swait.ge [sflag:s20], $0x50  }
0xeb: {  	[sflag:s20] =	ssyncset.done $0x0  }
0xec: {  	[sflag:s20] =	ssyncadd.s32 $0xFFFFFFB0  }
0xed: {  	v1 =	vld [tilespmem:s2+$0x13A80];
	_ =	sdelay $0x4  }
0xee: {  	[tilespmem:$0x16280] =	vst v1  }
0xef: {  	v1 =	vld [tilespmem:s2+$0x13A90];
	_ =	sdelay $0x4  }
0xf0: {  	[tilespmem:$0x16290] =	vst v1  }
0xf1: {  	v1 =	vld [tilespmem:s2+$0x13AA0];
	_ =	sdelay $0x4  }
0xf2: {  	[tilespmem:$0x162A0] =	vst v1  }
0xf3: {  	v1 =	vld [tilespmem:s2+$0x13AB0];
	_ =	sdelay $0x4  }
0xf4: {  	[tilespmem:$0x162B0] =	vst v1  }
0xf5: {  	v1 =	vld [tilespmem:s2+$0x13AC0];
	_ =	sdelay $0x4  }
0xf6: {  	[tilespmem:$0x162C0] =	vst v1  }
0xf7: {  	[spmem:s3] =	stream.indirect.scatter.add.f32 [tilespmem:s29], [sflag:$0x1], $0x1, s28, s26, $0xb8;
	[tilespmem:$0x16D00] =	vst v63  }
0xf8: {  	_ =	swait.ge [sflag:s20], $0x50  }
0xf9: {  	[sflag:s20] =	ssyncset.done $0x0  }
0xfa: {  	[sflag:s20] =	ssyncadd.s32 $0xFFFFFFB0  }
0xfb: {  	v1 =	vld [tilespmem:s2+$0x4F00];
	_ =	sdelay $0x4  }
0xfc: {  	[tilespmem:$0x16280] =	vst v1  }
0xfd: {  	v1 =	vld [tilespmem:s2+$0x4F10];
	_ =	sdelay $0x4  }
0xfe: {  	[tilespmem:$0x16290] =	vst v1  }
0xff: {  	v1 =	vld [tilespmem:s2+$0x4F20];
	_ =	sdelay $0x4  }
0x100: {  	[tilespmem:$0x162A0] =	vst v1  }
0x101: {  	v1 =	vld [tilespmem:s2+$0x4F30];
	_ =	sdelay $0x4  }
0x102: {  	[tilespmem:$0x162B0] =	vst v1  }
0x103: {  	v1 =	vld [tilespmem:s2+$0x4F40];
	_ =	sdelay $0x3  }
.Ltmp1:
0x104: {  	(pc) =	sbr.rel @p0 .LBB2_4-.Ltmp1, $4  }
0x105: {  	[tilespmem:$0x162C0] =	vst v1  }
0x106: {  	[spmem:s4] =	stream.indirect.scatter.add.f32 [tilespmem:s29], [sflag:$0x1], $0x1, s28, s26, $0xb8;
	[tilespmem:$0x16D00] =	vst v63  }
0x107: {  	_ =	swait.ge [sflag:s20], $0x50  }
0x108: {  	s1 =	smov.u32 s21;
	[sflag:s20] =	ssyncset.done $0x0  }
0x109: {  	s1 =	sshra.s32 s31, $0x2;
	[sflag:s20] =	ssyncadd.s32 $0xFFFFFFB0  }
0x10a: {  	v1 =	vld [tilespmem:s1+$0x2780];
	_ =	sdelay $0x4  }
0x10b: {  	[tilespmem:$0x16200] =	vst v1  }
0x10c: {  	v1 =	vld [tilespmem:s1+$0x2790];
	_ =	sdelay $0x4  }
0x10d: {  	[tilespmem:$0x16210] =	vst v1  }
0x10e: {  	v1 =	vld [tilespmem:s1+$0x27A0];
	_ =	sdelay $0x4  }
0x10f: {  	[tilespmem:$0x16220] =	vst v1  }
0x110: {  	v1 =	vld [tilespmem:s1+$0x27B0];
	_ =	sdelay $0x4  }
0x111: {  	[tilespmem:$0x16230] =	vst v1  }
0x112: {  	v1 =	vld [tilespmem:s1+$0x27C0];
	_ =	sdelay $0x4  }
0x113: {  	[tilespmem:$0x16240] =	vst v1  }
0x114: {  	v1 =	vld [tilespmem:s1+$0x11300];
	_ =	sdelay $0x4  }
0x115: {  	[tilespmem:$0x16280] =	vst v1  }
0x116: {  	v1 =	vld [tilespmem:s1+$0x11310];
	_ =	sdelay $0x4  }
0x117: {  	[tilespmem:$0x16290] =	vst v1  }
0x118: {  	v1 =	vld [tilespmem:s1+$0x11320];
	_ =	sdelay $0x4  }
0x119: {  	[tilespmem:$0x162A0] =	vst v1  }
0x11a: {  	v1 =	vld [tilespmem:s1+$0x11330];
	_ =	sdelay $0x4  }
0x11b: {  	[tilespmem:$0x162B0] =	vst v1  }
0x11c: {  	v1 =	vld [tilespmem:s1+$0x11340];
	_ =	sdelay $0x4  }
0x11d: {  	[tilespmem:$0x162C0] =	vst v1  }
0x11e: {  	[spmem:s0] =	stream.indirect.scatter.add.f32 [tilespmem:s29], [sflag:$0x1], $0x1, s28, s26, $0xb8;
	[tilespmem:$0x16D00] =	vst v63  }
0x11f: {  	_ =	swait.ge [sflag:s20], $0x50  }
0x120: {  	[sflag:s20] =	ssyncset.done $0x0  }
0x121: {  	[sflag:s20] =	ssyncadd.s32 $0xFFFFFFB0  }
0x122: {  	v1 =	vld [tilespmem:s1+$0x13A80];
	_ =	sdelay $0x4  }
0x123: {  	[tilespmem:$0x16280] =	vst v1  }
0x124: {  	v1 =	vld [tilespmem:s1+$0x13A90];
	_ =	sdelay $0x4  }
0x125: {  	[tilespmem:$0x16290] =	vst v1  }
0x126: {  	v1 =	vld [tilespmem:s1+$0x13AA0];
	_ =	sdelay $0x4  }
0x127: {  	[tilespmem:$0x162A0] =	vst v1  }
0x128: {  	v1 =	vld [tilespmem:s1+$0x13AB0];
	_ =	sdelay $0x4  }
0x129: {  	[tilespmem:$0x162B0] =	vst v1  }
0x12a: {  	v1 =	vld [tilespmem:s1+$0x13AC0];
	_ =	sdelay $0x4  }
0x12b: {  	[tilespmem:$0x162C0] =	vst v1  }
0x12c: {  	[spmem:s3] =	stream.indirect.scatter.add.f32 [tilespmem:s29], [sflag:$0x1], $0x1, s28, s26, $0xb8;
	[tilespmem:$0x16D00] =	vst v63  }
0x12d: {  	_ =	swait.ge [sflag:s20], $0x50  }
0x12e: {  	[sflag:s20] =	ssyncset.done $0x0  }
0x12f: {  	[sflag:s20] =	ssyncadd.s32 $0xFFFFFFB0  }
0x130: {  	v1 =	vld [tilespmem:s1+$0x4F00];
	_ =	sdelay $0x4  }
0x131: {  	[tilespmem:$0x16280] =	vst v1  }
0x132: {  	v1 =	vld [tilespmem:s1+$0x4F10];
	_ =	sdelay $0x4  }
0x133: {  	[tilespmem:$0x16290] =	vst v1  }
0x134: {  	v1 =	vld [tilespmem:s1+$0x4F20];
	_ =	sdelay $0x4  }
0x135: {  	[tilespmem:$0x162A0] =	vst v1  }
0x136: {  	v1 =	vld [tilespmem:s1+$0x4F30];
	_ =	sdelay $0x4  }
0x137: {  	[tilespmem:$0x162B0] =	vst v1  }
0x138: {  	v1 =	vld [tilespmem:s1+$0x4F40];
	_ =	sdelay $0x4  }
0x139: {  	[tilespmem:$0x162C0] =	vst v1  }
0x13a: {  	[spmem:s4] =	stream.indirect.scatter.add.f32 [tilespmem:s29], [sflag:$0x1], $0x1, s28, s26, $0xb8;
	[tilespmem:$0x16D00] =	vst v63  }
0x13b: {  	_ =	swait.ge [sflag:s20], $0x50  }
0x13c: {  	[sflag:s20] =	ssyncset.done $0x0  }
0x13d: {  	[sflag:s20] =	ssyncadd.s32 $0xFFFFFFB0  }
0x13e: {  	[bflag:$0x0] =	sbarrier.arrive $0xFFFF  }
0x13f: {  	[tilespmem:s19], [sflag:$0x1] =	stream.linear.gather [spmem:s7], $0x280, $0x38;
	[tilespmem:$0x16D00] =	vst v63  }
0x140: {  	_ =	swait.ge [sflag:s20], $0x280  }
0x141: {  	[sflag:s20] =	ssyncset.done $0x0  }
0x142: {  	[sflag:s20] =	ssyncadd.s32 $0xFFFFFD80  }
0x143: {  	[hbm4b:s14+s5] =	stream.linear.scatter [tilespmem:s19], [sflag:$0x1], $0x280, $0x38;
	[tilespmem:$0x16D00] =	vst v63  }
0x144: {  	_ =	swait.ge [sflag:s20], $0x280  }
0x145: {  	[sflag:s20] =	ssyncset.done $0x0  }
0x146: {  	[sflag:s20] =	ssyncadd.s32 $0xFFFFFD80  }
0x147: {  	[tilespmem:s19], [sflag:$0x1] =	stream.linear.gather [spmem:s8], $0x280, $0x38;
	[tilespmem:$0x16D00] =	vst v63  }
0x148: {  	_ =	swait.ge [sflag:s20], $0x280  }
0x149: {  	[sflag:s20] =	ssyncset.done $0x0  }
0x14a: {  	[sflag:s20] =	ssyncadd.s32 $0xFFFFFD80  }
0x14b: {  	[hbm4b:s16+s5] =	stream.linear.scatter [tilespmem:s19], [sflag:$0x1], $0x280, $0x38;
	[tilespmem:$0x16D00] =	vst v63  }
0x14c: {  	_ =	swait.ge [sflag:s20], $0x280  }
0x14d: {  	[sflag:s20] =	ssyncset.done $0x0  }
0x14e: {  	[sflag:s20] =	ssyncadd.s32 $0xFFFFFD80  }
0x14f: {  	[tilespmem:s19], [sflag:$0x1] =	stream.linear.gather [spmem:s9], $0x280, $0x38;
	[tilespmem:$0x16D00] =	vst v63  }
0x150: {  	s30 =	sadd.s32 $0x1, s30;
	_ =	swait.ge [sflag:s20], $0x280  }
0x151: {  	p0 =	sne.s32 s30, s18;
	[sflag:s20] =	ssyncset.done $0x0  }
.Ltmp2:
0x152: {  	[sflag:s20] =	ssyncadd.s32 $0xFFFFFD80;
	(pc) =	sbr.rel @p0 .LBB2_1-.Ltmp2, $4  }
0x153: {  	[hbm4b:s17+s5] =	stream.linear.scatter [tilespmem:s19], [sflag:$0x1], $0x280, $0x38;
	[tilespmem:$0x16D00] =	vst v63  }
0x154: {  	_ =	swait.ge [sflag:s20], $0x280  }
0x155: {  	[sflag:s20] =	ssyncset.done $0x0  }
0x156: {  	[sflag:s20] =	ssyncadd.s32 $0xFFFFFD80  }
0x157: {  	_ =	sfence.sel $0x180000  }
0x158: {  	[bflag:$0x0] =	sbarrier.arrive $0xFFFF  }
0x159: {  	_ =	strace $0x90000047  }
0x15a: {  	s0 =	stileid.u32;
	[bflag:$0x2] =	sbarrier.arrive $0xFFFF  }
0x15b: {  	p0 =	sne.s32 s0, $0x0;
	s0 =	rddreg [dreg:$0x5]  }
0x15c: {  	s0 =	sadd.s32 @!p0 $0x100000, s0  }
0x15d: {  	[sflag:s0] =	ssyncadd.tile.s32 @!p0 $0x1;
	_ =	shalt  }
.Lfunc_end2:
_tile_overlayer_lowered:
.L_overlay_start_2:
0x15e: {  	(tag) =	ssettag $0x2  }
0x15f: {  	s0 =	rddreg [dreg:$0x0];
	s2 =	stileid.u32  }
0x160: {  	s1 =	rddreg [dreg:$0x1];
	p0 =	sne.s32 s2, $0x0  }
0x161: {  	s3 =	rddreg [dreg:$0x2];
	[bflag:$0x3] =	sbarrier.arrive $0xFFFF;
	s2 =	simm.s32 @!p0 $0x1C01  }
0x162: {  	[timem:s3], [sflag:s2] =	dma.local @!p0 [hbm:s0], s1  }
0x163: {  	s0 =	simm.s32 @!p0 $0x1  }
0x164: {  	_ =	swait.ge @!p0 [sflag:s0], s1  }
0x165: {  	s1 =	ssub.s32 @!p0 $0x0, s1;
	[sflag:s0] =	ssyncset.done @!p0 $0x0  }
0x166: {  	[sflag:s0] =	ssyncadd.s32 @!p0 s1  }
0x167: {  	[bflag:$0x3] =	sbarrier.arrive $0xFFFF  }
0x168: {  	_ =	shalt  }

</sc_bundles>
